<compile_context>
chip_gen: v7x
topology: tpu7x:2x2x1
jax: 0.10.2.dev20260603
libtpu: 0.0.44.dev20260713+nightly
codegen_flags: <defaults>
</compile_context>

<pallas_src>
import functools

import jax
import jax.numpy as jnp
from jax import lax
from jax.experimental import pallas as pl
from jax.experimental.pallas import tpu as pltpu
from jax.experimental.pallas import tpu_sc as plsc

B, S, IN = 16, 512, 256
K = 10
KP = 16
YW = 128
N = B * S
L = 16
NC, NS = 2, 16



def _gat_hs_body(x_ref, wg, bg, ag, h_ref, s_ref):
    x = x_ref[...]
    h_ref[...] = jnp.dot(x, wg[...], preferred_element_type=jnp.float32) + bg[...]
    s_ref[...] = jnp.dot(x, ag[...], preferred_element_type=jnp.float32)


def _y_body(h_ref, al_ref, y_ref):
    h = h_ref[...]
    g = lax.dot_general(al_ref[...], h, (((0,), (0,)), ((), ())),
                        preferred_element_type=jnp.float32)
    y = h + g
    dh = y.shape[-1]
    if dh != YW:
        y = jnp.concatenate([y, jnp.zeros((S, YW - dh), jnp.float32)], axis=-1)
    y_ref[...] = y


def _d2_body(y_ref, sqc_ref, sqr_ref, d_ref, *, dh):
    y = y_ref[...][:, :dh]
    gram = lax.dot_general(y, y, (((1,), (1,)), ((), ())),
                           preferred_element_type=jnp.float32)
    d_ref[...] = (sqc_ref[...] + sqr_ref[0]) - 2.0 * gram


def _pre_body(y_ref, gath, wc, bc, o_ref):
    dh = wc.shape[0] // 2
    yi = y_ref[...][:, :dh]
    yj = gath[...][:, :, :dh]
    edge = jnp.concatenate(
        [jnp.broadcast_to(yi[:, None, :], yj.shape), yj - yi[:, None, :]],
        axis=-1)
    m = lax.dot_general(edge, wc[...], (((2,), (0,)), ((), ())),
                        preferred_element_type=jnp.float32) + bc[...]
    o_ref[...] = jnp.max(m, axis=1)


def _final_body(x3_ref, x1_ref, x2_ref, wp1, wp2, wp3, bp, o_ref):
    o = (jnp.dot(x1_ref[...], wp1[...], preferred_element_type=jnp.float32)
         + jnp.dot(x2_ref[...], wp2[...], preferred_element_type=jnp.float32)
         + jnp.dot(x3_ref[...], wp3[...], preferred_element_type=jnp.float32)
         + bp[...])
    nrm = jnp.sqrt(jnp.sum(o * o, axis=-1, keepdims=True))
    o_ref[...] = o / (nrm + 1e-9)



def _seg_spec(d):
    return pl.BlockSpec((S, d), lambda i: (i, 0))


def _gath_spec():
    return pl.BlockSpec((S, KP, YW), lambda i: (i, 0, 0))


def _full_spec(shape):
    nd = len(shape)
    return pl.BlockSpec(shape, lambda i, _n=nd: (0,) * _n)


def _out(d):
    return jax.ShapeDtypeStruct((N, d), jnp.float32)


def _tc_gat_hs(x, wg, bg, ag, din, dh):
    return pl.pallas_call(
        _gat_hs_body, grid=(B,),
        in_specs=[_seg_spec(din)] + [_full_spec(w.shape) for w in (wg, bg, ag)],
        out_specs=[_seg_spec(dh), _seg_spec(1)],
        out_shape=[_out(dh), _out(1)],
    )(x, wg, bg, ag)


def _tc_y(h, al, dh):
    return pl.pallas_call(
        _y_body, grid=(B,),
        in_specs=[_seg_spec(dh), _seg_spec(1)],
        out_specs=_seg_spec(YW),
        out_shape=_out(YW),
    )(h, al)


def _tc_d2(y, sqc, sqr, dh):
    return pl.pallas_call(
        functools.partial(_d2_body, dh=dh), grid=(B,),
        in_specs=[_seg_spec(YW), _seg_spec(1),
                  pl.BlockSpec((1, 1, S), lambda i: (i, 0, 0))],
        out_specs=_seg_spec(S),
        out_shape=_out(S),
    )(y, sqc, sqr)


def _tc_pre(y, gath, wc, bc, dout):
    return pl.pallas_call(
        _pre_body, grid=(B,),
        in_specs=[_seg_spec(YW), _gath_spec(),
                  _full_spec(wc.shape), _full_spec(bc.shape)],
        out_specs=_seg_spec(dout),
        out_shape=_out(dout),
    )(y, gath, wc, bc)


def _tc_final(x3, x1, x2, wp1, wp2, wp3, bp):
    return pl.pallas_call(
        _final_body, grid=(B,),
        in_specs=[_seg_spec(128), _seg_spec(128), _seg_spec(64)]
        + [_full_spec(w.shape) for w in (wp1, wp2, wp3, bp)],
        out_specs=pl.BlockSpec((S, 128), lambda i: (i, 0)),
        out_shape=jax.ShapeDtypeStruct((N, 128), jnp.float32),
    )(x3, x1, x2, wp1, wp2, wp3, bp)



def _sc_gather_nbrs(dsel, ypad):
    NW = NC * NS
    RPW = N // NW
    CH = 8
    mesh = plsc.VectorSubcoreMesh(core_axis_name="c", subcore_axis_name="s")

    @functools.partial(
        pl.kernel,
        out_type=jax.ShapeDtypeStruct((N * KP, YW), jnp.float32),
        mesh=mesh,
        compiler_params=pltpu.CompilerParams(needs_layout_passes=False),
        scratch_types=[
            pltpu.VMEM((CH, S), jnp.float32),
            pltpu.VMEM((CH * KP,), jnp.int32),
            pltpu.VMEM((CH * KP, YW), jnp.float32),
            pltpu.SemaphoreType.DMA,
        ],
    )
    def k(d_hbm, y_hbm, out_hbm, dv, iv, gv, sem):
        wid = lax.axis_index("s") * NC + lax.axis_index("c")
        base = wid * RPW
        segb = (base // S) * S
        lanes = lax.iota(jnp.int32, L)
        lane0 = lanes == 0

        def chunk(c, _):
            row0 = base + c * CH
            pltpu.sync_copy(d_hbm.at[pl.ds(row0, CH)], dv)

            def topk_row(r, _):
                def one_pass(p, carry):
                    m1 = jnp.full((L,), jnp.inf, jnp.float32)
                    i1 = jnp.zeros((L,), jnp.int32)
                    m2 = jnp.full((L,), jnp.inf, jnp.float32)
                    i2 = jnp.zeros((L,), jnp.int32)
                    g1 = lanes
                    g2 = lanes + (S // 2)
                    for cc in range(0, S // (2 * L)):
                        v1 = dv[r, pl.ds(cc * L, L)]
                        lt1 = v1 < m1
                        m1 = jnp.where(lt1, v1, m1)
                        i1 = jnp.where(lt1, g1, i1)
                        g1 = g1 + L
                        v2 = dv[r, pl.ds(S // 2 + cc * L, L)]
                        lt2 = v2 < m2
                        m2 = jnp.where(lt2, v2, m2)
                        i2 = jnp.where(lt2, g2, i2)
                        g2 = g2 + L
                    lt = m2 < m1
                    m1 = jnp.where(lt, m2, m1)
                    i1 = jnp.where(lt, i2, i1)
                    smin = jnp.min(m1)
                    li = jnp.min(jnp.where(m1 == smin, i1, jnp.int32(S)))
                    liv = jnp.full((L,), li, jnp.int32)
                    plsc.store_scatter(
                        iv, [jnp.full((L,), r * KP + p, jnp.int32)],
                        liv + segb, mask=lane0)
                    plsc.store_scatter(
                        iv, [jnp.full((L,), r * KP + K + p, jnp.int32)],
                        liv + segb, mask=lane0 & (p < KP - K))
                    plsc.store_scatter(
                        dv, [jnp.full((L,), r, jnp.int32), liv],
                        jnp.full((L,), jnp.inf, jnp.float32), mask=lane0)
                    return carry

                lax.fori_loop(0, K, one_pass, 0)
                return 0

            lax.fori_loop(0, CH, topk_row, 0)
            pltpu.async_copy(y_hbm.at[iv], gv, sem).wait()
            pltpu.sync_copy(gv, out_hbm.at[pl.ds(row0 * KP, CH * KP)])
            return 0

        lax.fori_loop(0, RPW // CH, chunk, 0)

    return k(dsel, ypad)



def kernel(obj_encs, n_nodes, W_g1, b_g1, a_g1, W_c1, b_c1, ln_g1, ln_b1,
           W_g2, b_g2, a_g2, W_c2, b_c2, ln_g2, ln_b2,
           W_g3, b_g3, a_g3, W_c3, b_c3, ln_g3, ln_b3, W_p, b_p):
    del n_nodes
    dims = [(IN, 128, 128), (128, 64, 64), (64, 32, 128)]
    layers = [
        (W_g1, b_g1, a_g1, W_c1, b_c1, ln_g1, ln_b1),
        (W_g2, b_g2, a_g2, W_c2, b_c2, ln_g2, ln_b2),
        (W_g3, b_g3, a_g3, W_c3, b_c3, ln_g3, ln_b3),
    ]

    def softmax_glue(s):
        s = lax.optimization_barrier(s)
        return lax.optimization_barrier(
            jax.nn.softmax(s.reshape(B, S), axis=1)).reshape(N, 1)

    def sq_glue(y, dh):
        y = lax.optimization_barrier(y)
        yr = y[:, :dh].reshape(B, S, dh)
        sq = lax.optimization_barrier(jnp.sum(yr * yr, axis=-1))
        return sq.reshape(N, 1), sq.reshape(B, 1, S)

    def ln_selu_glue(pre, lg, lb, dout):
        z = lax.optimization_barrier(pre).reshape(B, S, dout)
        mu = jnp.mean(z, axis=-1, keepdims=True)
        var = jnp.var(z, axis=-1, keepdims=True)
        z = (z - mu) / jnp.sqrt(var + 1e-5) * lg + lb
        return lax.optimization_barrier(jax.nn.selu(z)).reshape(N, dout)

    xs = []
    x = obj_encs
    for i in range(3):
        din, dh, dout = dims[i]
        wg, bg, ag, wc, bc, lg, lb = layers[i]
        h, s = _tc_gat_hs(x, wg, bg.reshape(1, -1), ag.reshape(-1, 1), din, dh)
        al = softmax_glue(s)
        y = _tc_y(h, al, dh)
        sqc, sqr = sq_glue(y, dh)
        d = _tc_d2(y, sqc, sqr, dh)
        gath = _sc_gather_nbrs(d, y).reshape(N, KP, YW)
        pre = _tc_pre(y, gath, wc, bc.reshape(1, -1), dout)
        x = ln_selu_glue(pre, lg, lb, dout)
        if i < 2:
            xs.append(x)

    out = _tc_final(x, xs[0], xs[1],
                    W_p[:128], W_p[128:192], W_p[192:],
                    b_p.reshape(1, -1))
    return out

# --- scband reference (transcript-rebuilt; emitter-appended) ---
"""Pipeline reference for scband-cross-object-encoder-69355131896072 (READ-ONLY COPY).

The authoritative reference and input builder live on the scoring server;
editing this copy changes nothing except your own understanding.
"""

import jax, jax.numpy as jnp
import numpy as np

B, S, IN = 16, 512, 256
K = 10

def _glorot(key, shape):
    fan_in = shape[0]
    return jax.random.normal(key, shape, dtype=jnp.float32) / jnp.sqrt(float(fan_in))

def setup_inputs(seed: int = 0):
    key = jax.random.key(seed)
    ks = jax.random.split(key, 32)
    inp = {}
    inp["obj_encs"] = jax.random.normal(ks[0], (B * S, IN), dtype=jnp.float32)
    inp["n_nodes"] = jnp.full((B,), S, dtype=jnp.int32)
    dims = [(256, 128, 128), (128, 64, 64), (64, 32, 128)]
    ki = 1
    for i, (din, dh, dout) in enumerate(dims, start=1):
        inp[f"W_g{i}"] = _glorot(ks[ki], (din, dh)); ki += 1
        inp[f"b_g{i}"] = jnp.zeros((dh,), jnp.float32)
        inp[f"a_g{i}"] = _glorot(ks[ki], (din,)); ki += 1
        inp[f"W_c{i}"] = _glorot(ks[ki], (2 * dh, dout)); ki += 1
        inp[f"b_c{i}"] = jnp.zeros((dout,), jnp.float32)
        inp[f"ln_g{i}"] = jnp.ones((dout,), jnp.float32)
        inp[f"ln_b{i}"] = jnp.zeros((dout,), jnp.float32)
    inp["W_p"] = _glorot(ks[ki], (320, 128)); ki += 1
    inp["b_p"] = jnp.zeros((128,), jnp.float32)
    return inp

def _gat(x, W, b, a):
    # SelfGraphAttentionLinear: per-segment attention-pooled global context + residual
    h = jnp.einsum("bsd,dh->bsh", x, W) + b
    s = jnp.einsum("bsd,d->bs", x, a)
    al = jax.nn.softmax(s, axis=1)
    g = jnp.einsum("bs,bsh->bh", al, h)
    return h + g[:, None, :]

def _graph_conv(x, W, b, gamma, beta):
    # GraphConv: dynamic kNN graph (k=10) per segment, local+global edge feats,
    # linear, max reduction, LayerNorm, SELU
    sq = jnp.sum(x * x, axis=-1)
    d2 = sq[:, :, None] + sq[:, None, :] - 2.0 * jnp.einsum("bsd,btd->bst", x, x)
    _, idx = jax.lax.top_k(-d2, K)
    xj = jax.vmap(lambda xb, ib: xb[ib])(x, idx)
    xi = x[:, :, None, :]
    edge = jnp.concatenate([jnp.broadcast_to(xi, xj.shape), xj - xi], axis=-1)
    m = jnp.einsum("bske,eo->bsko", edge, W) + b
    out = jnp.max(m, axis=2)
    mu = jnp.mean(out, axis=-1, keepdims=True)
    var = jnp.var(out, axis=-1, keepdims=True)
    out = (out - mu) / jnp.sqrt(var + 1e-5) * gamma + beta
    return jax.nn.selu(out)

def reference(obj_encs, n_nodes, W_g1, b_g1, a_g1, W_c1, b_c1, ln_g1, ln_b1, W_g2, b_g2, a_g2, W_c2, b_c2, ln_g2, ln_b2, W_g3, b_g3, a_g3, W_c3, b_c3, ln_g3, ln_b3, W_p, b_p):
    x = obj_encs.reshape(B, S, IN)
    x1 = _graph_conv(_gat(x, W_g1, b_g1, a_g1), W_c1, b_c1, ln_g1, ln_b1)
    x2 = _graph_conv(_gat(x1, W_g2, b_g2, a_g2), W_c2, b_c2, ln_g2, ln_b2)
    x3 = _graph_conv(_gat(x2, W_g3, b_g3, a_g3), W_c3, b_c3, ln_g3, ln_b3)
    cat = jnp.concatenate([x1, x2, x3], axis=-1)
    out = jnp.einsum("bsf,fo->bso", cat, W_p) + b_p
    out = out / (jnp.linalg.norm(out, axis=-1, keepdims=True) + 1e-9)
    return out.reshape(B * S, 128)

if __name__ == "__main__":
    import jax
    _d = setup_inputs()
    print(jax.jit(kernel)(*tuple(_d.values())))

</pallas_src>

<mosaic_0001>
#map = affine_map<(d0, d1) -> (0, 0)>
module attributes {stable_mosaic.version = 14 : i64} {
  func.func @k(%arg0: i32, %arg1: i32, %arg2: memref<8192x512xf32, #tpu.memory_space<hbm>>, %arg3: memref<8192x128xf32, #tpu.memory_space<hbm>>, %arg4: memref<131072x128xf32, #tpu.memory_space<hbm>>, %arg5: memref<8x512xf32, #tpu.memory_space<vmem>>, %arg6: memref<128xi32, #tpu.memory_space<vmem>>, %arg7: memref<128x128xf32, #tpu.memory_space<vmem>>, %arg8: memref<!tpu.dma_semaphore, #tpu.memory_space<semaphore_mem>>) attributes {dimension_semantics = [#tpu.dimension_semantics<core_parallel>, #tpu.dimension_semantics<subcore_parallel>], iteration_bounds = array<i64: 2, 16>, scalar_prefetch = 0 : i64, scratch_operands = 4 : i64, tpu.core_type = #tpu.core_type<sc_vector_subcore>, window_params = [{transform_indices = #map}, {transform_indices = #map}, {transform_indices = #map}]} {
    %mul3A = arith.constant 2 : i32
    %mul3A_0 = arith.muli %arg1, %mul3A : i32
    %add3A = arith.addi %mul3A_0, %arg0 : i32
    %mul3A_1 = arith.constant 256 : i32
    %mul3A_2 = arith.muli %add3A, %mul3A_1 : i32
    %jit3A = arith.constant 512 : i32
    %div3A = arith.divsi %mul3A_2, %jit3A : i32
    %sign3A = arith.constant 0 : i32
    %sign3A_3 = arith.cmpi sgt, %mul3A_2, %sign3A : i32
    %sign3A_4 = arith.extui %sign3A_3 : i1 to i32
    %sign3A_5 = arith.constant 0 : i32
    %sign3A_6 = arith.cmpi slt, %mul3A_2, %sign3A_5 : i32
    %sign3A_7 = arith.extui %sign3A_6 : i1 to i32
    %sign3A_8 = arith.subi %sign3A_4, %sign3A_7 : i32
    %sign3A_9 = arith.constant 0 : i32
    %sign3A_10 = arith.cmpi sgt, %jit3A, %sign3A_9 : i32
    %sign3A_11 = arith.extui %sign3A_10 : i1 to i32
    %sign3A_12 = arith.constant 0 : i32
    %sign3A_13 = arith.cmpi slt, %jit3A, %sign3A_12 : i32
    %sign3A_14 = arith.extui %sign3A_13 : i1 to i32
    %sign3A_15 = arith.subi %sign3A_11, %sign3A_14 : i32
    %ne3A = arith.cmpi ne, %sign3A_8, %sign3A_15 : i32
    %rem3A = arith.remsi %mul3A_2, %jit3A : i32
    %ne3A_16 = arith.constant 0 : i32
    %ne3A_17 = arith.cmpi ne, %rem3A, %ne3A_16 : i32
    %and3A = arith.andi %ne3A, %ne3A_17 : i1
    %sub3A = arith.constant 1 : i32
    %sub3A_18 = arith.subi %div3A, %sub3A : i32
    %select_n3A = arith.select %and3A, %sub3A_18, %div3A : i32
    %mul3A_19 = arith.constant 512 : i32
    %mul3A_20 = arith.muli %select_n3A, %mul3A_19 : i32
    %iota3A = tpu.iota {dimensions = array<i32: 0>} : vector<16xi32>
    %eq3A = arith.constant 0 : i32
    %eq3A_21 = vector.broadcast %eq3A : i32 to vector<16xi32>
    %eq3A_22 = arith.cmpi eq, %iota3A, %eq3A_21 : vector<16xi32>
    %scan3A = arith.constant 0 : i32
    %scan3A_23 = arith.constant 0 : i32
    %scan3A_24 = arith.constant 32 : i32
    %scan3A_25 = arith.addi %scan3A_23, %scan3A_24 : i32
    %scan3A_26 = arith.constant 1 : i32
    %scan3A_27 = scf.for %scan3A_29 = %scan3A_23 to %scan3A_25 step %scan3A_26 iter_args(%scan3A_30 = %scan3A) -> (i32)  : i32 {
      %mul3A_31 = arith.constant 8 : i32
      %mul3A_32 = arith.muli %scan3A_29, %mul3A_31 : i32
      %add3A_33 = arith.addi %mul3A_2, %mul3A_32 : i32
      "tpu.region"() ({
        %run_scoped3A = tpu.sem_alloc : memref<!tpu.dma_semaphore, #tpu.memory_space<semaphore_mem>>
        %dma_start3A_48 = arith.constant 0 : i32
        %dma_start3A_49 = tpu.memref_slice %arg2[%add3A_33, %dma_start3A_48] : memref<8192x512xf32, #tpu.memory_space<hbm>> -> memref<8x512xf32, #tpu.memory_space<hbm>>
        %dma_start3A_50 = arith.constant 0 : i32
        %dma_start3A_51 = tpu.memref_slice %arg2[%add3A_33, %dma_start3A_50] : memref<8192x512xf32, #tpu.memory_space<hbm>> -> memref<8x512xf32, #tpu.memory_space<hbm>>
        tpu.enqueue_dma source(%dma_start3A_51 : memref<8x512xf32, #tpu.memory_space<hbm>>) target(%arg5 : memref<8x512xf32, #tpu.memory_space<vmem>>) target_semaphore(%run_scoped3A : memref<!tpu.dma_semaphore, #tpu.memory_space<semaphore_mem>>)
        %dma_wait3A_52 = arith.constant 0 : i32
        %dma_wait3A_53 = tpu.memref_slice %arg2[%add3A_33, %dma_wait3A_52] : memref<8192x512xf32, #tpu.memory_space<hbm>> -> memref<8x512xf32, #tpu.memory_space<hbm>>
        %dma_wait3A_54 = arith.constant 0 : i32
        %dma_wait3A_55 = tpu.memref_slice %arg2[%add3A_33, %dma_wait3A_54] : memref<8192x512xf32, #tpu.memory_space<hbm>> -> memref<8x512xf32, #tpu.memory_space<hbm>>
        tpu.wait_dma2 semaphore(%run_scoped3A : memref<!tpu.dma_semaphore, #tpu.memory_space<semaphore_mem>>) src(%dma_wait3A_55 : memref<8x512xf32, #tpu.memory_space<hbm>>) dst(%arg5 : memref<8x512xf32, #tpu.memory_space<vmem>>)
        tpu.yield
      }) : () -> ()
      %scan3A_34 = arith.constant 0 : i32
      %scan3A_35 = arith.constant 0 : i32
      %scan3A_36 = arith.constant 8 : i32
      %scan3A_37 = arith.addi %scan3A_35, %scan3A_36 : i32
      %scan3A_38 = arith.constant 1 : i32
      %scan3A_39 = scf.for %scan3A_48 = %scan3A_35 to %scan3A_37 step %scan3A_38 iter_args(%scan3A_49 = %scan3A_34) -> (i32)  : i32 {
        %scan3A_50 = arith.constant 0 : i32
        %scan3A_51 = arith.constant 0 : i32
        %scan3A_52 = arith.constant 10 : i32
        %scan3A_53 = arith.addi %scan3A_51, %scan3A_52 : i32
        %scan3A_54 = arith.constant 1 : i32
        scf.for %scan3A_57 = %scan3A_51 to %scan3A_53 step %scan3A_54  : i32 {
          %broadcast_in_dim3A = arith.constant 0x7F800000 : f32
          %broadcast_in_dim3A_58 = vector.broadcast %broadcast_in_dim3A : f32 to vector<16xf32>
          %broadcast_in_dim3A_59 = arith.constant 0 : i32
          %broadcast_in_dim3A_60 = vector.broadcast %broadcast_in_dim3A_59 : i32 to vector<16xi32>
          %broadcast_in_dim3A_61 = arith.constant 0x7F800000 : f32
          %broadcast_in_dim3A_62 = vector.broadcast %broadcast_in_dim3A_61 : f32 to vector<16xf32>
          %broadcast_in_dim3A_63 = arith.constant 0 : i32
          %broadcast_in_dim3A_64 = vector.broadcast %broadcast_in_dim3A_63 : i32 to vector<16xi32>
          %add3A_65 = arith.constant 256 : i32
          %add3A_66 = vector.broadcast %add3A_65 : i32 to vector<16xi32>
          %add3A_67 = arith.addi %iota3A, %add3A_66 : vector<16xi32>
          %get3A = arith.index_cast %scan3A_48 : i32 to index
          %get3A_68 = arith.constant 0 : index
          %get3A_69 = tpu.vector_load %arg5[%get3A, %get3A_68] {strides = array<i32>} : memref<8x512xf32, #tpu.memory_space<vmem>>, vector<16xf32>,
          %lt3A = arith.cmpf olt, %get3A_69, %broadcast_in_dim3A_58 : vector<16xf32>
          %select_n3A_70 = arith.select %lt3A, %get3A_69, %broadcast_in_dim3A_58 : vector<16xi1>, vector<16xf32>
          %select_n3A_71 = arith.select %lt3A, %iota3A, %broadcast_in_dim3A_60 : vector<16xi1>, vector<16xi32>
          %add3A_72 = arith.constant 16 : i32
          %add3A_73 = vector.broadcast %add3A_72 : i32 to vector<16xi32>
          %add3A_74 = arith.addi %iota3A, %add3A_73 : vector<16xi32>
          %get3A_75 = arith.index_cast %scan3A_48 : i32 to index
          %get3A_76 = arith.constant 256 : index
          %get3A_77 = tpu.vector_load %arg5[%get3A_75, %get3A_76] {strides = array<i32>} : memref<8x512xf32, #tpu.memory_space<vmem>>, vector<16xf32>,
          %lt3A_78 = arith.cmpf olt, %get3A_77, %broadcast_in_dim3A_62 : vector<16xf32>
          %select_n3A_79 = arith.select %lt3A_78, %get3A_77, %broadcast_in_dim3A_62 : vector<16xi1>, vector<16xf32>
          %select_n3A_80 = arith.select %lt3A_78, %add3A_67, %broadcast_in_dim3A_64 : vector<16xi1>, vector<16xi32>
          %add3A_81 = arith.constant 16 : i32
          %add3A_82 = vector.broadcast %add3A_81 : i32 to vector<16xi32>
          %add3A_83 = arith.addi %add3A_67, %add3A_82 : vector<16xi32>
          %get3A_84 = arith.index_cast %scan3A_48 : i32 to index
          %get3A_85 = arith.constant 16 : index
          %get3A_86 = tpu.vector_load %arg5[%get3A_84, %get3A_85] {strides = array<i32>} : memref<8x512xf32, #tpu.memory_space<vmem>>, vector<16xf32>,
          %lt3A_87 = arith.cmpf olt, %get3A_86, %select_n3A_70 : vector<16xf32>
          %select_n3A_88 = arith.select %lt3A_87, %get3A_86, %select_n3A_70 : vector<16xi1>, vector<16xf32>
          %select_n3A_89 = arith.select %lt3A_87, %add3A_74, %select_n3A_71 : vector<16xi1>, vector<16xi32>
          %add3A_90 = arith.constant 16 : i32
          %add3A_91 = vector.broadcast %add3A_90 : i32 to vector<16xi32>
          %add3A_92 = arith.addi %add3A_74, %add3A_91 : vector<16xi32>
          %get3A_93 = arith.index_cast %scan3A_48 : i32 to index
          %get3A_94 = arith.constant 272 : index
          %get3A_95 = tpu.vector_load %arg5[%get3A_93, %get3A_94] {strides = array<i32>} : memref<8x512xf32, #tpu.memory_space<vmem>>, vector<16xf32>,
          %lt3A_96 = arith.cmpf olt, %get3A_95, %select_n3A_79 : vector<16xf32>
          %select_n3A_97 = arith.select %lt3A_96, %get3A_95, %select_n3A_79 : vector<16xi1>, vector<16xf32>
          %select_n3A_98 = arith.select %lt3A_96, %add3A_83, %select_n3A_80 : vector<16xi1>, vector<16xi32>
          %add3A_99 = arith.constant 16 : i32
          %add3A_100 = vector.broadcast %add3A_99 : i32 to vector<16xi32>
          %add3A_101 = arith.addi %add3A_83, %add3A_100 : vector<16xi32>
          %get3A_102 = arith.index_cast %scan3A_48 : i32 to index
          %get3A_103 = arith.constant 32 : index
          %get3A_104 = tpu.vector_load %arg5[%get3A_102, %get3A_103] {strides = array<i32>} : memref<8x512xf32, #tpu.memory_space<vmem>>, vector<16xf32>,
          %lt3A_105 = arith.cmpf olt, %get3A_104, %select_n3A_88 : vector<16xf32>
          %select_n3A_106 = arith.select %lt3A_105, %get3A_104, %select_n3A_88 : vector<16xi1>, vector<16xf32>
          %select_n3A_107 = arith.select %lt3A_105, %add3A_92, %select_n3A_89 : vector<16xi1>, vector<16xi32>
          %add3A_108 = arith.constant 16 : i32
          %add3A_109 = vector.broadcast %add3A_108 : i32 to vector<16xi32>
          %add3A_110 = arith.addi %add3A_92, %add3A_109 : vector<16xi32>
          %get3A_111 = arith.index_cast %scan3A_48 : i32 to index
          %get3A_112 = arith.constant 288 : index
          %get3A_113 = tpu.vector_load %arg5[%get3A_111, %get3A_112] {strides = array<i32>} : memref<8x512xf32, #tpu.memory_space<vmem>>, vector<16xf32>,
          %lt3A_114 = arith.cmpf olt, %get3A_113, %select_n3A_97 : vector<16xf32>
          %select_n3A_115 = arith.select %lt3A_114, %get3A_113, %select_n3A_97 : vector<16xi1>, vector<16xf32>
          %select_n3A_116 = arith.select %lt3A_114, %add3A_101, %select_n3A_98 : vector<16xi1>, vector<16xi32>
          %add3A_117 = arith.constant 16 : i32
          %add3A_118 = vector.broadcast %add3A_117 : i32 to vector<16xi32>
          %add3A_119 = arith.addi %add3A_101, %add3A_118 : vector<16xi32>
          %get3A_120 = arith.index_cast %scan3A_48 : i32 to index
          %get3A_121 = arith.constant 48 : index
          %get3A_122 = tpu.vector_load %arg5[%get3A_120, %get3A_121] {strides = array<i32>} : memref<8x512xf32, #tpu.memory_space<vmem>>, vector<16xf32>,
          %lt3A_123 = arith.cmpf olt, %get3A_122, %select_n3A_106 : vector<16xf32>
          %select_n3A_124 = arith.select %lt3A_123, %get3A_122, %select_n3A_106 : vector<16xi1>, vector<16xf32>
          %select_n3A_125 = arith.select %lt3A_123, %add3A_110, %select_n3A_107 : vector<16xi1>, vector<16xi32>
          %add3A_126 = arith.constant 16 : i32
          %add3A_127 = vector.broadcast %add3A_126 : i32 to vector<16xi32>
          %add3A_128 = arith.addi %add3A_110, %add3A_127 : vector<16xi32>
          %get3A_129 = arith.index_cast %scan3A_48 : i32 to index
          %get3A_130 = arith.constant 304 : index
          %get3A_131 = tpu.vector_load %arg5[%get3A_129, %get3A_130] {strides = array<i32>} : memref<8x512xf32, #tpu.memory_space<vmem>>, vector<16xf32>,
          %lt3A_132 = arith.cmpf olt, %get3A_131, %select_n3A_115 : vector<16xf32>
          %select_n3A_133 = arith.select %lt3A_132, %get3A_131, %select_n3A_115 : vector<16xi1>, vector<16xf32>
          %select_n3A_134 = arith.select %lt3A_132, %add3A_119, %select_n3A_116 : vector<16xi1>, vector<16xi32>
          %add3A_135 = arith.constant 16 : i32
          %add3A_136 = vector.broadcast %add3A_135 : i32 to vector<16xi32>
          %add3A_137 = arith.addi %add3A_119, %add3A_136 : vector<16xi32>
          %get3A_138 = arith.index_cast %scan3A_48 : i32 to index
          %get3A_139 = arith.constant 64 : index
          %get3A_140 = tpu.vector_load %arg5[%get3A_138, %get3A_139] {strides = array<i32>} : memref<8x512xf32, #tpu.memory_space<vmem>>, vector<16xf32>,
          %lt3A_141 = arith.cmpf olt, %get3A_140, %select_n3A_124 : vector<16xf32>
          %select_n3A_142 = arith.select %lt3A_141, %get3A_140, %select_n3A_124 : vector<16xi1>, vector<16xf32>
          %select_n3A_143 = arith.select %lt3A_141, %add3A_128, %select_n3A_125 : vector<16xi1>, vector<16xi32>
          %add3A_144 = arith.constant 16 : i32
          %add3A_145 = vector.broadcast %add3A_144 : i32 to vector<16xi32>
          %add3A_146 = arith.addi %add3A_128, %add3A_145 : vector<16xi32>
          %get3A_147 = arith.index_cast %scan3A_48 : i32 to index
          %get3A_148 = arith.constant 320 : index
          %get3A_149 = tpu.vector_load %arg5[%get3A_147, %get3A_148] {strides = array<i32>} : memref<8x512xf32, #tpu.memory_space<vmem>>, vector<16xf32>,
          %lt3A_150 = arith.cmpf olt, %get3A_149, %select_n3A_133 : vector<16xf32>
          %select_n3A_151 = arith.select %lt3A_150, %get3A_149, %select_n3A_133 : vector<16xi1>, vector<16xf32>
          %select_n3A_152 = arith.select %lt3A_150, %add3A_137, %select_n3A_134 : vector<16xi1>, vector<16xi32>
          %add3A_153 = arith.constant 16 : i32
          %add3A_154 = vector.broadcast %add3A_153 : i32 to vector<16xi32>
          %add3A_155 = arith.addi %add3A_137, %add3A_154 : vector<16xi32>
          %get3A_156 = arith.index_cast %scan3A_48 : i32 to index
          %get3A_157 = arith.constant 80 : index
          %get3A_158 = tpu.vector_load %arg5[%get3A_156, %get3A_157] {strides = array<i32>} : memref<8x512xf32, #tpu.memory_space<vmem>>, vector<16xf32>,
          %lt3A_159 = arith.cmpf olt, %get3A_158, %select_n3A_142 : vector<16xf32>
          %select_n3A_160 = arith.select %lt3A_159, %get3A_158, %select_n3A_142 : vector<16xi1>, vector<16xf32>
          %select_n3A_161 = arith.select %lt3A_159, %add3A_146, %select_n3A_143 : vector<16xi1>, vector<16xi32>
          %add3A_162 = arith.constant 16 : i32
          %add3A_163 = vector.broadcast %add3A_162 : i32 to vector<16xi32>
          %add3A_164 = arith.addi %add3A_146, %add3A_163 : vector<16xi32>
          %get3A_165 = arith.index_cast %scan3A_48 : i32 to index
          %get3A_166 = arith.constant 336 : index
          %get3A_167 = tpu.vector_load %arg5[%get3A_165, %get3A_166] {strides = array<i32>} : memref<8x512xf32, #tpu.memory_space<vmem>>, vector<16xf32>,
          %lt3A_168 = arith.cmpf olt, %get3A_167, %select_n3A_151 : vector<16xf32>
          %select_n3A_169 = arith.select %lt3A_168, %get3A_167, %select_n3A_151 : vector<16xi1>, vector<16xf32>
          %select_n3A_170 = arith.select %lt3A_168, %add3A_155, %select_n3A_152 : vector<16xi1>, vector<16xi32>
          %add3A_171 = arith.constant 16 : i32
          %add3A_172 = vector.broadcast %add3A_171 : i32 to vector<16xi32>
          %add3A_173 = arith.addi %add3A_155, %add3A_172 : vector<16xi32>
          %get3A_174 = arith.index_cast %scan3A_48 : i32 to index
          %get3A_175 = arith.constant 96 : index
          %get3A_176 = tpu.vector_load %arg5[%get3A_174, %get3A_175] {strides = array<i32>} : memref<8x512xf32, #tpu.memory_space<vmem>>, vector<16xf32>,
          %lt3A_177 = arith.cmpf olt, %get3A_176, %select_n3A_160 : vector<16xf32>
          %select_n3A_178 = arith.select %lt3A_177, %get3A_176, %select_n3A_160 : vector<16xi1>, vector<16xf32>
          %select_n3A_179 = arith.select %lt3A_177, %add3A_164, %select_n3A_161 : vector<16xi1>, vector<16xi32>
          %add3A_180 = arith.constant 16 : i32
          %add3A_181 = vector.broadcast %add3A_180 : i32 to vector<16xi32>
          %add3A_182 = arith.addi %add3A_164, %add3A_181 : vector<16xi32>
          %get3A_183 = arith.index_cast %scan3A_48 : i32 to index
          %get3A_184 = arith.constant 352 : index
          %get3A_185 = tpu.vector_load %arg5[%get3A_183, %get3A_184] {strides = array<i32>} : memref<8x512xf32, #tpu.memory_space<vmem>>, vector<16xf32>,
          %lt3A_186 = arith.cmpf olt, %get3A_185, %select_n3A_169 : vector<16xf32>
          %select_n3A_187 = arith.select %lt3A_186, %get3A_185, %select_n3A_169 : vector<16xi1>, vector<16xf32>
          %select_n3A_188 = arith.select %lt3A_186, %add3A_173, %select_n3A_170 : vector<16xi1>, vector<16xi32>
          %add3A_189 = arith.constant 16 : i32
          %add3A_190 = vector.broadcast %add3A_189 : i32 to vector<16xi32>
          %add3A_191 = arith.addi %add3A_173, %add3A_190 : vector<16xi32>
          %get3A_192 = arith.index_cast %scan3A_48 : i32 to index
          %get3A_193 = arith.constant 112 : index
          %get3A_194 = tpu.vector_load %arg5[%get3A_192, %get3A_193] {strides = array<i32>} : memref<8x512xf32, #tpu.memory_space<vmem>>, vector<16xf32>,
          %lt3A_195 = arith.cmpf olt, %get3A_194, %select_n3A_178 : vector<16xf32>
          %select_n3A_196 = arith.select %lt3A_195, %get3A_194, %select_n3A_178 : vector<16xi1>, vector<16xf32>
          %select_n3A_197 = arith.select %lt3A_195, %add3A_182, %select_n3A_179 : vector<16xi1>, vector<16xi32>
          %add3A_198 = arith.constant 16 : i32
          %add3A_199 = vector.broadcast %add3A_198 : i32 to vector<16xi32>
          %add3A_200 = arith.addi %add3A_182, %add3A_199 : vector<16xi32>
          %get3A_201 = arith.index_cast %scan3A_48 : i32 to index
          %get3A_202 = arith.constant 368 : index
          %get3A_203 = tpu.vector_load %arg5[%get3A_201, %get3A_202] {strides = array<i32>} : memref<8x512xf32, #tpu.memory_space<vmem>>, vector<16xf32>,
          %lt3A_204 = arith.cmpf olt, %get3A_203, %select_n3A_187 : vector<16xf32>
          %select_n3A_205 = arith.select %lt3A_204, %get3A_203, %select_n3A_187 : vector<16xi1>, vector<16xf32>
          %select_n3A_206 = arith.select %lt3A_204, %add3A_191, %select_n3A_188 : vector<16xi1>, vector<16xi32>
          %add3A_207 = arith.constant 16 : i32
          %add3A_208 = vector.broadcast %add3A_207 : i32 to vector<16xi32>
          %add3A_209 = arith.addi %add3A_191, %add3A_208 : vector<16xi32>
          %get3A_210 = arith.index_cast %scan3A_48 : i32 to index
          %get3A_211 = arith.constant 128 : index
          %get3A_212 = tpu.vector_load %arg5[%get3A_210, %get3A_211] {strides = array<i32>} : memref<8x512xf32, #tpu.memory_space<vmem>>, vector<16xf32>,
          %lt3A_213 = arith.cmpf olt, %get3A_212, %select_n3A_196 : vector<16xf32>
          %select_n3A_214 = arith.select %lt3A_213, %get3A_212, %select_n3A_196 : vector<16xi1>, vector<16xf32>
          %select_n3A_215 = arith.select %lt3A_213, %add3A_200, %select_n3A_197 : vector<16xi1>, vector<16xi32>
          %add3A_216 = arith.constant 16 : i32
          %add3A_217 = vector.broadcast %add3A_216 : i32 to vector<16xi32>
          %add3A_218 = arith.addi %add3A_200, %add3A_217 : vector<16xi32>
          %get3A_219 = arith.index_cast %scan3A_48 : i32 to index
          %get3A_220 = arith.constant 384 : index
          %get3A_221 = tpu.vector_load %arg5[%get3A_219, %get3A_220] {strides = array<i32>} : memref<8x512xf32, #tpu.memory_space<vmem>>, vector<16xf32>,
          %lt3A_222 = arith.cmpf olt, %get3A_221, %select_n3A_205 : vector<16xf32>
          %select_n3A_223 = arith.select %lt3A_222, %get3A_221, %select_n3A_205 : vector<16xi1>, vector<16xf32>
          %select_n3A_224 = arith.select %lt3A_222, %add3A_209, %select_n3A_206 : vector<16xi1>, vector<16xi32>
          %add3A_225 = arith.constant 16 : i32
          %add3A_226 = vector.broadcast %add3A_225 : i32 to vector<16xi32>
          %add3A_227 = arith.addi %add3A_209, %add3A_226 : vector<16xi32>
          %get3A_228 = arith.index_cast %scan3A_48 : i32 to index
          %get3A_229 = arith.constant 144 : index
          %get3A_230 = tpu.vector_load %arg5[%get3A_228, %get3A_229] {strides = array<i32>} : memref<8x512xf32, #tpu.memory_space<vmem>>, vector<16xf32>,
          %lt3A_231 = arith.cmpf olt, %get3A_230, %select_n3A_214 : vector<16xf32>
          %select_n3A_232 = arith.select %lt3A_231, %get3A_230, %select_n3A_214 : vector<16xi1>, vector<16xf32>
          %select_n3A_233 = arith.select %lt3A_231, %add3A_218, %select_n3A_215 : vector<16xi1>, vector<16xi32>
          %add3A_234 = arith.constant 16 : i32
          %add3A_235 = vector.broadcast %add3A_234 : i32 to vector<16xi32>
          %add3A_236 = arith.addi %add3A_218, %add3A_235 : vector<16xi32>
          %get3A_237 = arith.index_cast %scan3A_48 : i32 to index
          %get3A_238 = arith.constant 400 : index
          %get3A_239 = tpu.vector_load %arg5[%get3A_237, %get3A_238] {strides = array<i32>} : memref<8x512xf32, #tpu.memory_space<vmem>>, vector<16xf32>,
          %lt3A_240 = arith.cmpf olt, %get3A_239, %select_n3A_223 : vector<16xf32>
          %select_n3A_241 = arith.select %lt3A_240, %get3A_239, %select_n3A_223 : vector<16xi1>, vector<16xf32>
          %select_n3A_242 = arith.select %lt3A_240, %add3A_227, %select_n3A_224 : vector<16xi1>, vector<16xi32>
          %add3A_243 = arith.constant 16 : i32
          %add3A_244 = vector.broadcast %add3A_243 : i32 to vector<16xi32>
          %add3A_245 = arith.addi %add3A_227, %add3A_244 : vector<16xi32>
          %get3A_246 = arith.index_cast %scan3A_48 : i32 to index
          %get3A_247 = arith.constant 160 : index
          %get3A_248 = tpu.vector_load %arg5[%get3A_246, %get3A_247] {strides = array<i32>} : memref<8x512xf32, #tpu.memory_space<vmem>>, vector<16xf32>,
          %lt3A_249 = arith.cmpf olt, %get3A_248, %select_n3A_232 : vector<16xf32>
          %select_n3A_250 = arith.select %lt3A_249, %get3A_248, %select_n3A_232 : vector<16xi1>, vector<16xf32>
          %select_n3A_251 = arith.select %lt3A_249, %add3A_236, %select_n3A_233 : vector<16xi1>, vector<16xi32>
          %add3A_252 = arith.constant 16 : i32
          %add3A_253 = vector.broadcast %add3A_252 : i32 to vector<16xi32>
          %add3A_254 = arith.addi %add3A_236, %add3A_253 : vector<16xi32>
          %get3A_255 = arith.index_cast %scan3A_48 : i32 to index
          %get3A_256 = arith.constant 416 : index
          %get3A_257 = tpu.vector_load %arg5[%get3A_255, %get3A_256] {strides = array<i32>} : memref<8x512xf32, #tpu.memory_space<vmem>>, vector<16xf32>,
          %lt3A_258 = arith.cmpf olt, %get3A_257, %select_n3A_241 : vector<16xf32>
          %select_n3A_259 = arith.select %lt3A_258, %get3A_257, %select_n3A_241 : vector<16xi1>, vector<16xf32>
          %select_n3A_260 = arith.select %lt3A_258, %add3A_245, %select_n3A_242 : vector<16xi1>, vector<16xi32>
          %add3A_261 = arith.constant 16 : i32
          %add3A_262 = vector.broadcast %add3A_261 : i32 to vector<16xi32>
          %add3A_263 = arith.addi %add3A_245, %add3A_262 : vector<16xi32>
          %get3A_264 = arith.index_cast %scan3A_48 : i32 to index
          %get3A_265 = arith.constant 176 : index
          %get3A_266 = tpu.vector_load %arg5[%get3A_264, %get3A_265] {strides = array<i32>} : memref<8x512xf32, #tpu.memory_space<vmem>>, vector<16xf32>,
          %lt3A_267 = arith.cmpf olt, %get3A_266, %select_n3A_250 : vector<16xf32>
          %select_n3A_268 = arith.select %lt3A_267, %get3A_266, %select_n3A_250 : vector<16xi1>, vector<16xf32>
          %select_n3A_269 = arith.select %lt3A_267, %add3A_254, %select_n3A_251 : vector<16xi1>, vector<16xi32>
          %add3A_270 = arith.constant 16 : i32
          %add3A_271 = vector.broadcast %add3A_270 : i32 to vector<16xi32>
          %add3A_272 = arith.addi %add3A_254, %add3A_271 : vector<16xi32>
          %get3A_273 = arith.index_cast %scan3A_48 : i32 to index
          %get3A_274 = arith.constant 432 : index
          %get3A_275 = tpu.vector_load %arg5[%get3A_273, %get3A_274] {strides = array<i32>} : memref<8x512xf32, #tpu.memory_space<vmem>>, vector<16xf32>,
          %lt3A_276 = arith.cmpf olt, %get3A_275, %select_n3A_259 : vector<16xf32>
          %select_n3A_277 = arith.select %lt3A_276, %get3A_275, %select_n3A_259 : vector<16xi1>, vector<16xf32>
          %select_n3A_278 = arith.select %lt3A_276, %add3A_263, %select_n3A_260 : vector<16xi1>, vector<16xi32>
          %add3A_279 = arith.constant 16 : i32
          %add3A_280 = vector.broadcast %add3A_279 : i32 to vector<16xi32>
          %add3A_281 = arith.addi %add3A_263, %add3A_280 : vector<16xi32>
          %get3A_282 = arith.index_cast %scan3A_48 : i32 to index
          %get3A_283 = arith.constant 192 : index
          %get3A_284 = tpu.vector_load %arg5[%get3A_282, %get3A_283] {strides = array<i32>} : memref<8x512xf32, #tpu.memory_space<vmem>>, vector<16xf32>,
          %lt3A_285 = arith.cmpf olt, %get3A_284, %select_n3A_268 : vector<16xf32>
          %select_n3A_286 = arith.select %lt3A_285, %get3A_284, %select_n3A_268 : vector<16xi1>, vector<16xf32>
          %select_n3A_287 = arith.select %lt3A_285, %add3A_272, %select_n3A_269 : vector<16xi1>, vector<16xi32>
          %add3A_288 = arith.constant 16 : i32
          %add3A_289 = vector.broadcast %add3A_288 : i32 to vector<16xi32>
          %add3A_290 = arith.addi %add3A_272, %add3A_289 : vector<16xi32>
          %get3A_291 = arith.index_cast %scan3A_48 : i32 to index
          %get3A_292 = arith.constant 448 : index
          %get3A_293 = tpu.vector_load %arg5[%get3A_291, %get3A_292] {strides = array<i32>} : memref<8x512xf32, #tpu.memory_space<vmem>>, vector<16xf32>,
          %lt3A_294 = arith.cmpf olt, %get3A_293, %select_n3A_277 : vector<16xf32>
          %select_n3A_295 = arith.select %lt3A_294, %get3A_293, %select_n3A_277 : vector<16xi1>, vector<16xf32>
          %select_n3A_296 = arith.select %lt3A_294, %add3A_281, %select_n3A_278 : vector<16xi1>, vector<16xi32>
          %add3A_297 = arith.constant 16 : i32
          %add3A_298 = vector.broadcast %add3A_297 : i32 to vector<16xi32>
          %add3A_299 = arith.addi %add3A_281, %add3A_298 : vector<16xi32>
          %get3A_300 = arith.index_cast %scan3A_48 : i32 to index
          %get3A_301 = arith.constant 208 : index
          %get3A_302 = tpu.vector_load %arg5[%get3A_300, %get3A_301] {strides = array<i32>} : memref<8x512xf32, #tpu.memory_space<vmem>>, vector<16xf32>,
          %lt3A_303 = arith.cmpf olt, %get3A_302, %select_n3A_286 : vector<16xf32>
          %select_n3A_304 = arith.select %lt3A_303, %get3A_302, %select_n3A_286 : vector<16xi1>, vector<16xf32>
          %select_n3A_305 = arith.select %lt3A_303, %add3A_290, %select_n3A_287 : vector<16xi1>, vector<16xi32>
          %add3A_306 = arith.constant 16 : i32
          %add3A_307 = vector.broadcast %add3A_306 : i32 to vector<16xi32>
          %add3A_308 = arith.addi %add3A_290, %add3A_307 : vector<16xi32>
          %get3A_309 = arith.index_cast %scan3A_48 : i32 to index
          %get3A_310 = arith.constant 464 : index
          %get3A_311 = tpu.vector_load %arg5[%get3A_309, %get3A_310] {strides = array<i32>} : memref<8x512xf32, #tpu.memory_space<vmem>>, vector<16xf32>,
          %lt3A_312 = arith.cmpf olt, %get3A_311, %select_n3A_295 : vector<16xf32>
          %select_n3A_313 = arith.select %lt3A_312, %get3A_311, %select_n3A_295 : vector<16xi1>, vector<16xf32>
          %select_n3A_314 = arith.select %lt3A_312, %add3A_299, %select_n3A_296 : vector<16xi1>, vector<16xi32>
          %add3A_315 = arith.constant 16 : i32
          %add3A_316 = vector.broadcast %add3A_315 : i32 to vector<16xi32>
          %add3A_317 = arith.addi %add3A_299, %add3A_316 : vector<16xi32>
          %get3A_318 = arith.index_cast %scan3A_48 : i32 to index
          %get3A_319 = arith.constant 224 : index
          %get3A_320 = tpu.vector_load %arg5[%get3A_318, %get3A_319] {strides = array<i32>} : memref<8x512xf32, #tpu.memory_space<vmem>>, vector<16xf32>,
          %lt3A_321 = arith.cmpf olt, %get3A_320, %select_n3A_304 : vector<16xf32>
          %select_n3A_322 = arith.select %lt3A_321, %get3A_320, %select_n3A_304 : vector<16xi1>, vector<16xf32>
          %select_n3A_323 = arith.select %lt3A_321, %add3A_308, %select_n3A_305 : vector<16xi1>, vector<16xi32>
          %add3A_324 = arith.constant 16 : i32
          %add3A_325 = vector.broadcast %add3A_324 : i32 to vector<16xi32>
          %add3A_326 = arith.addi %add3A_308, %add3A_325 : vector<16xi32>
          %get3A_327 = arith.index_cast %scan3A_48 : i32 to index
          %get3A_328 = arith.constant 480 : index
          %get3A_329 = tpu.vector_load %arg5[%get3A_327, %get3A_328] {strides = array<i32>} : memref<8x512xf32, #tpu.memory_space<vmem>>, vector<16xf32>,
          %lt3A_330 = arith.cmpf olt, %get3A_329, %select_n3A_313 : vector<16xf32>
          %select_n3A_331 = arith.select %lt3A_330, %get3A_329, %select_n3A_313 : vector<16xi1>, vector<16xf32>
          %select_n3A_332 = arith.select %lt3A_330, %add3A_317, %select_n3A_314 : vector<16xi1>, vector<16xi32>
          %add3A_333 = arith.constant 16 : i32
          %add3A_334 = vector.broadcast %add3A_333 : i32 to vector<16xi32>
          %add3A_335 = arith.addi %add3A_317, %add3A_334 : vector<16xi32>
          %get3A_336 = arith.index_cast %scan3A_48 : i32 to index
          %get3A_337 = arith.constant 240 : index
          %get3A_338 = tpu.vector_load %arg5[%get3A_336, %get3A_337] {strides = array<i32>} : memref<8x512xf32, #tpu.memory_space<vmem>>, vector<16xf32>,
          %lt3A_339 = arith.cmpf olt, %get3A_338, %select_n3A_322 : vector<16xf32>
          %select_n3A_340 = arith.select %lt3A_339, %get3A_338, %select_n3A_322 : vector<16xi1>, vector<16xf32>
          %select_n3A_341 = arith.select %lt3A_339, %add3A_326, %select_n3A_323 : vector<16xi1>, vector<16xi32>
          %add3A_342 = arith.constant 16 : i32
          %add3A_343 = vector.broadcast %add3A_342 : i32 to vector<16xi32>
          %add3A_344 = arith.addi %add3A_326, %add3A_343 : vector<16xi32>
          %get3A_345 = arith.index_cast %scan3A_48 : i32 to index
          %get3A_346 = arith.constant 496 : index
          %get3A_347 = tpu.vector_load %arg5[%get3A_345, %get3A_346] {strides = array<i32>} : memref<8x512xf32, #tpu.memory_space<vmem>>, vector<16xf32>,
          %lt3A_348 = arith.cmpf olt, %get3A_347, %select_n3A_331 : vector<16xf32>
          %select_n3A_349 = arith.select %lt3A_348, %get3A_347, %select_n3A_331 : vector<16xi1>, vector<16xf32>
          %select_n3A_350 = arith.select %lt3A_348, %add3A_335, %select_n3A_332 : vector<16xi1>, vector<16xi32>
          %add3A_351 = arith.constant 16 : i32
          %add3A_352 = vector.broadcast %add3A_351 : i32 to vector<16xi32>
          %add3A_353 = arith.addi %add3A_335, %add3A_352 : vector<16xi32>
          %lt3A_354 = arith.cmpf olt, %select_n3A_349, %select_n3A_340 : vector<16xf32>
          %select_n3A_355 = arith.select %lt3A_354, %select_n3A_349, %select_n3A_340 : vector<16xi1>, vector<16xf32>
          %select_n3A_356 = arith.select %lt3A_354, %select_n3A_350, %select_n3A_341 : vector<16xi1>, vector<16xi32>
          %reduce_min3A = arith.constant true
          %reduce_min3A_357 = vector.broadcast %reduce_min3A : i1 to vector<16xi1>
          %reduce_min3A_358 = tpu.scan <min>, %select_n3A_355 masked %reduce_min3A_357 : vector<16xf32>, vector<16xi1> -> vector<16xf32>
          %reduce_min3A_359 = vector.extract %reduce_min3A_358[15] : f32 from vector<16xf32>
          %eq3A_360 = vector.broadcast %reduce_min3A_359 : f32 to vector<16xf32>
          %eq3A_361 = arith.cmpf oeq, %select_n3A_355, %eq3A_360 : vector<16xf32>
          %jit3A_362 = arith.constant 512 : i32
          %broadcast_in_dim3A_363 = vector.broadcast %jit3A_362 : i32 to vector<16xi32>
          %select_n3A_364 = arith.select %eq3A_361, %select_n3A_356, %broadcast_in_dim3A_363 : vector<16xi1>, vector<16xi32>
          %reduce_min3A_365 = arith.constant true
          %reduce_min3A_366 = vector.broadcast %reduce_min3A_365 : i1 to vector<16xi1>
          %reduce_min3A_367 = arith.constant -2147483648 : i32
          %reduce_min3A_368 = vector.broadcast %reduce_min3A_367 : i32 to vector<16xi32>
          %reduce_min3A_369 = arith.xori %select_n3A_364, %reduce_min3A_368 : vector<16xi32>
          %reduce_min3A_370 = tpu.scan <min>, %reduce_min3A_369 masked %reduce_min3A_366 : vector<16xi32>, vector<16xi1> -> vector<16xi32>
          %reduce_min3A_371 = arith.xori %reduce_min3A_370, %reduce_min3A_368 : vector<16xi32>
          %reduce_min3A_372 = vector.extract %reduce_min3A_371[15] : i32 from vector<16xi32>
          %broadcast_in_dim3A_373 = vector.broadcast %reduce_min3A_372 : i32 to vector<16xi32>
          %mul3A_374 = arith.constant 16 : i32
          %mul3A_375 = arith.muli %scan3A_48, %mul3A_374 : i32
          %add3A_376 = arith.addi %mul3A_375, %scan3A_57 : i32
          %broadcast_in_dim3A_377 = vector.broadcast %add3A_376 : i32 to vector<16xi32>
          %add3A_378 = vector.broadcast %mul3A_20 : i32 to vector<16xi32>
          %add3A_379 = arith.addi %broadcast_in_dim3A_373, %add3A_378 : vector<16xi32>
          tpu.vector_store_idx %arg6[%broadcast_in_dim3A_377], %add3A_379 masked %eq3A_22 : memref<128xi32, #tpu.memory_space<vmem>>[vector<16xi32>], vector<16xi32>, vector<16xi1>
          %mul3A_380 = arith.constant 16 : i32
          %mul3A_381 = arith.muli %scan3A_48, %mul3A_380 : i32
          %add3A_382 = arith.constant 10 : i32
          %add3A_383 = arith.addi %mul3A_381, %add3A_382 : i32
          %add3A_384 = arith.addi %add3A_383, %scan3A_57 : i32
          %broadcast_in_dim3A_385 = vector.broadcast %add3A_384 : i32 to vector<16xi32>
          %add3A_386 = vector.broadcast %mul3A_20 : i32 to vector<16xi32>
          %add3A_387 = arith.addi %broadcast_in_dim3A_373, %add3A_386 : vector<16xi32>
          %lt3A_388 = arith.constant 6 : i32
          %lt3A_389 = arith.cmpi slt, %scan3A_57, %lt3A_388 : i32
          %and3A_390 = vector.broadcast %lt3A_389 : i1 to vector<16xi1>
          %and3A_391 = arith.andi %eq3A_22, %and3A_390 : vector<16xi1>
          tpu.vector_store_idx %arg6[%broadcast_in_dim3A_385], %add3A_387 masked %and3A_391 : memref<128xi32, #tpu.memory_space<vmem>>[vector<16xi32>], vector<16xi32>, vector<16xi1>
          %broadcast_in_dim3A_392 = vector.broadcast %scan3A_48 : i32 to vector<16xi32>
          %broadcast_in_dim3A_393 = arith.constant 0x7F800000 : f32
          %broadcast_in_dim3A_394 = vector.broadcast %broadcast_in_dim3A_393 : f32 to vector<16xf32>
          tpu.vector_store_idx %arg5[%broadcast_in_dim3A_392, %broadcast_in_dim3A_373], %broadcast_in_dim3A_394 masked %eq3A_22 : memref<8x512xf32, #tpu.memory_space<vmem>>[vector<16xi32>, vector<16xi32>], vector<16xf32>, vector<16xi1>
        }
        %scan3A_55 = arith.constant 10 : i32
        %scan3A_56 = arith.constant 0 : i32
        scf.yield %scan3A_56 : i32
      }
      %scan3A_40 = arith.constant 8 : i32
      %dma_start3A = arith.constant 0 : i32
      %dma_start3A_41 = arith.constant 0 : i32
      %dma_start3A_42 = tpu.memref_slice %arg3[%dma_start3A, %dma_start3A_41] : memref<8192x128xf32, #tpu.memory_space<hbm>> -> memref<8192x128xf32, #tpu.memory_space<hbm>>
      tpu.enqueue_indirect_dma source(%dma_start3A_42 : memref<8192x128xf32, #tpu.memory_space<hbm>>) target(%arg7 : memref<128x128xf32, #tpu.memory_space<vmem>>) offsets(%arg6 : memref<128xi32, #tpu.memory_space<vmem>>) semaphore(%arg8 : memref<!tpu.dma_semaphore, #tpu.memory_space<semaphore_mem>>)
      %dma_wait3A = arith.constant 0 : i32
      %dma_wait3A_43 = arith.constant 0 : i32
      %dma_wait3A_44 = tpu.memref_slice %arg3[%dma_wait3A, %dma_wait3A_43] : memref<8192x128xf32, #tpu.memory_space<hbm>> -> memref<8192x128xf32, #tpu.memory_space<hbm>>
      tpu.wait_indirect_dma semaphore(%arg8 : memref<!tpu.dma_semaphore, #tpu.memory_space<semaphore_mem>>) src(%dma_wait3A_44 : memref<8192x128xf32, #tpu.memory_space<hbm>>) dst(%arg7 : memref<128x128xf32, #tpu.memory_space<vmem>>)
      %mul3A_45 = arith.constant 16 : i32
      %mul3A_46 = arith.muli %add3A_33, %mul3A_45 : i32
      "tpu.region"() ({
        %run_scoped3A = tpu.sem_alloc : memref<!tpu.dma_semaphore, #tpu.memory_space<semaphore_mem>>
        %dma_start3A_48 = arith.constant 0 : i32
        %dma_start3A_49 = tpu.memref_slice %arg4[%mul3A_46, %dma_start3A_48] : memref<131072x128xf32, #tpu.memory_space<hbm>> -> memref<128x128xf32, #tpu.memory_space<hbm>>
        %dma_start3A_50 = arith.constant 0 : i32
        %dma_start3A_51 = tpu.memref_slice %arg4[%mul3A_46, %dma_start3A_50] : memref<131072x128xf32, #tpu.memory_space<hbm>> -> memref<128x128xf32, #tpu.memory_space<hbm>>
        tpu.enqueue_dma source(%arg7 : memref<128x128xf32, #tpu.memory_space<vmem>>) target(%dma_start3A_51 : memref<128x128xf32, #tpu.memory_space<hbm>>) target_semaphore(%run_scoped3A : memref<!tpu.dma_semaphore, #tpu.memory_space<semaphore_mem>>)
        %dma_wait3A_52 = arith.constant 0 : i32
        %dma_wait3A_53 = tpu.memref_slice %arg4[%mul3A_46, %dma_wait3A_52] : memref<131072x128xf32, #tpu.memory_space<hbm>> -> memref<128x128xf32, #tpu.memory_space<hbm>>
        %dma_wait3A_54 = arith.constant 0 : i32
        %dma_wait3A_55 = tpu.memref_slice %arg4[%mul3A_46, %dma_wait3A_54] : memref<131072x128xf32, #tpu.memory_space<hbm>> -> memref<128x128xf32, #tpu.memory_space<hbm>>
        tpu.wait_dma2 semaphore(%run_scoped3A : memref<!tpu.dma_semaphore, #tpu.memory_space<semaphore_mem>>) src(%arg7 : memref<128x128xf32, #tpu.memory_space<vmem>>) dst(%dma_wait3A_55 : memref<128x128xf32, #tpu.memory_space<hbm>>)
        tpu.yield
      }) : () -> ()
      %scan3A_47 = arith.constant 0 : i32
      scf.yield %scan3A_47 : i32
    }
    %scan3A_28 = arith.constant 32 : i32
    return
  }
}

#map = affine_map<(d0, d1) -> (0, 0)>
module attributes {stable_mosaic.version = 14 : i64} {
  func.func @k(%arg0: i32, %arg1: i32, %arg2: memref<8192x512xf32, #tpu.memory_space<hbm>>, %arg3: memref<8192x128xf32, #tpu.memory_space<hbm>>, %arg4: memref<131072x128xf32, #tpu.memory_space<hbm>>, %arg5: memref<8x512xf32, #tpu.memory_space<vmem>>, %arg6: memref<128xi32, #tpu.memory_space<vmem>>, %arg7: memref<128x128xf32, #tpu.memory_space<vmem>>, %arg8: memref<!tpu.dma_semaphore, #tpu.memory_space<semaphore_mem>>) attributes {dimension_semantics = [#tpu.dimension_semantics<core_parallel>, #tpu.dimension_semantics<subcore_parallel>], iteration_bounds = array<i64: 2, 16>, scalar_prefetch = 0 : i64, scratch_operands = 4 : i64, tpu.core_type = #tpu.core_type<sc_vector_subcore>, window_params = [{transform_indices = #map}, {transform_indices = #map}, {transform_indices = #map}]} {
    %mul3A = arith.constant 2 : i32
    %mul3A_0 = arith.muli %arg1, %mul3A : i32
    %add3A = arith.addi %mul3A_0, %arg0 : i32
    %mul3A_1 = arith.constant 256 : i32
    %mul3A_2 = arith.muli %add3A, %mul3A_1 : i32
    %jit3A = arith.constant 512 : i32
    %div3A = arith.divsi %mul3A_2, %jit3A : i32
    %sign3A = arith.constant 0 : i32
    %sign3A_3 = arith.cmpi sgt, %mul3A_2, %sign3A : i32
    %sign3A_4 = arith.extui %sign3A_3 : i1 to i32
    %sign3A_5 = arith.constant 0 : i32
    %sign3A_6 = arith.cmpi slt, %mul3A_2, %sign3A_5 : i32
    %sign3A_7 = arith.extui %sign3A_6 : i1 to i32
    %sign3A_8 = arith.subi %sign3A_4, %sign3A_7 : i32
    %sign3A_9 = arith.constant 0 : i32
    %sign3A_10 = arith.cmpi sgt, %jit3A, %sign3A_9 : i32
    %sign3A_11 = arith.extui %sign3A_10 : i1 to i32
    %sign3A_12 = arith.constant 0 : i32
    %sign3A_13 = arith.cmpi slt, %jit3A, %sign3A_12 : i32
    %sign3A_14 = arith.extui %sign3A_13 : i1 to i32
    %sign3A_15 = arith.subi %sign3A_11, %sign3A_14 : i32
    %ne3A = arith.cmpi ne, %sign3A_8, %sign3A_15 : i32
    %rem3A = arith.remsi %mul3A_2, %jit3A : i32
    %ne3A_16 = arith.constant 0 : i32
    %ne3A_17 = arith.cmpi ne, %rem3A, %ne3A_16 : i32
    %and3A = arith.andi %ne3A, %ne3A_17 : i1
    %sub3A = arith.constant 1 : i32
    %sub3A_18 = arith.subi %div3A, %sub3A : i32
    %select_n3A = arith.select %and3A, %sub3A_18, %div3A : i32
    %mul3A_19 = arith.constant 512 : i32
    %mul3A_20 = arith.muli %select_n3A, %mul3A_19 : i32
    %iota3A = tpu.iota {dimensions = array<i32: 0>} : vector<16xi32>
    %eq3A = arith.constant 0 : i32
    %eq3A_21 = vector.broadcast %eq3A : i32 to vector<16xi32>
    %eq3A_22 = arith.cmpi eq, %iota3A, %eq3A_21 : vector<16xi32>
    %scan3A = arith.constant 0 : i32
    %scan3A_23 = arith.constant 0 : i32
    %scan3A_24 = arith.constant 32 : i32
    %scan3A_25 = arith.addi %scan3A_23, %scan3A_24 : i32
    %scan3A_26 = arith.constant 1 : i32
    %scan3A_27 = scf.for %scan3A_29 = %scan3A_23 to %scan3A_25 step %scan3A_26 iter_args(%scan3A_30 = %scan3A) -> (i32)  : i32 {
      %mul3A_31 = arith.constant 8 : i32
      %mul3A_32 = arith.muli %scan3A_29, %mul3A_31 : i32
      %add3A_33 = arith.addi %mul3A_2, %mul3A_32 : i32
      "tpu.region"() ({
        %run_scoped3A = tpu.sem_alloc : memref<!tpu.dma_semaphore, #tpu.memory_space<semaphore_mem>>
        %dma_start3A_48 = arith.constant 0 : i32
        %dma_start3A_49 = tpu.memref_slice %arg2[%add3A_33, %dma_start3A_48] : memref<8192x512xf32, #tpu.memory_space<hbm>> -> memref<8x512xf32, #tpu.memory_space<hbm>>
        %dma_start3A_50 = arith.constant 0 : i32
        %dma_start3A_51 = tpu.memref_slice %arg2[%add3A_33, %dma_start3A_50] : memref<8192x512xf32, #tpu.memory_space<hbm>> -> memref<8x512xf32, #tpu.memory_space<hbm>>
        tpu.enqueue_dma source(%dma_start3A_51 : memref<8x512xf32, #tpu.memory_space<hbm>>) target(%arg5 : memref<8x512xf32, #tpu.memory_space<vmem>>) target_semaphore(%run_scoped3A : memref<!tpu.dma_semaphore, #tpu.memory_space<semaphore_mem>>)
        %dma_wait3A_52 = arith.constant 0 : i32
        %dma_wait3A_53 = tpu.memref_slice %arg2[%add3A_33, %dma_wait3A_52] : memref<8192x512xf32, #tpu.memory_space<hbm>> -> memref<8x512xf32, #tpu.memory_space<hbm>>
        %dma_wait3A_54 = arith.constant 0 : i32
        %dma_wait3A_55 = tpu.memref_slice %arg2[%add3A_33, %dma_wait3A_54] : memref<8192x512xf32, #tpu.memory_space<hbm>> -> memref<8x512xf32, #tpu.memory_space<hbm>>
        tpu.wait_dma2 semaphore(%run_scoped3A : memref<!tpu.dma_semaphore, #tpu.memory_space<semaphore_mem>>) src(%dma_wait3A_55 : memref<8x512xf32, #tpu.memory_space<hbm>>) dst(%arg5 : memref<8x512xf32, #tpu.memory_space<vmem>>)
        tpu.yield
      }) : () -> ()
      %scan3A_34 = arith.constant 0 : i32
      %scan3A_35 = arith.constant 0 : i32
      %scan3A_36 = arith.constant 8 : i32
      %scan3A_37 = arith.addi %scan3A_35, %scan3A_36 : i32
      %scan3A_38 = arith.constant 1 : i32
      %scan3A_39 = scf.for %scan3A_48 = %scan3A_35 to %scan3A_37 step %scan3A_38 iter_args(%scan3A_49 = %scan3A_34) -> (i32)  : i32 {
        %scan3A_50 = arith.constant 0 : i32
        %scan3A_51 = arith.constant 0 : i32
        %scan3A_52 = arith.constant 10 : i32
        %scan3A_53 = arith.addi %scan3A_51, %scan3A_52 : i32
        %scan3A_54 = arith.constant 1 : i32
        scf.for %scan3A_57 = %scan3A_51 to %scan3A_53 step %scan3A_54  : i32 {
          %broadcast_in_dim3A = arith.constant 0x7F800000 : f32
          %broadcast_in_dim3A_58 = vector.broadcast %broadcast_in_dim3A : f32 to vector<16xf32>
          %broadcast_in_dim3A_59 = arith.constant 0 : i32
          %broadcast_in_dim3A_60 = vector.broadcast %broadcast_in_dim3A_59 : i32 to vector<16xi32>
          %broadcast_in_dim3A_61 = arith.constant 0x7F800000 : f32
          %broadcast_in_dim3A_62 = vector.broadcast %broadcast_in_dim3A_61 : f32 to vector<16xf32>
          %broadcast_in_dim3A_63 = arith.constant 0 : i32
          %broadcast_in_dim3A_64 = vector.broadcast %broadcast_in_dim3A_63 : i32 to vector<16xi32>
          %add3A_65 = arith.constant 256 : i32
          %add3A_66 = vector.broadcast %add3A_65 : i32 to vector<16xi32>
          %add3A_67 = arith.addi %iota3A, %add3A_66 : vector<16xi32>
          %get3A = arith.index_cast %scan3A_48 : i32 to index
          %get3A_68 = arith.constant 0 : index
          %get3A_69 = tpu.vector_load %arg5[%get3A, %get3A_68] {strides = array<i32>} : memref<8x512xf32, #tpu.memory_space<vmem>>, vector<16xf32>,
          %lt3A = arith.cmpf olt, %get3A_69, %broadcast_in_dim3A_58 : vector<16xf32>
          %select_n3A_70 = arith.select %lt3A, %get3A_69, %broadcast_in_dim3A_58 : vector<16xi1>, vector<16xf32>
          %select_n3A_71 = arith.select %lt3A, %iota3A, %broadcast_in_dim3A_60 : vector<16xi1>, vector<16xi32>
          %add3A_72 = arith.constant 16 : i32
          %add3A_73 = vector.broadcast %add3A_72 : i32 to vector<16xi32>
          %add3A_74 = arith.addi %iota3A, %add3A_73 : vector<16xi32>
          %get3A_75 = arith.index_cast %scan3A_48 : i32 to index
          %get3A_76 = arith.constant 256 : index
          %get3A_77 = tpu.vector_load %arg5[%get3A_75, %get3A_76] {strides = array<i32>} : memref<8x512xf32, #tpu.memory_space<vmem>>, vector<16xf32>,
          %lt3A_78 = arith.cmpf olt, %get3A_77, %broadcast_in_dim3A_62 : vector<16xf32>
          %select_n3A_79 = arith.select %lt3A_78, %get3A_77, %broadcast_in_dim3A_62 : vector<16xi1>, vector<16xf32>
          %select_n3A_80 = arith.select %lt3A_78, %add3A_67, %broadcast_in_dim3A_64 : vector<16xi1>, vector<16xi32>
          %add3A_81 = arith.constant 16 : i32
          %add3A_82 = vector.broadcast %add3A_81 : i32 to vector<16xi32>
          %add3A_83 = arith.addi %add3A_67, %add3A_82 : vector<16xi32>
          %get3A_84 = arith.index_cast %scan3A_48 : i32 to index
          %get3A_85 = arith.constant 16 : index
          %get3A_86 = tpu.vector_load %arg5[%get3A_84, %get3A_85] {strides = array<i32>} : memref<8x512xf32, #tpu.memory_space<vmem>>, vector<16xf32>,
          %lt3A_87 = arith.cmpf olt, %get3A_86, %select_n3A_70 : vector<16xf32>
          %select_n3A_88 = arith.select %lt3A_87, %get3A_86, %select_n3A_70 : vector<16xi1>, vector<16xf32>
          %select_n3A_89 = arith.select %lt3A_87, %add3A_74, %select_n3A_71 : vector<16xi1>, vector<16xi32>
          %add3A_90 = arith.constant 16 : i32
          %add3A_91 = vector.broadcast %add3A_90 : i32 to vector<16xi32>
          %add3A_92 = arith.addi %add3A_74, %add3A_91 : vector<16xi32>
          %get3A_93 = arith.index_cast %scan3A_48 : i32 to index
          %get3A_94 = arith.constant 272 : index
          %get3A_95 = tpu.vector_load %arg5[%get3A_93, %get3A_94] {strides = array<i32>} : memref<8x512xf32, #tpu.memory_space<vmem>>, vector<16xf32>,
          %lt3A_96 = arith.cmpf olt, %get3A_95, %select_n3A_79 : vector<16xf32>
          %select_n3A_97 = arith.select %lt3A_96, %get3A_95, %select_n3A_79 : vector<16xi1>, vector<16xf32>
          %select_n3A_98 = arith.select %lt3A_96, %add3A_83, %select_n3A_80 : vector<16xi1>, vector<16xi32>
          %add3A_99 = arith.constant 16 : i32
          %add3A_100 = vector.broadcast %add3A_99 : i32 to vector<16xi32>
          %add3A_101 = arith.addi %add3A_83, %add3A_100 : vector<16xi32>
          %get3A_102 = arith.index_cast %scan3A_48 : i32 to index
          %get3A_103 = arith.constant 32 : index
          %get3A_104 = tpu.vector_load %arg5[%get3A_102, %get3A_103] {strides = array<i32>} : memref<8x512xf32, #tpu.memory_space<vmem>>, vector<16xf32>,
          %lt3A_105 = arith.cmpf olt, %get3A_104, %select_n3A_88 : vector<16xf32>
          %select_n3A_106 = arith.select %lt3A_105, %get3A_104, %select_n3A_88 : vector<16xi1>, vector<16xf32>
          %select_n3A_107 = arith.select %lt3A_105, %add3A_92, %select_n3A_89 : vector<16xi1>, vector<16xi32>
          %add3A_108 = arith.constant 16 : i32
          %add3A_109 = vector.broadcast %add3A_108 : i32 to vector<16xi32>
          %add3A_110 = arith.addi %add3A_92, %add3A_109 : vector<16xi32>
          %get3A_111 = arith.index_cast %scan3A_48 : i32 to index
          %get3A_112 = arith.constant 288 : index
          %get3A_113 = tpu.vector_load %arg5[%get3A_111, %get3A_112] {strides = array<i32>} : memref<8x512xf32, #tpu.memory_space<vmem>>, vector<16xf32>,
          %lt3A_114 = arith.cmpf olt, %get3A_113, %select_n3A_97 : vector<16xf32>
          %select_n3A_115 = arith.select %lt3A_114, %get3A_113, %select_n3A_97 : vector<16xi1>, vector<16xf32>
          %select_n3A_116 = arith.select %lt3A_114, %add3A_101, %select_n3A_98 : vector<16xi1>, vector<16xi32>
          %add3A_117 = arith.constant 16 : i32
          %add3A_118 = vector.broadcast %add3A_117 : i32 to vector<16xi32>
          %add3A_119 = arith.addi %add3A_101, %add3A_118 : vector<16xi32>
          %get3A_120 = arith.index_cast %scan3A_48 : i32 to index
          %get3A_121 = arith.constant 48 : index
          %get3A_122 = tpu.vector_load %arg5[%get3A_120, %get3A_121] {strides = array<i32>} : memref<8x512xf32, #tpu.memory_space<vmem>>, vector<16xf32>,
          %lt3A_123 = arith.cmpf olt, %get3A_122, %select_n3A_106 : vector<16xf32>
          %select_n3A_124 = arith.select %lt3A_123, %get3A_122, %select_n3A_106 : vector<16xi1>, vector<16xf32>
          %select_n3A_125 = arith.select %lt3A_123, %add3A_110, %select_n3A_107 : vector<16xi1>, vector<16xi32>
          %add3A_126 = arith.constant 16 : i32
          %add3A_127 = vector.broadcast %add3A_126 : i32 to vector<16xi32>
          %add3A_128 = arith.addi %add3A_110, %add3A_127 : vector<16xi32>
          %get3A_129 = arith.index_cast %scan3A_48 : i32 to index
          %get3A_130 = arith.constant 304 : index
          %get3A_131 = tpu.vector_load %arg5[%get3A_129, %get3A_130] {strides = array<i32>} : memref<8x512xf32, #tpu.memory_space<vmem>>, vector<16xf32>,
          %lt3A_132 = arith.cmpf olt, %get3A_131, %select_n3A_115 : vector<16xf32>
          %select_n3A_133 = arith.select %lt3A_132, %get3A_131, %select_n3A_115 : vector<16xi1>, vector<16xf32>
          %select_n3A_134 = arith.select %lt3A_132, %add3A_119, %select_n3A_116 : vector<16xi1>, vector<16xi32>
          %add3A_135 = arith.constant 16 : i32
          %add3A_136 = vector.broadcast %add3A_135 : i32 to vector<16xi32>
          %add3A_137 = arith.addi %add3A_119, %add3A_136 : vector<16xi32>
          %get3A_138 = arith.index_cast %scan3A_48 : i32 to index
          %get3A_139 = arith.constant 64 : index
          %get3A_140 = tpu.vector_load %arg5[%get3A_138, %get3A_139] {strides = array<i32>} : memref<8x512xf32, #tpu.memory_space<vmem>>, vector<16xf32>,
          %lt3A_141 = arith.cmpf olt, %get3A_140, %select_n3A_124 : vector<16xf32>
          %select_n3A_142 = arith.select %lt3A_141, %get3A_140, %select_n3A_124 : vector<16xi1>, vector<16xf32>
          %select_n3A_143 = arith.select %lt3A_141, %add3A_128, %select_n3A_125 : vector<16xi1>, vector<16xi32>
          %add3A_144 = arith.constant 16 : i32
          %add3A_145 = vector.broadcast %add3A_144 : i32 to vector<16xi32>
          %add3A_146 = arith.addi %add3A_128, %add3A_145 : vector<16xi32>
          %get3A_147 = arith.index_cast %scan3A_48 : i32 to index
          %get3A_148 = arith.constant 320 : index
          %get3A_149 = tpu.vector_load %arg5[%get3A_147, %get3A_148] {strides = array<i32>} : memref<8x512xf32, #tpu.memory_space<vmem>>, vector<16xf32>,
          %lt3A_150 = arith.cmpf olt, %get3A_149, %select_n3A_133 : vector<16xf32>
          %select_n3A_151 = arith.select %lt3A_150, %get3A_149, %select_n3A_133 : vector<16xi1>, vector<16xf32>
          %select_n3A_152 = arith.select %lt3A_150, %add3A_137, %select_n3A_134 : vector<16xi1>, vector<16xi32>
          %add3A_153 = arith.constant 16 : i32
          %add3A_154 = vector.broadcast %add3A_153 : i32 to vector<16xi32>
          %add3A_155 = arith.addi %add3A_137, %add3A_154 : vector<16xi32>
          %get3A_156 = arith.index_cast %scan3A_48 : i32 to index
          %get3A_157 = arith.constant 80 : index
          %get3A_158 = tpu.vector_load %arg5[%get3A_156, %get3A_157] {strides = array<i32>} : memref<8x512xf32, #tpu.memory_space<vmem>>, vector<16xf32>,
          %lt3A_159 = arith.cmpf olt, %get3A_158, %select_n3A_142 : vector<16xf32>
          %select_n3A_160 = arith.select %lt3A_159, %get3A_158, %select_n3A_142 : vector<16xi1>, vector<16xf32>
          %select_n3A_161 = arith.select %lt3A_159, %add3A_146, %select_n3A_143 : vector<16xi1>, vector<16xi32>
          %add3A_162 = arith.constant 16 : i32
          %add3A_163 = vector.broadcast %add3A_162 : i32 to vector<16xi32>
          %add3A_164 = arith.addi %add3A_146, %add3A_163 : vector<16xi32>
          %get3A_165 = arith.index_cast %scan3A_48 : i32 to index
          %get3A_166 = arith.constant 336 : index
          %get3A_167 = tpu.vector_load %arg5[%get3A_165, %get3A_166] {strides = array<i32>} : memref<8x512xf32, #tpu.memory_space<vmem>>, vector<16xf32>,
          %lt3A_168 = arith.cmpf olt, %get3A_167, %select_n3A_151 : vector<16xf32>
          %select_n3A_169 = arith.select %lt3A_168, %get3A_167, %select_n3A_151 : vector<16xi1>, vector<16xf32>
          %select_n3A_170 = arith.select %lt3A_168, %add3A_155, %select_n3A_152 : vector<16xi1>, vector<16xi32>
          %add3A_171 = arith.constant 16 : i32
          %add3A_172 = vector.broadcast %add3A_171 : i32 to vector<16xi32>
          %add3A_173 = arith.addi %add3A_155, %add3A_172 : vector<16xi32>
          %get3A_174 = arith.index_cast %scan3A_48 : i32 to index
          %get3A_175 = arith.constant 96 : index
          %get3A_176 = tpu.vector_load %arg5[%get3A_174, %get3A_175] {strides = array<i32>} : memref<8x512xf32, #tpu.memory_space<vmem>>, vector<16xf32>,
          %lt3A_177 = arith.cmpf olt, %get3A_176, %select_n3A_160 : vector<16xf32>
          %select_n3A_178 = arith.select %lt3A_177, %get3A_176, %select_n3A_160 : vector<16xi1>, vector<16xf32>
          %select_n3A_179 = arith.select %lt3A_177, %add3A_164, %select_n3A_161 : vector<16xi1>, vector<16xi32>
          %add3A_180 = arith.constant 16 : i32
          %add3A_181 = vector.broadcast %add3A_180 : i32 to vector<16xi32>
          %add3A_182 = arith.addi %add3A_164, %add3A_181 : vector<16xi32>
          %get3A_183 = arith.index_cast %scan3A_48 : i32 to index
          %get3A_184 = arith.constant 352 : index
          %get3A_185 = tpu.vector_load %arg5[%get3A_183, %get3A_184] {strides = array<i32>} : memref<8x512xf32, #tpu.memory_space<vmem>>, vector<16xf32>,
          %lt3A_186 = arith.cmpf olt, %get3A_185, %select_n3A_169 : vector<16xf32>
          %select_n3A_187 = arith.select %lt3A_186, %get3A_185, %select_n3A_169 : vector<16xi1>, vector<16xf32>
          %select_n3A_188 = arith.select %lt3A_186, %add3A_173, %select_n3A_170 : vector<16xi1>, vector<16xi32>
          %add3A_189 = arith.constant 16 : i32
          %add3A_190 = vector.broadcast %add3A_189 : i32 to vector<16xi32>
          %add3A_191 = arith.addi %add3A_173, %add3A_190 : vector<16xi32>
          %get3A_192 = arith.index_cast %scan3A_48 : i32 to index
          %get3A_193 = arith.constant 112 : index
          %get3A_194 = tpu.vector_load %arg5[%get3A_192, %get3A_193] {strides = array<i32>} : memref<8x512xf32, #tpu.memory_space<vmem>>, vector<16xf32>,
          %lt3A_195 = arith.cmpf olt, %get3A_194, %select_n3A_178 : vector<16xf32>
          %select_n3A_196 = arith.select %lt3A_195, %get3A_194, %select_n3A_178 : vector<16xi1>, vector<16xf32>
          %select_n3A_197 = arith.select %lt3A_195, %add3A_182, %select_n3A_179 : vector<16xi1>, vector<16xi32>
          %add3A_198 = arith.constant 16 : i32
          %add3A_199 = vector.broadcast %add3A_198 : i32 to vector<16xi32>
          %add3A_200 = arith.addi %add3A_182, %add3A_199 : vector<16xi32>
          %get3A_201 = arith.index_cast %scan3A_48 : i32 to index
          %get3A_202 = arith.constant 368 : index
          %get3A_203 = tpu.vector_load %arg5[%get3A_201, %get3A_202] {strides = array<i32>} : memref<8x512xf32, #tpu.memory_space<vmem>>, vector<16xf32>,
          %lt3A_204 = arith.cmpf olt, %get3A_203, %select_n3A_187 : vector<16xf32>
          %select_n3A_205 = arith.select %lt3A_204, %get3A_203, %select_n3A_187 : vector<16xi1>, vector<16xf32>
          %select_n3A_206 = arith.select %lt3A_204, %add3A_191, %select_n3A_188 : vector<16xi1>, vector<16xi32>
          %add3A_207 = arith.constant 16 : i32
          %add3A_208 = vector.broadcast %add3A_207 : i32 to vector<16xi32>
          %add3A_209 = arith.addi %add3A_191, %add3A_208 : vector<16xi32>
          %get3A_210 = arith.index_cast %scan3A_48 : i32 to index
          %get3A_211 = arith.constant 128 : index
          %get3A_212 = tpu.vector_load %arg5[%get3A_210, %get3A_211] {strides = array<i32>} : memref<8x512xf32, #tpu.memory_space<vmem>>, vector<16xf32>,
          %lt3A_213 = arith.cmpf olt, %get3A_212, %select_n3A_196 : vector<16xf32>
          %select_n3A_214 = arith.select %lt3A_213, %get3A_212, %select_n3A_196 : vector<16xi1>, vector<16xf32>
          %select_n3A_215 = arith.select %lt3A_213, %add3A_200, %select_n3A_197 : vector<16xi1>, vector<16xi32>
          %add3A_216 = arith.constant 16 : i32
          %add3A_217 = vector.broadcast %add3A_216 : i32 to vector<16xi32>
          %add3A_218 = arith.addi %add3A_200, %add3A_217 : vector<16xi32>
          %get3A_219 = arith.index_cast %scan3A_48 : i32 to index
          %get3A_220 = arith.constant 384 : index
          %get3A_221 = tpu.vector_load %arg5[%get3A_219, %get3A_220] {strides = array<i32>} : memref<8x512xf32, #tpu.memory_space<vmem>>, vector<16xf32>,
          %lt3A_222 = arith.cmpf olt, %get3A_221, %select_n3A_205 : vector<16xf32>
          %select_n3A_223 = arith.select %lt3A_222, %get3A_221, %select_n3A_205 : vector<16xi1>, vector<16xf32>
          %select_n3A_224 = arith.select %lt3A_222, %add3A_209, %select_n3A_206 : vector<16xi1>, vector<16xi32>
          %add3A_225 = arith.constant 16 : i32
          %add3A_226 = vector.broadcast %add3A_225 : i32 to vector<16xi32>
          %add3A_227 = arith.addi %add3A_209, %add3A_226 : vector<16xi32>
          %get3A_228 = arith.index_cast %scan3A_48 : i32 to index
          %get3A_229 = arith.constant 144 : index
          %get3A_230 = tpu.vector_load %arg5[%get3A_228, %get3A_229] {strides = array<i32>} : memref<8x512xf32, #tpu.memory_space<vmem>>, vector<16xf32>,
          %lt3A_231 = arith.cmpf olt, %get3A_230, %select_n3A_214 : vector<16xf32>
          %select_n3A_232 = arith.select %lt3A_231, %get3A_230, %select_n3A_214 : vector<16xi1>, vector<16xf32>
          %select_n3A_233 = arith.select %lt3A_231, %add3A_218, %select_n3A_215 : vector<16xi1>, vector<16xi32>
          %add3A_234 = arith.constant 16 : i32
          %add3A_235 = vector.broadcast %add3A_234 : i32 to vector<16xi32>
          %add3A_236 = arith.addi %add3A_218, %add3A_235 : vector<16xi32>
          %get3A_237 = arith.index_cast %scan3A_48 : i32 to index
          %get3A_238 = arith.constant 400 : index
          %get3A_239 = tpu.vector_load %arg5[%get3A_237, %get3A_238] {strides = array<i32>} : memref<8x512xf32, #tpu.memory_space<vmem>>, vector<16xf32>,
          %lt3A_240 = arith.cmpf olt, %get3A_239, %select_n3A_223 : vector<16xf32>
          %select_n3A_241 = arith.select %lt3A_240, %get3A_239, %select_n3A_223 : vector<16xi1>, vector<16xf32>
          %select_n3A_242 = arith.select %lt3A_240, %add3A_227, %select_n3A_224 : vector<16xi1>, vector<16xi32>
          %add3A_243 = arith.constant 16 : i32
          %add3A_244 = vector.broadcast %add3A_243 : i32 to vector<16xi32>
          %add3A_245 = arith.addi %add3A_227, %add3A_244 : vector<16xi32>
          %get3A_246 = arith.index_cast %scan3A_48 : i32 to index
          %get3A_247 = arith.constant 160 : index
          %get3A_248 = tpu.vector_load %arg5[%get3A_246, %get3A_247] {strides = array<i32>} : memref<8x512xf32, #tpu.memory_space<vmem>>, vector<16xf32>,
          %lt3A_249 = arith.cmpf olt, %get3A_248, %select_n3A_232 : vector<16xf32>
          %select_n3A_250 = arith.select %lt3A_249, %get3A_248, %select_n3A_232 : vector<16xi1>, vector<16xf32>
          %select_n3A_251 = arith.select %lt3A_249, %add3A_236, %select_n3A_233 : vector<16xi1>, vector<16xi32>
          %add3A_252 = arith.constant 16 : i32
          %add3A_253 = vector.broadcast %add3A_252 : i32 to vector<16xi32>
          %add3A_254 = arith.addi %add3A_236, %add3A_253 : vector<16xi32>
          %get3A_255 = arith.index_cast %scan3A_48 : i32 to index
          %get3A_256 = arith.constant 416 : index
          %get3A_257 = tpu.vector_load %arg5[%get3A_255, %get3A_256] {strides = array<i32>} : memref<8x512xf32, #tpu.memory_space<vmem>>, vector<16xf32>,
          %lt3A_258 = arith.cmpf olt, %get3A_257, %select_n3A_241 : vector<16xf32>
          %select_n3A_259 = arith.select %lt3A_258, %get3A_257, %select_n3A_241 : vector<16xi1>, vector<16xf32>
          %select_n3A_260 = arith.select %lt3A_258, %add3A_245, %select_n3A_242 : vector<16xi1>, vector<16xi32>
          %add3A_261 = arith.constant 16 : i32
          %add3A_262 = vector.broadcast %add3A_261 : i32 to vector<16xi32>
          %add3A_263 = arith.addi %add3A_245, %add3A_262 : vector<16xi32>
          %get3A_264 = arith.index_cast %scan3A_48 : i32 to index
          %get3A_265 = arith.constant 176 : index
          %get3A_266 = tpu.vector_load %arg5[%get3A_264, %get3A_265] {strides = array<i32>} : memref<8x512xf32, #tpu.memory_space<vmem>>, vector<16xf32>,
          %lt3A_267 = arith.cmpf olt, %get3A_266, %select_n3A_250 : vector<16xf32>
          %select_n3A_268 = arith.select %lt3A_267, %get3A_266, %select_n3A_250 : vector<16xi1>, vector<16xf32>
          %select_n3A_269 = arith.select %lt3A_267, %add3A_254, %select_n3A_251 : vector<16xi1>, vector<16xi32>
          %add3A_270 = arith.constant 16 : i32
          %add3A_271 = vector.broadcast %add3A_270 : i32 to vector<16xi32>
          %add3A_272 = arith.addi %add3A_254, %add3A_271 : vector<16xi32>
          %get3A_273 = arith.index_cast %scan3A_48 : i32 to index
          %get3A_274 = arith.constant 432 : index
          %get3A_275 = tpu.vector_load %arg5[%get3A_273, %get3A_274] {strides = array<i32>} : memref<8x512xf32, #tpu.memory_space<vmem>>, vector<16xf32>,
          %lt3A_276 = arith.cmpf olt, %get3A_275, %select_n3A_259 : vector<16xf32>
          %select_n3A_277 = arith.select %lt3A_276, %get3A_275, %select_n3A_259 : vector<16xi1>, vector<16xf32>
          %select_n3A_278 = arith.select %lt3A_276, %add3A_263, %select_n3A_260 : vector<16xi1>, vector<16xi32>
          %add3A_279 = arith.constant 16 : i32
          %add3A_280 = vector.broadcast %add3A_279 : i32 to vector<16xi32>
          %add3A_281 = arith.addi %add3A_263, %add3A_280 : vector<16xi32>
          %get3A_282 = arith.index_cast %scan3A_48 : i32 to index
          %get3A_283 = arith.constant 192 : index
          %get3A_284 = tpu.vector_load %arg5[%get3A_282, %get3A_283] {strides = array<i32>} : memref<8x512xf32, #tpu.memory_space<vmem>>, vector<16xf32>,
          %lt3A_285 = arith.cmpf olt, %get3A_284, %select_n3A_268 : vector<16xf32>
          %select_n3A_286 = arith.select %lt3A_285, %get3A_284, %select_n3A_268 : vector<16xi1>, vector<16xf32>
          %select_n3A_287 = arith.select %lt3A_285, %add3A_272, %select_n3A_269 : vector<16xi1>, vector<16xi32>
          %add3A_288 = arith.constant 16 : i32
          %add3A_289 = vector.broadcast %add3A_288 : i32 to vector<16xi32>
          %add3A_290 = arith.addi %add3A_272, %add3A_289 : vector<16xi32>
          %get3A_291 = arith.index_cast %scan3A_48 : i32 to index
          %get3A_292 = arith.constant 448 : index
          %get3A_293 = tpu.vector_load %arg5[%get3A_291, %get3A_292] {strides = array<i32>} : memref<8x512xf32, #tpu.memory_space<vmem>>, vector<16xf32>,
          %lt3A_294 = arith.cmpf olt, %get3A_293, %select_n3A_277 : vector<16xf32>
          %select_n3A_295 = arith.select %lt3A_294, %get3A_293, %select_n3A_277 : vector<16xi1>, vector<16xf32>
          %select_n3A_296 = arith.select %lt3A_294, %add3A_281, %select_n3A_278 : vector<16xi1>, vector<16xi32>
          %add3A_297 = arith.constant 16 : i32
          %add3A_298 = vector.broadcast %add3A_297 : i32 to vector<16xi32>
          %add3A_299 = arith.addi %add3A_281, %add3A_298 : vector<16xi32>
          %get3A_300 = arith.index_cast %scan3A_48 : i32 to index
          %get3A_301 = arith.constant 208 : index
          %get3A_302 = tpu.vector_load %arg5[%get3A_300, %get3A_301] {strides = array<i32>} : memref<8x512xf32, #tpu.memory_space<vmem>>, vector<16xf32>,
          %lt3A_303 = arith.cmpf olt, %get3A_302, %select_n3A_286 : vector<16xf32>
          %select_n3A_304 = arith.select %lt3A_303, %get3A_302, %select_n3A_286 : vector<16xi1>, vector<16xf32>
          %select_n3A_305 = arith.select %lt3A_303, %add3A_290, %select_n3A_287 : vector<16xi1>, vector<16xi32>
          %add3A_306 = arith.constant 16 : i32
          %add3A_307 = vector.broadcast %add3A_306 : i32 to vector<16xi32>
          %add3A_308 = arith.addi %add3A_290, %add3A_307 : vector<16xi32>
          %get3A_309 = arith.index_cast %scan3A_48 : i32 to index
          %get3A_310 = arith.constant 464 : index
          %get3A_311 = tpu.vector_load %arg5[%get3A_309, %get3A_310] {strides = array<i32>} : memref<8x512xf32, #tpu.memory_space<vmem>>, vector<16xf32>,
          %lt3A_312 = arith.cmpf olt, %get3A_311, %select_n3A_295 : vector<16xf32>
          %select_n3A_313 = arith.select %lt3A_312, %get3A_311, %select_n3A_295 : vector<16xi1>, vector<16xf32>
          %select_n3A_314 = arith.select %lt3A_312, %add3A_299, %select_n3A_296 : vector<16xi1>, vector<16xi32>
          %add3A_315 = arith.constant 16 : i32
          %add3A_316 = vector.broadcast %add3A_315 : i32 to vector<16xi32>
          %add3A_317 = arith.addi %add3A_299, %add3A_316 : vector<16xi32>
          %get3A_318 = arith.index_cast %scan3A_48 : i32 to index
          %get3A_319 = arith.constant 224 : index
          %get3A_320 = tpu.vector_load %arg5[%get3A_318, %get3A_319] {strides = array<i32>} : memref<8x512xf32, #tpu.memory_space<vmem>>, vector<16xf32>,
          %lt3A_321 = arith.cmpf olt, %get3A_320, %select_n3A_304 : vector<16xf32>
          %select_n3A_322 = arith.select %lt3A_321, %get3A_320, %select_n3A_304 : vector<16xi1>, vector<16xf32>
          %select_n3A_323 = arith.select %lt3A_321, %add3A_308, %select_n3A_305 : vector<16xi1>, vector<16xi32>
          %add3A_324 = arith.constant 16 : i32
          %add3A_325 = vector.broadcast %add3A_324 : i32 to vector<16xi32>
          %add3A_326 = arith.addi %add3A_308, %add3A_325 : vector<16xi32>
          %get3A_327 = arith.index_cast %scan3A_48 : i32 to index
          %get3A_328 = arith.constant 480 : index
          %get3A_329 = tpu.vector_load %arg5[%get3A_327, %get3A_328] {strides = array<i32>} : memref<8x512xf32, #tpu.memory_space<vmem>>, vector<16xf32>,
          %lt3A_330 = arith.cmpf olt, %get3A_329, %select_n3A_313 : vector<16xf32>
          %select_n3A_331 = arith.select %lt3A_330, %get3A_329, %select_n3A_313 : vector<16xi1>, vector<16xf32>
          %select_n3A_332 = arith.select %lt3A_330, %add3A_317, %select_n3A_314 : vector<16xi1>, vector<16xi32>
          %add3A_333 = arith.constant 16 : i32
          %add3A_334 = vector.broadcast %add3A_333 : i32 to vector<16xi32>
          %add3A_335 = arith.addi %add3A_317, %add3A_334 : vector<16xi32>
          %get3A_336 = arith.index_cast %scan3A_48 : i32 to index
          %get3A_337 = arith.constant 240 : index
          %get3A_338 = tpu.vector_load %arg5[%get3A_336, %get3A_337] {strides = array<i32>} : memref<8x512xf32, #tpu.memory_space<vmem>>, vector<16xf32>,
          %lt3A_339 = arith.cmpf olt, %get3A_338, %select_n3A_322 : vector<16xf32>
          %select_n3A_340 = arith.select %lt3A_339, %get3A_338, %select_n3A_322 : vector<16xi1>, vector<16xf32>
          %select_n3A_341 = arith.select %lt3A_339, %add3A_326, %select_n3A_323 : vector<16xi1>, vector<16xi32>
          %add3A_342 = arith.constant 16 : i32
          %add3A_343 = vector.broadcast %add3A_342 : i32 to vector<16xi32>
          %add3A_344 = arith.addi %add3A_326, %add3A_343 : vector<16xi32>
          %get3A_345 = arith.index_cast %scan3A_48 : i32 to index
          %get3A_346 = arith.constant 496 : index
          %get3A_347 = tpu.vector_load %arg5[%get3A_345, %get3A_346] {strides = array<i32>} : memref<8x512xf32, #tpu.memory_space<vmem>>, vector<16xf32>,
          %lt3A_348 = arith.cmpf olt, %get3A_347, %select_n3A_331 : vector<16xf32>
          %select_n3A_349 = arith.select %lt3A_348, %get3A_347, %select_n3A_331 : vector<16xi1>, vector<16xf32>
          %select_n3A_350 = arith.select %lt3A_348, %add3A_335, %select_n3A_332 : vector<16xi1>, vector<16xi32>
          %add3A_351 = arith.constant 16 : i32
          %add3A_352 = vector.broadcast %add3A_351 : i32 to vector<16xi32>
          %add3A_353 = arith.addi %add3A_335, %add3A_352 : vector<16xi32>
          %lt3A_354 = arith.cmpf olt, %select_n3A_349, %select_n3A_340 : vector<16xf32>
          %select_n3A_355 = arith.select %lt3A_354, %select_n3A_349, %select_n3A_340 : vector<16xi1>, vector<16xf32>
          %select_n3A_356 = arith.select %lt3A_354, %select_n3A_350, %select_n3A_341 : vector<16xi1>, vector<16xi32>
          %reduce_min3A = arith.constant true
          %reduce_min3A_357 = vector.broadcast %reduce_min3A : i1 to vector<16xi1>
          %reduce_min3A_358 = tpu.scan <min>, %select_n3A_355 masked %reduce_min3A_357 : vector<16xf32>, vector<16xi1> -> vector<16xf32>
          %reduce_min3A_359 = vector.extract %reduce_min3A_358[15] : f32 from vector<16xf32>
          %eq3A_360 = vector.broadcast %reduce_min3A_359 : f32 to vector<16xf32>
          %eq3A_361 = arith.cmpf oeq, %select_n3A_355, %eq3A_360 : vector<16xf32>
          %jit3A_362 = arith.constant 512 : i32
          %broadcast_in_dim3A_363 = vector.broadcast %jit3A_362 : i32 to vector<16xi32>
          %select_n3A_364 = arith.select %eq3A_361, %select_n3A_356, %broadcast_in_dim3A_363 : vector<16xi1>, vector<16xi32>
          %reduce_min3A_365 = arith.constant true
          %reduce_min3A_366 = vector.broadcast %reduce_min3A_365 : i1 to vector<16xi1>
          %reduce_min3A_367 = arith.constant -2147483648 : i32
          %reduce_min3A_368 = vector.broadcast %reduce_min3A_367 : i32 to vector<16xi32>
          %reduce_min3A_369 = arith.xori %select_n3A_364, %reduce_min3A_368 : vector<16xi32>
          %reduce_min3A_370 = tpu.scan <min>, %reduce_min3A_369 masked %reduce_min3A_366 : vector<16xi32>, vector<16xi1> -> vector<16xi32>
          %reduce_min3A_371 = arith.xori %reduce_min3A_370, %reduce_min3A_368 : vector<16xi32>
          %reduce_min3A_372 = vector.extract %reduce_min3A_371[15] : i32 from vector<16xi32>
          %broadcast_in_dim3A_373 = vector.broadcast %reduce_min3A_372 : i32 to vector<16xi32>
          %mul3A_374 = arith.constant 16 : i32
          %mul3A_375 = arith.muli %scan3A_48, %mul3A_374 : i32
          %add3A_376 = arith.addi %mul3A_375, %scan3A_57 : i32
          %broadcast_in_dim3A_377 = vector.broadcast %add3A_376 : i32 to vector<16xi32>
          %add3A_378 = vector.broadcast %mul3A_20 : i32 to vector<16xi32>
          %add3A_379 = arith.addi %broadcast_in_dim3A_373, %add3A_378 : vector<16xi32>
          tpu.vector_store_idx %arg6[%broadcast_in_dim3A_377], %add3A_379 masked %eq3A_22 : memref<128xi32, #tpu.memory_space<vmem>>[vector<16xi32>], vector<16xi32>, vector<16xi1>
          %mul3A_380 = arith.constant 16 : i32
          %mul3A_381 = arith.muli %scan3A_48, %mul3A_380 : i32
          %add3A_382 = arith.constant 10 : i32
          %add3A_383 = arith.addi %mul3A_381, %add3A_382 : i32
          %add3A_384 = arith.addi %add3A_383, %scan3A_57 : i32
          %broadcast_in_dim3A_385 = vector.broadcast %add3A_384 : i32 to vector<16xi32>
          %add3A_386 = vector.broadcast %mul3A_20 : i32 to vector<16xi32>
          %add3A_387 = arith.addi %broadcast_in_dim3A_373, %add3A_386 : vector<16xi32>
          %lt3A_388 = arith.constant 6 : i32
          %lt3A_389 = arith.cmpi slt, %scan3A_57, %lt3A_388 : i32
          %and3A_390 = vector.broadcast %lt3A_389 : i1 to vector<16xi1>
          %and3A_391 = arith.andi %eq3A_22, %and3A_390 : vector<16xi1>
          tpu.vector_store_idx %arg6[%broadcast_in_dim3A_385], %add3A_387 masked %and3A_391 : memref<128xi32, #tpu.memory_space<vmem>>[vector<16xi32>], vector<16xi32>, vector<16xi1>
          %broadcast_in_dim3A_392 = vector.broadcast %scan3A_48 : i32 to vector<16xi32>
          %broadcast_in_dim3A_393 = arith.constant 0x7F800000 : f32
          %broadcast_in_dim3A_394 = vector.broadcast %broadcast_in_dim3A_393 : f32 to vector<16xf32>
          tpu.vector_store_idx %arg5[%broadcast_in_dim3A_392, %broadcast_in_dim3A_373], %broadcast_in_dim3A_394 masked %eq3A_22 : memref<8x512xf32, #tpu.memory_space<vmem>>[vector<16xi32>, vector<16xi32>], vector<16xf32>, vector<16xi1>
        }
        %scan3A_55 = arith.constant 10 : i32
        %scan3A_56 = arith.constant 0 : i32
        scf.yield %scan3A_56 : i32
      }
      %scan3A_40 = arith.constant 8 : i32
      %dma_start3A = arith.constant 0 : i32
      %dma_start3A_41 = arith.constant 0 : i32
      %dma_start3A_42 = tpu.memref_slice %arg3[%dma_start3A, %dma_start3A_41] : memref<8192x128xf32, #tpu.memory_space<hbm>> -> memref<8192x128xf32, #tpu.memory_space<hbm>>
      tpu.enqueue_indirect_dma source(%dma_start3A_42 : memref<8192x128xf32, #tpu.memory_space<hbm>>) target(%arg7 : memref<128x128xf32, #tpu.memory_space<vmem>>) offsets(%arg6 : memref<128xi32, #tpu.memory_space<vmem>>) semaphore(%arg8 : memref<!tpu.dma_semaphore, #tpu.memory_space<semaphore_mem>>)
      %dma_wait3A = arith.constant 0 : i32
      %dma_wait3A_43 = arith.constant 0 : i32
      %dma_wait3A_44 = tpu.memref_slice %arg3[%dma_wait3A, %dma_wait3A_43] : memref<8192x128xf32, #tpu.memory_space<hbm>> -> memref<8192x128xf32, #tpu.memory_space<hbm>>
      tpu.wait_indirect_dma semaphore(%arg8 : memref<!tpu.dma_semaphore, #tpu.memory_space<semaphore_mem>>) src(%dma_wait3A_44 : memref<8192x128xf32, #tpu.memory_space<hbm>>) dst(%arg7 : memref<128x128xf32, #tpu.memory_space<vmem>>)
      %mul3A_45 = arith.constant 16 : i32
      %mul3A_46 = arith.muli %add3A_33, %mul3A_45 : i32
      "tpu.region"() ({
        %run_scoped3A = tpu.sem_alloc : memref<!tpu.dma_semaphore, #tpu.memory_space<semaphore_mem>>
        %dma_start3A_48 = arith.constant 0 : i32
        %dma_start3A_49 = tpu.memref_slice %arg4[%mul3A_46, %dma_start3A_48] : memref<131072x128xf32, #tpu.memory_space<hbm>> -> memref<128x128xf32, #tpu.memory_space<hbm>>
        %dma_start3A_50 = arith.constant 0 : i32
        %dma_start3A_51 = tpu.memref_slice %arg4[%mul3A_46, %dma_start3A_50] : memref<131072x128xf32, #tpu.memory_space<hbm>> -> memref<128x128xf32, #tpu.memory_space<hbm>>
        tpu.enqueue_dma source(%arg7 : memref<128x128xf32, #tpu.memory_space<vmem>>) target(%dma_start3A_51 : memref<128x128xf32, #tpu.memory_space<hbm>>) target_semaphore(%run_scoped3A : memref<!tpu.dma_semaphore, #tpu.memory_space<semaphore_mem>>)
        %dma_wait3A_52 = arith.constant 0 : i32
        %dma_wait3A_53 = tpu.memref_slice %arg4[%mul3A_46, %dma_wait3A_52] : memref<131072x128xf32, #tpu.memory_space<hbm>> -> memref<128x128xf32, #tpu.memory_space<hbm>>
        %dma_wait3A_54 = arith.constant 0 : i32
        %dma_wait3A_55 = tpu.memref_slice %arg4[%mul3A_46, %dma_wait3A_54] : memref<131072x128xf32, #tpu.memory_space<hbm>> -> memref<128x128xf32, #tpu.memory_space<hbm>>
        tpu.wait_dma2 semaphore(%run_scoped3A : memref<!tpu.dma_semaphore, #tpu.memory_space<semaphore_mem>>) src(%arg7 : memref<128x128xf32, #tpu.memory_space<vmem>>) dst(%dma_wait3A_55 : memref<128x128xf32, #tpu.memory_space<hbm>>)
        tpu.yield
      }) : () -> ()
      %scan3A_47 = arith.constant 0 : i32
      scf.yield %scan3A_47 : i32
    }
    %scan3A_28 = arith.constant 32 : i32
    return
  }
}

#map = affine_map<(d0, d1) -> (0, 0)>
module attributes {stable_mosaic.version = 14 : i64} {
  func.func @k(%arg0: i32, %arg1: i32, %arg2: memref<8192x512xf32, #tpu.memory_space<hbm>>, %arg3: memref<8192x128xf32, #tpu.memory_space<hbm>>, %arg4: memref<131072x128xf32, #tpu.memory_space<hbm>>, %arg5: memref<8x512xf32, #tpu.memory_space<vmem>>, %arg6: memref<128xi32, #tpu.memory_space<vmem>>, %arg7: memref<128x128xf32, #tpu.memory_space<vmem>>, %arg8: memref<!tpu.dma_semaphore, #tpu.memory_space<semaphore_mem>>) attributes {dimension_semantics = [#tpu.dimension_semantics<core_parallel>, #tpu.dimension_semantics<subcore_parallel>], iteration_bounds = array<i64: 2, 16>, scalar_prefetch = 0 : i64, scratch_operands = 4 : i64, tpu.core_type = #tpu.core_type<sc_vector_subcore>, window_params = [{transform_indices = #map}, {transform_indices = #map}, {transform_indices = #map}]} {
    %mul3A = arith.constant 2 : i32
    %mul3A_0 = arith.muli %arg1, %mul3A : i32
    %add3A = arith.addi %mul3A_0, %arg0 : i32
    %mul3A_1 = arith.constant 256 : i32
    %mul3A_2 = arith.muli %add3A, %mul3A_1 : i32
    %jit3A = arith.constant 512 : i32
    %div3A = arith.divsi %mul3A_2, %jit3A : i32
    %sign3A = arith.constant 0 : i32
    %sign3A_3 = arith.cmpi sgt, %mul3A_2, %sign3A : i32
    %sign3A_4 = arith.extui %sign3A_3 : i1 to i32
    %sign3A_5 = arith.constant 0 : i32
    %sign3A_6 = arith.cmpi slt, %mul3A_2, %sign3A_5 : i32
    %sign3A_7 = arith.extui %sign3A_6 : i1 to i32
    %sign3A_8 = arith.subi %sign3A_4, %sign3A_7 : i32
    %sign3A_9 = arith.constant 0 : i32
    %sign3A_10 = arith.cmpi sgt, %jit3A, %sign3A_9 : i32
    %sign3A_11 = arith.extui %sign3A_10 : i1 to i32
    %sign3A_12 = arith.constant 0 : i32
    %sign3A_13 = arith.cmpi slt, %jit3A, %sign3A_12 : i32
    %sign3A_14 = arith.extui %sign3A_13 : i1 to i32
    %sign3A_15 = arith.subi %sign3A_11, %sign3A_14 : i32
    %ne3A = arith.cmpi ne, %sign3A_8, %sign3A_15 : i32
    %rem3A = arith.remsi %mul3A_2, %jit3A : i32
    %ne3A_16 = arith.constant 0 : i32
    %ne3A_17 = arith.cmpi ne, %rem3A, %ne3A_16 : i32
    %and3A = arith.andi %ne3A, %ne3A_17 : i1
    %sub3A = arith.constant 1 : i32
    %sub3A_18 = arith.subi %div3A, %sub3A : i32
    %select_n3A = arith.select %and3A, %sub3A_18, %div3A : i32
    %mul3A_19 = arith.constant 512 : i32
    %mul3A_20 = arith.muli %select_n3A, %mul3A_19 : i32
    %iota3A = tpu.iota {dimensions = array<i32: 0>} : vector<16xi32>
    %eq3A = arith.constant 0 : i32
    %eq3A_21 = vector.broadcast %eq3A : i32 to vector<16xi32>
    %eq3A_22 = arith.cmpi eq, %iota3A, %eq3A_21 : vector<16xi32>
    %scan3A = arith.constant 0 : i32
    %scan3A_23 = arith.constant 0 : i32
    %scan3A_24 = arith.constant 32 : i32
    %scan3A_25 = arith.addi %scan3A_23, %scan3A_24 : i32
    %scan3A_26 = arith.constant 1 : i32
    %scan3A_27 = scf.for %scan3A_29 = %scan3A_23 to %scan3A_25 step %scan3A_26 iter_args(%scan3A_30 = %scan3A) -> (i32)  : i32 {
      %mul3A_31 = arith.constant 8 : i32
      %mul3A_32 = arith.muli %scan3A_29, %mul3A_31 : i32
      %add3A_33 = arith.addi %mul3A_2, %mul3A_32 : i32
      "tpu.region"() ({
        %run_scoped3A = tpu.sem_alloc : memref<!tpu.dma_semaphore, #tpu.memory_space<semaphore_mem>>
        %dma_start3A_48 = arith.constant 0 : i32
        %dma_start3A_49 = tpu.memref_slice %arg2[%add3A_33, %dma_start3A_48] : memref<8192x512xf32, #tpu.memory_space<hbm>> -> memref<8x512xf32, #tpu.memory_space<hbm>>
        %dma_start3A_50 = arith.constant 0 : i32
        %dma_start3A_51 = tpu.memref_slice %arg2[%add3A_33, %dma_start3A_50] : memref<8192x512xf32, #tpu.memory_space<hbm>> -> memref<8x512xf32, #tpu.memory_space<hbm>>
        tpu.enqueue_dma source(%dma_start3A_51 : memref<8x512xf32, #tpu.memory_space<hbm>>) target(%arg5 : memref<8x512xf32, #tpu.memory_space<vmem>>) target_semaphore(%run_scoped3A : memref<!tpu.dma_semaphore, #tpu.memory_space<semaphore_mem>>)
        %dma_wait3A_52 = arith.constant 0 : i32
        %dma_wait3A_53 = tpu.memref_slice %arg2[%add3A_33, %dma_wait3A_52] : memref<8192x512xf32, #tpu.memory_space<hbm>> -> memref<8x512xf32, #tpu.memory_space<hbm>>
        %dma_wait3A_54 = arith.constant 0 : i32
        %dma_wait3A_55 = tpu.memref_slice %arg2[%add3A_33, %dma_wait3A_54] : memref<8192x512xf32, #tpu.memory_space<hbm>> -> memref<8x512xf32, #tpu.memory_space<hbm>>
        tpu.wait_dma2 semaphore(%run_scoped3A : memref<!tpu.dma_semaphore, #tpu.memory_space<semaphore_mem>>) src(%dma_wait3A_55 : memref<8x512xf32, #tpu.memory_space<hbm>>) dst(%arg5 : memref<8x512xf32, #tpu.memory_space<vmem>>)
        tpu.yield
      }) : () -> ()
      %scan3A_34 = arith.constant 0 : i32
      %scan3A_35 = arith.constant 0 : i32
      %scan3A_36 = arith.constant 8 : i32
      %scan3A_37 = arith.addi %scan3A_35, %scan3A_36 : i32
      %scan3A_38 = arith.constant 1 : i32
      %scan3A_39 = scf.for %scan3A_48 = %scan3A_35 to %scan3A_37 step %scan3A_38 iter_args(%scan3A_49 = %scan3A_34) -> (i32)  : i32 {
        %scan3A_50 = arith.constant 0 : i32
        %scan3A_51 = arith.constant 0 : i32
        %scan3A_52 = arith.constant 10 : i32
        %scan3A_53 = arith.addi %scan3A_51, %scan3A_52 : i32
        %scan3A_54 = arith.constant 1 : i32
        scf.for %scan3A_57 = %scan3A_51 to %scan3A_53 step %scan3A_54  : i32 {
          %broadcast_in_dim3A = arith.constant 0x7F800000 : f32
          %broadcast_in_dim3A_58 = vector.broadcast %broadcast_in_dim3A : f32 to vector<16xf32>
          %broadcast_in_dim3A_59 = arith.constant 0 : i32
          %broadcast_in_dim3A_60 = vector.broadcast %broadcast_in_dim3A_59 : i32 to vector<16xi32>
          %broadcast_in_dim3A_61 = arith.constant 0x7F800000 : f32
          %broadcast_in_dim3A_62 = vector.broadcast %broadcast_in_dim3A_61 : f32 to vector<16xf32>
          %broadcast_in_dim3A_63 = arith.constant 0 : i32
          %broadcast_in_dim3A_64 = vector.broadcast %broadcast_in_dim3A_63 : i32 to vector<16xi32>
          %add3A_65 = arith.constant 256 : i32
          %add3A_66 = vector.broadcast %add3A_65 : i32 to vector<16xi32>
          %add3A_67 = arith.addi %iota3A, %add3A_66 : vector<16xi32>
          %get3A = arith.index_cast %scan3A_48 : i32 to index
          %get3A_68 = arith.constant 0 : index
          %get3A_69 = tpu.vector_load %arg5[%get3A, %get3A_68] {strides = array<i32>} : memref<8x512xf32, #tpu.memory_space<vmem>>, vector<16xf32>,
          %lt3A = arith.cmpf olt, %get3A_69, %broadcast_in_dim3A_58 : vector<16xf32>
          %select_n3A_70 = arith.select %lt3A, %get3A_69, %broadcast_in_dim3A_58 : vector<16xi1>, vector<16xf32>
          %select_n3A_71 = arith.select %lt3A, %iota3A, %broadcast_in_dim3A_60 : vector<16xi1>, vector<16xi32>
          %add3A_72 = arith.constant 16 : i32
          %add3A_73 = vector.broadcast %add3A_72 : i32 to vector<16xi32>
          %add3A_74 = arith.addi %iota3A, %add3A_73 : vector<16xi32>
          %get3A_75 = arith.index_cast %scan3A_48 : i32 to index
          %get3A_76 = arith.constant 256 : index
          %get3A_77 = tpu.vector_load %arg5[%get3A_75, %get3A_76] {strides = array<i32>} : memref<8x512xf32, #tpu.memory_space<vmem>>, vector<16xf32>,
          %lt3A_78 = arith.cmpf olt, %get3A_77, %broadcast_in_dim3A_62 : vector<16xf32>
          %select_n3A_79 = arith.select %lt3A_78, %get3A_77, %broadcast_in_dim3A_62 : vector<16xi1>, vector<16xf32>
          %select_n3A_80 = arith.select %lt3A_78, %add3A_67, %broadcast_in_dim3A_64 : vector<16xi1>, vector<16xi32>
          %add3A_81 = arith.constant 16 : i32
          %add3A_82 = vector.broadcast %add3A_81 : i32 to vector<16xi32>
          %add3A_83 = arith.addi %add3A_67, %add3A_82 : vector<16xi32>
          %get3A_84 = arith.index_cast %scan3A_48 : i32 to index
          %get3A_85 = arith.constant 16 : index
          %get3A_86 = tpu.vector_load %arg5[%get3A_84, %get3A_85] {strides = array<i32>} : memref<8x512xf32, #tpu.memory_space<vmem>>, vector<16xf32>,
          %lt3A_87 = arith.cmpf olt, %get3A_86, %select_n3A_70 : vector<16xf32>
          %select_n3A_88 = arith.select %lt3A_87, %get3A_86, %select_n3A_70 : vector<16xi1>, vector<16xf32>
          %select_n3A_89 = arith.select %lt3A_87, %add3A_74, %select_n3A_71 : vector<16xi1>, vector<16xi32>
          %add3A_90 = arith.constant 16 : i32
          %add3A_91 = vector.broadcast %add3A_90 : i32 to vector<16xi32>
          %add3A_92 = arith.addi %add3A_74, %add3A_91 : vector<16xi32>
          %get3A_93 = arith.index_cast %scan3A_48 : i32 to index
          %get3A_94 = arith.constant 272 : index
          %get3A_95 = tpu.vector_load %arg5[%get3A_93, %get3A_94] {strides = array<i32>} : memref<8x512xf32, #tpu.memory_space<vmem>>, vector<16xf32>,
          %lt3A_96 = arith.cmpf olt, %get3A_95, %select_n3A_79 : vector<16xf32>
          %select_n3A_97 = arith.select %lt3A_96, %get3A_95, %select_n3A_79 : vector<16xi1>, vector<16xf32>
          %select_n3A_98 = arith.select %lt3A_96, %add3A_83, %select_n3A_80 : vector<16xi1>, vector<16xi32>
          %add3A_99 = arith.constant 16 : i32
          %add3A_100 = vector.broadcast %add3A_99 : i32 to vector<16xi32>
          %add3A_101 = arith.addi %add3A_83, %add3A_100 : vector<16xi32>
          %get3A_102 = arith.index_cast %scan3A_48 : i32 to index
          %get3A_103 = arith.constant 32 : index
          %get3A_104 = tpu.vector_load %arg5[%get3A_102, %get3A_103] {strides = array<i32>} : memref<8x512xf32, #tpu.memory_space<vmem>>, vector<16xf32>,
          %lt3A_105 = arith.cmpf olt, %get3A_104, %select_n3A_88 : vector<16xf32>
          %select_n3A_106 = arith.select %lt3A_105, %get3A_104, %select_n3A_88 : vector<16xi1>, vector<16xf32>
          %select_n3A_107 = arith.select %lt3A_105, %add3A_92, %select_n3A_89 : vector<16xi1>, vector<16xi32>
          %add3A_108 = arith.constant 16 : i32
          %add3A_109 = vector.broadcast %add3A_108 : i32 to vector<16xi32>
          %add3A_110 = arith.addi %add3A_92, %add3A_109 : vector<16xi32>
          %get3A_111 = arith.index_cast %scan3A_48 : i32 to index
          %get3A_112 = arith.constant 288 : index
          %get3A_113 = tpu.vector_load %arg5[%get3A_111, %get3A_112] {strides = array<i32>} : memref<8x512xf32, #tpu.memory_space<vmem>>, vector<16xf32>,
          %lt3A_114 = arith.cmpf olt, %get3A_113, %select_n3A_97 : vector<16xf32>
          %select_n3A_115 = arith.select %lt3A_114, %get3A_113, %select_n3A_97 : vector<16xi1>, vector<16xf32>
          %select_n3A_116 = arith.select %lt3A_114, %add3A_101, %select_n3A_98 : vector<16xi1>, vector<16xi32>
          %add3A_117 = arith.constant 16 : i32
          %add3A_118 = vector.broadcast %add3A_117 : i32 to vector<16xi32>
          %add3A_119 = arith.addi %add3A_101, %add3A_118 : vector<16xi32>
          %get3A_120 = arith.index_cast %scan3A_48 : i32 to index
          %get3A_121 = arith.constant 48 : index
          %get3A_122 = tpu.vector_load %arg5[%get3A_120, %get3A_121] {strides = array<i32>} : memref<8x512xf32, #tpu.memory_space<vmem>>, vector<16xf32>,
          %lt3A_123 = arith.cmpf olt, %get3A_122, %select_n3A_106 : vector<16xf32>
          %select_n3A_124 = arith.select %lt3A_123, %get3A_122, %select_n3A_106 : vector<16xi1>, vector<16xf32>
          %select_n3A_125 = arith.select %lt3A_123, %add3A_110, %select_n3A_107 : vector<16xi1>, vector<16xi32>
          %add3A_126 = arith.constant 16 : i32
          %add3A_127 = vector.broadcast %add3A_126 : i32 to vector<16xi32>
          %add3A_128 = arith.addi %add3A_110, %add3A_127 : vector<16xi32>
          %get3A_129 = arith.index_cast %scan3A_48 : i32 to index
          %get3A_130 = arith.constant 304 : index
          %get3A_131 = tpu.vector_load %arg5[%get3A_129, %get3A_130] {strides = array<i32>} : memref<8x512xf32, #tpu.memory_space<vmem>>, vector<16xf32>,
          %lt3A_132 = arith.cmpf olt, %get3A_131, %select_n3A_115 : vector<16xf32>
          %select_n3A_133 = arith.select %lt3A_132, %get3A_131, %select_n3A_115 : vector<16xi1>, vector<16xf32>
          %select_n3A_134 = arith.select %lt3A_132, %add3A_119, %select_n3A_116 : vector<16xi1>, vector<16xi32>
          %add3A_135 = arith.constant 16 : i32
          %add3A_136 = vector.broadcast %add3A_135 : i32 to vector<16xi32>
          %add3A_137 = arith.addi %add3A_119, %add3A_136 : vector<16xi32>
          %get3A_138 = arith.index_cast %scan3A_48 : i32 to index
          %get3A_139 = arith.constant 64 : index
          %get3A_140 = tpu.vector_load %arg5[%get3A_138, %get3A_139] {strides = array<i32>} : memref<8x512xf32, #tpu.memory_space<vmem>>, vector<16xf32>,
          %lt3A_141 = arith.cmpf olt, %get3A_140, %select_n3A_124 : vector<16xf32>
          %select_n3A_142 = arith.select %lt3A_141, %get3A_140, %select_n3A_124 : vector<16xi1>, vector<16xf32>
          %select_n3A_143 = arith.select %lt3A_141, %add3A_128, %select_n3A_125 : vector<16xi1>, vector<16xi32>
          %add3A_144 = arith.constant 16 : i32
          %add3A_145 = vector.broadcast %add3A_144 : i32 to vector<16xi32>
          %add3A_146 = arith.addi %add3A_128, %add3A_145 : vector<16xi32>
          %get3A_147 = arith.index_cast %scan3A_48 : i32 to index
          %get3A_148 = arith.constant 320 : index
          %get3A_149 = tpu.vector_load %arg5[%get3A_147, %get3A_148] {strides = array<i32>} : memref<8x512xf32, #tpu.memory_space<vmem>>, vector<16xf32>,
          %lt3A_150 = arith.cmpf olt, %get3A_149, %select_n3A_133 : vector<16xf32>
          %select_n3A_151 = arith.select %lt3A_150, %get3A_149, %select_n3A_133 : vector<16xi1>, vector<16xf32>
          %select_n3A_152 = arith.select %lt3A_150, %add3A_137, %select_n3A_134 : vector<16xi1>, vector<16xi32>
          %add3A_153 = arith.constant 16 : i32
          %add3A_154 = vector.broadcast %add3A_153 : i32 to vector<16xi32>
          %add3A_155 = arith.addi %add3A_137, %add3A_154 : vector<16xi32>
          %get3A_156 = arith.index_cast %scan3A_48 : i32 to index
          %get3A_157 = arith.constant 80 : index
          %get3A_158 = tpu.vector_load %arg5[%get3A_156, %get3A_157] {strides = array<i32>} : memref<8x512xf32, #tpu.memory_space<vmem>>, vector<16xf32>,
          %lt3A_159 = arith.cmpf olt, %get3A_158, %select_n3A_142 : vector<16xf32>
          %select_n3A_160 = arith.select %lt3A_159, %get3A_158, %select_n3A_142 : vector<16xi1>, vector<16xf32>
          %select_n3A_161 = arith.select %lt3A_159, %add3A_146, %select_n3A_143 : vector<16xi1>, vector<16xi32>
          %add3A_162 = arith.constant 16 : i32
          %add3A_163 = vector.broadcast %add3A_162 : i32 to vector<16xi32>
          %add3A_164 = arith.addi %add3A_146, %add3A_163 : vector<16xi32>
          %get3A_165 = arith.index_cast %scan3A_48 : i32 to index
          %get3A_166 = arith.constant 336 : index
          %get3A_167 = tpu.vector_load %arg5[%get3A_165, %get3A_166] {strides = array<i32>} : memref<8x512xf32, #tpu.memory_space<vmem>>, vector<16xf32>,
          %lt3A_168 = arith.cmpf olt, %get3A_167, %select_n3A_151 : vector<16xf32>
          %select_n3A_169 = arith.select %lt3A_168, %get3A_167, %select_n3A_151 : vector<16xi1>, vector<16xf32>
          %select_n3A_170 = arith.select %lt3A_168, %add3A_155, %select_n3A_152 : vector<16xi1>, vector<16xi32>
          %add3A_171 = arith.constant 16 : i32
          %add3A_172 = vector.broadcast %add3A_171 : i32 to vector<16xi32>
          %add3A_173 = arith.addi %add3A_155, %add3A_172 : vector<16xi32>
          %get3A_174 = arith.index_cast %scan3A_48 : i32 to index
          %get3A_175 = arith.constant 96 : index
          %get3A_176 = tpu.vector_load %arg5[%get3A_174, %get3A_175] {strides = array<i32>} : memref<8x512xf32, #tpu.memory_space<vmem>>, vector<16xf32>,
          %lt3A_177 = arith.cmpf olt, %get3A_176, %select_n3A_160 : vector<16xf32>
          %select_n3A_178 = arith.select %lt3A_177, %get3A_176, %select_n3A_160 : vector<16xi1>, vector<16xf32>
          %select_n3A_179 = arith.select %lt3A_177, %add3A_164, %select_n3A_161 : vector<16xi1>, vector<16xi32>
          %add3A_180 = arith.constant 16 : i32
          %add3A_181 = vector.broadcast %add3A_180 : i32 to vector<16xi32>
          %add3A_182 = arith.addi %add3A_164, %add3A_181 : vector<16xi32>
          %get3A_183 = arith.index_cast %scan3A_48 : i32 to index
          %get3A_184 = arith.constant 352 : index
          %get3A_185 = tpu.vector_load %arg5[%get3A_183, %get3A_184] {strides = array<i32>} : memref<8x512xf32, #tpu.memory_space<vmem>>, vector<16xf32>,
          %lt3A_186 = arith.cmpf olt, %get3A_185, %select_n3A_169 : vector<16xf32>
          %select_n3A_187 = arith.select %lt3A_186, %get3A_185, %select_n3A_169 : vector<16xi1>, vector<16xf32>
          %select_n3A_188 = arith.select %lt3A_186, %add3A_173, %select_n3A_170 : vector<16xi1>, vector<16xi32>
          %add3A_189 = arith.constant 16 : i32
          %add3A_190 = vector.broadcast %add3A_189 : i32 to vector<16xi32>
          %add3A_191 = arith.addi %add3A_173, %add3A_190 : vector<16xi32>
          %get3A_192 = arith.index_cast %scan3A_48 : i32 to index
          %get3A_193 = arith.constant 112 : index
          %get3A_194 = tpu.vector_load %arg5[%get3A_192, %get3A_193] {strides = array<i32>} : memref<8x512xf32, #tpu.memory_space<vmem>>, vector<16xf32>,
          %lt3A_195 = arith.cmpf olt, %get3A_194, %select_n3A_178 : vector<16xf32>
          %select_n3A_196 = arith.select %lt3A_195, %get3A_194, %select_n3A_178 : vector<16xi1>, vector<16xf32>
          %select_n3A_197 = arith.select %lt3A_195, %add3A_182, %select_n3A_179 : vector<16xi1>, vector<16xi32>
          %add3A_198 = arith.constant 16 : i32
          %add3A_199 = vector.broadcast %add3A_198 : i32 to vector<16xi32>
          %add3A_200 = arith.addi %add3A_182, %add3A_199 : vector<16xi32>
          %get3A_201 = arith.index_cast %scan3A_48 : i32 to index
          %get3A_202 = arith.constant 368 : index
          %get3A_203 = tpu.vector_load %arg5[%get3A_201, %get3A_202] {strides = array<i32>} : memref<8x512xf32, #tpu.memory_space<vmem>>, vector<16xf32>,
          %lt3A_204 = arith.cmpf olt, %get3A_203, %select_n3A_187 : vector<16xf32>
          %select_n3A_205 = arith.select %lt3A_204, %get3A_203, %select_n3A_187 : vector<16xi1>, vector<16xf32>
          %select_n3A_206 = arith.select %lt3A_204, %add3A_191, %select_n3A_188 : vector<16xi1>, vector<16xi32>
          %add3A_207 = arith.constant 16 : i32
          %add3A_208 = vector.broadcast %add3A_207 : i32 to vector<16xi32>
          %add3A_209 = arith.addi %add3A_191, %add3A_208 : vector<16xi32>
          %get3A_210 = arith.index_cast %scan3A_48 : i32 to index
          %get3A_211 = arith.constant 128 : index
          %get3A_212 = tpu.vector_load %arg5[%get3A_210, %get3A_211] {strides = array<i32>} : memref<8x512xf32, #tpu.memory_space<vmem>>, vector<16xf32>,
          %lt3A_213 = arith.cmpf olt, %get3A_212, %select_n3A_196 : vector<16xf32>
          %select_n3A_214 = arith.select %lt3A_213, %get3A_212, %select_n3A_196 : vector<16xi1>, vector<16xf32>
          %select_n3A_215 = arith.select %lt3A_213, %add3A_200, %select_n3A_197 : vector<16xi1>, vector<16xi32>
          %add3A_216 = arith.constant 16 : i32
          %add3A_217 = vector.broadcast %add3A_216 : i32 to vector<16xi32>
          %add3A_218 = arith.addi %add3A_200, %add3A_217 : vector<16xi32>
          %get3A_219 = arith.index_cast %scan3A_48 : i32 to index
          %get3A_220 = arith.constant 384 : index
          %get3A_221 = tpu.vector_load %arg5[%get3A_219, %get3A_220] {strides = array<i32>} : memref<8x512xf32, #tpu.memory_space<vmem>>, vector<16xf32>,
          %lt3A_222 = arith.cmpf olt, %get3A_221, %select_n3A_205 : vector<16xf32>
          %select_n3A_223 = arith.select %lt3A_222, %get3A_221, %select_n3A_205 : vector<16xi1>, vector<16xf32>
          %select_n3A_224 = arith.select %lt3A_222, %add3A_209, %select_n3A_206 : vector<16xi1>, vector<16xi32>
          %add3A_225 = arith.constant 16 : i32
          %add3A_226 = vector.broadcast %add3A_225 : i32 to vector<16xi32>
          %add3A_227 = arith.addi %add3A_209, %add3A_226 : vector<16xi32>
          %get3A_228 = arith.index_cast %scan3A_48 : i32 to index
          %get3A_229 = arith.constant 144 : index
          %get3A_230 = tpu.vector_load %arg5[%get3A_228, %get3A_229] {strides = array<i32>} : memref<8x512xf32, #tpu.memory_space<vmem>>, vector<16xf32>,
          %lt3A_231 = arith.cmpf olt, %get3A_230, %select_n3A_214 : vector<16xf32>
          %select_n3A_232 = arith.select %lt3A_231, %get3A_230, %select_n3A_214 : vector<16xi1>, vector<16xf32>
          %select_n3A_233 = arith.select %lt3A_231, %add3A_218, %select_n3A_215 : vector<16xi1>, vector<16xi32>
          %add3A_234 = arith.constant 16 : i32
          %add3A_235 = vector.broadcast %add3A_234 : i32 to vector<16xi32>
          %add3A_236 = arith.addi %add3A_218, %add3A_235 : vector<16xi32>
          %get3A_237 = arith.index_cast %scan3A_48 : i32 to index
          %get3A_238 = arith.constant 400 : index
          %get3A_239 = tpu.vector_load %arg5[%get3A_237, %get3A_238] {strides = array<i32>} : memref<8x512xf32, #tpu.memory_space<vmem>>, vector<16xf32>,
          %lt3A_240 = arith.cmpf olt, %get3A_239, %select_n3A_223 : vector<16xf32>
          %select_n3A_241 = arith.select %lt3A_240, %get3A_239, %select_n3A_223 : vector<16xi1>, vector<16xf32>
          %select_n3A_242 = arith.select %lt3A_240, %add3A_227, %select_n3A_224 : vector<16xi1>, vector<16xi32>
          %add3A_243 = arith.constant 16 : i32
          %add3A_244 = vector.broadcast %add3A_243 : i32 to vector<16xi32>
          %add3A_245 = arith.addi %add3A_227, %add3A_244 : vector<16xi32>
          %get3A_246 = arith.index_cast %scan3A_48 : i32 to index
          %get3A_247 = arith.constant 160 : index
          %get3A_248 = tpu.vector_load %arg5[%get3A_246, %get3A_247] {strides = array<i32>} : memref<8x512xf32, #tpu.memory_space<vmem>>, vector<16xf32>,
          %lt3A_249 = arith.cmpf olt, %get3A_248, %select_n3A_232 : vector<16xf32>
          %select_n3A_250 = arith.select %lt3A_249, %get3A_248, %select_n3A_232 : vector<16xi1>, vector<16xf32>
          %select_n3A_251 = arith.select %lt3A_249, %add3A_236, %select_n3A_233 : vector<16xi1>, vector<16xi32>
          %add3A_252 = arith.constant 16 : i32
          %add3A_253 = vector.broadcast %add3A_252 : i32 to vector<16xi32>
          %add3A_254 = arith.addi %add3A_236, %add3A_253 : vector<16xi32>
          %get3A_255 = arith.index_cast %scan3A_48 : i32 to index
          %get3A_256 = arith.constant 416 : index
          %get3A_257 = tpu.vector_load %arg5[%get3A_255, %get3A_256] {strides = array<i32>} : memref<8x512xf32, #tpu.memory_space<vmem>>, vector<16xf32>,
          %lt3A_258 = arith.cmpf olt, %get3A_257, %select_n3A_241 : vector<16xf32>
          %select_n3A_259 = arith.select %lt3A_258, %get3A_257, %select_n3A_241 : vector<16xi1>, vector<16xf32>
          %select_n3A_260 = arith.select %lt3A_258, %add3A_245, %select_n3A_242 : vector<16xi1>, vector<16xi32>
          %add3A_261 = arith.constant 16 : i32
          %add3A_262 = vector.broadcast %add3A_261 : i32 to vector<16xi32>
          %add3A_263 = arith.addi %add3A_245, %add3A_262 : vector<16xi32>
          %get3A_264 = arith.index_cast %scan3A_48 : i32 to index
          %get3A_265 = arith.constant 176 : index
          %get3A_266 = tpu.vector_load %arg5[%get3A_264, %get3A_265] {strides = array<i32>} : memref<8x512xf32, #tpu.memory_space<vmem>>, vector<16xf32>,
          %lt3A_267 = arith.cmpf olt, %get3A_266, %select_n3A_250 : vector<16xf32>
          %select_n3A_268 = arith.select %lt3A_267, %get3A_266, %select_n3A_250 : vector<16xi1>, vector<16xf32>
          %select_n3A_269 = arith.select %lt3A_267, %add3A_254, %select_n3A_251 : vector<16xi1>, vector<16xi32>
          %add3A_270 = arith.constant 16 : i32
          %add3A_271 = vector.broadcast %add3A_270 : i32 to vector<16xi32>
          %add3A_272 = arith.addi %add3A_254, %add3A_271 : vector<16xi32>
          %get3A_273 = arith.index_cast %scan3A_48 : i32 to index
          %get3A_274 = arith.constant 432 : index
          %get3A_275 = tpu.vector_load %arg5[%get3A_273, %get3A_274] {strides = array<i32>} : memref<8x512xf32, #tpu.memory_space<vmem>>, vector<16xf32>,
          %lt3A_276 = arith.cmpf olt, %get3A_275, %select_n3A_259 : vector<16xf32>
          %select_n3A_277 = arith.select %lt3A_276, %get3A_275, %select_n3A_259 : vector<16xi1>, vector<16xf32>
          %select_n3A_278 = arith.select %lt3A_276, %add3A_263, %select_n3A_260 : vector<16xi1>, vector<16xi32>
          %add3A_279 = arith.constant 16 : i32
          %add3A_280 = vector.broadcast %add3A_279 : i32 to vector<16xi32>
          %add3A_281 = arith.addi %add3A_263, %add3A_280 : vector<16xi32>
          %get3A_282 = arith.index_cast %scan3A_48 : i32 to index
          %get3A_283 = arith.constant 192 : index
          %get3A_284 = tpu.vector_load %arg5[%get3A_282, %get3A_283] {strides = array<i32>} : memref<8x512xf32, #tpu.memory_space<vmem>>, vector<16xf32>,
          %lt3A_285 = arith.cmpf olt, %get3A_284, %select_n3A_268 : vector<16xf32>
          %select_n3A_286 = arith.select %lt3A_285, %get3A_284, %select_n3A_268 : vector<16xi1>, vector<16xf32>
          %select_n3A_287 = arith.select %lt3A_285, %add3A_272, %select_n3A_269 : vector<16xi1>, vector<16xi32>
          %add3A_288 = arith.constant 16 : i32
          %add3A_289 = vector.broadcast %add3A_288 : i32 to vector<16xi32>
          %add3A_290 = arith.addi %add3A_272, %add3A_289 : vector<16xi32>
          %get3A_291 = arith.index_cast %scan3A_48 : i32 to index
          %get3A_292 = arith.constant 448 : index
          %get3A_293 = tpu.vector_load %arg5[%get3A_291, %get3A_292] {strides = array<i32>} : memref<8x512xf32, #tpu.memory_space<vmem>>, vector<16xf32>,
          %lt3A_294 = arith.cmpf olt, %get3A_293, %select_n3A_277 : vector<16xf32>
          %select_n3A_295 = arith.select %lt3A_294, %get3A_293, %select_n3A_277 : vector<16xi1>, vector<16xf32>
          %select_n3A_296 = arith.select %lt3A_294, %add3A_281, %select_n3A_278 : vector<16xi1>, vector<16xi32>
          %add3A_297 = arith.constant 16 : i32
          %add3A_298 = vector.broadcast %add3A_297 : i32 to vector<16xi32>
          %add3A_299 = arith.addi %add3A_281, %add3A_298 : vector<16xi32>
          %get3A_300 = arith.index_cast %scan3A_48 : i32 to index
          %get3A_301 = arith.constant 208 : index
          %get3A_302 = tpu.vector_load %arg5[%get3A_300, %get3A_301] {strides = array<i32>} : memref<8x512xf32, #tpu.memory_space<vmem>>, vector<16xf32>,
          %lt3A_303 = arith.cmpf olt, %get3A_302, %select_n3A_286 : vector<16xf32>
          %select_n3A_304 = arith.select %lt3A_303, %get3A_302, %select_n3A_286 : vector<16xi1>, vector<16xf32>
          %select_n3A_305 = arith.select %lt3A_303, %add3A_290, %select_n3A_287 : vector<16xi1>, vector<16xi32>
          %add3A_306 = arith.constant 16 : i32
          %add3A_307 = vector.broadcast %add3A_306 : i32 to vector<16xi32>
          %add3A_308 = arith.addi %add3A_290, %add3A_307 : vector<16xi32>
          %get3A_309 = arith.index_cast %scan3A_48 : i32 to index
          %get3A_310 = arith.constant 464 : index
          %get3A_311 = tpu.vector_load %arg5[%get3A_309, %get3A_310] {strides = array<i32>} : memref<8x512xf32, #tpu.memory_space<vmem>>, vector<16xf32>,
          %lt3A_312 = arith.cmpf olt, %get3A_311, %select_n3A_295 : vector<16xf32>
          %select_n3A_313 = arith.select %lt3A_312, %get3A_311, %select_n3A_295 : vector<16xi1>, vector<16xf32>
          %select_n3A_314 = arith.select %lt3A_312, %add3A_299, %select_n3A_296 : vector<16xi1>, vector<16xi32>
          %add3A_315 = arith.constant 16 : i32
          %add3A_316 = vector.broadcast %add3A_315 : i32 to vector<16xi32>
          %add3A_317 = arith.addi %add3A_299, %add3A_316 : vector<16xi32>
          %get3A_318 = arith.index_cast %scan3A_48 : i32 to index
          %get3A_319 = arith.constant 224 : index
          %get3A_320 = tpu.vector_load %arg5[%get3A_318, %get3A_319] {strides = array<i32>} : memref<8x512xf32, #tpu.memory_space<vmem>>, vector<16xf32>,
          %lt3A_321 = arith.cmpf olt, %get3A_320, %select_n3A_304 : vector<16xf32>
          %select_n3A_322 = arith.select %lt3A_321, %get3A_320, %select_n3A_304 : vector<16xi1>, vector<16xf32>
          %select_n3A_323 = arith.select %lt3A_321, %add3A_308, %select_n3A_305 : vector<16xi1>, vector<16xi32>
          %add3A_324 = arith.constant 16 : i32
          %add3A_325 = vector.broadcast %add3A_324 : i32 to vector<16xi32>
          %add3A_326 = arith.addi %add3A_308, %add3A_325 : vector<16xi32>
          %get3A_327 = arith.index_cast %scan3A_48 : i32 to index
          %get3A_328 = arith.constant 480 : index
          %get3A_329 = tpu.vector_load %arg5[%get3A_327, %get3A_328] {strides = array<i32>} : memref<8x512xf32, #tpu.memory_space<vmem>>, vector<16xf32>,
          %lt3A_330 = arith.cmpf olt, %get3A_329, %select_n3A_313 : vector<16xf32>
          %select_n3A_331 = arith.select %lt3A_330, %get3A_329, %select_n3A_313 : vector<16xi1>, vector<16xf32>
          %select_n3A_332 = arith.select %lt3A_330, %add3A_317, %select_n3A_314 : vector<16xi1>, vector<16xi32>
          %add3A_333 = arith.constant 16 : i32
          %add3A_334 = vector.broadcast %add3A_333 : i32 to vector<16xi32>
          %add3A_335 = arith.addi %add3A_317, %add3A_334 : vector<16xi32>
          %get3A_336 = arith.index_cast %scan3A_48 : i32 to index
          %get3A_337 = arith.constant 240 : index
          %get3A_338 = tpu.vector_load %arg5[%get3A_336, %get3A_337] {strides = array<i32>} : memref<8x512xf32, #tpu.memory_space<vmem>>, vector<16xf32>,
          %lt3A_339 = arith.cmpf olt, %get3A_338, %select_n3A_322 : vector<16xf32>
          %select_n3A_340 = arith.select %lt3A_339, %get3A_338, %select_n3A_322 : vector<16xi1>, vector<16xf32>
          %select_n3A_341 = arith.select %lt3A_339, %add3A_326, %select_n3A_323 : vector<16xi1>, vector<16xi32>
          %add3A_342 = arith.constant 16 : i32
          %add3A_343 = vector.broadcast %add3A_342 : i32 to vector<16xi32>
          %add3A_344 = arith.addi %add3A_326, %add3A_343 : vector<16xi32>
          %get3A_345 = arith.index_cast %scan3A_48 : i32 to index
          %get3A_346 = arith.constant 496 : index
          %get3A_347 = tpu.vector_load %arg5[%get3A_345, %get3A_346] {strides = array<i32>} : memref<8x512xf32, #tpu.memory_space<vmem>>, vector<16xf32>,
          %lt3A_348 = arith.cmpf olt, %get3A_347, %select_n3A_331 : vector<16xf32>
          %select_n3A_349 = arith.select %lt3A_348, %get3A_347, %select_n3A_331 : vector<16xi1>, vector<16xf32>
          %select_n3A_350 = arith.select %lt3A_348, %add3A_335, %select_n3A_332 : vector<16xi1>, vector<16xi32>
          %add3A_351 = arith.constant 16 : i32
          %add3A_352 = vector.broadcast %add3A_351 : i32 to vector<16xi32>
          %add3A_353 = arith.addi %add3A_335, %add3A_352 : vector<16xi32>
          %lt3A_354 = arith.cmpf olt, %select_n3A_349, %select_n3A_340 : vector<16xf32>
          %select_n3A_355 = arith.select %lt3A_354, %select_n3A_349, %select_n3A_340 : vector<16xi1>, vector<16xf32>
          %select_n3A_356 = arith.select %lt3A_354, %select_n3A_350, %select_n3A_341 : vector<16xi1>, vector<16xi32>
          %reduce_min3A = arith.constant true
          %reduce_min3A_357 = vector.broadcast %reduce_min3A : i1 to vector<16xi1>
          %reduce_min3A_358 = tpu.scan <min>, %select_n3A_355 masked %reduce_min3A_357 : vector<16xf32>, vector<16xi1> -> vector<16xf32>
          %reduce_min3A_359 = vector.extract %reduce_min3A_358[15] : f32 from vector<16xf32>
          %eq3A_360 = vector.broadcast %reduce_min3A_359 : f32 to vector<16xf32>
          %eq3A_361 = arith.cmpf oeq, %select_n3A_355, %eq3A_360 : vector<16xf32>
          %jit3A_362 = arith.constant 512 : i32
          %broadcast_in_dim3A_363 = vector.broadcast %jit3A_362 : i32 to vector<16xi32>
          %select_n3A_364 = arith.select %eq3A_361, %select_n3A_356, %broadcast_in_dim3A_363 : vector<16xi1>, vector<16xi32>
          %reduce_min3A_365 = arith.constant true
          %reduce_min3A_366 = vector.broadcast %reduce_min3A_365 : i1 to vector<16xi1>
          %reduce_min3A_367 = arith.constant -2147483648 : i32
          %reduce_min3A_368 = vector.broadcast %reduce_min3A_367 : i32 to vector<16xi32>
          %reduce_min3A_369 = arith.xori %select_n3A_364, %reduce_min3A_368 : vector<16xi32>
          %reduce_min3A_370 = tpu.scan <min>, %reduce_min3A_369 masked %reduce_min3A_366 : vector<16xi32>, vector<16xi1> -> vector<16xi32>
          %reduce_min3A_371 = arith.xori %reduce_min3A_370, %reduce_min3A_368 : vector<16xi32>
          %reduce_min3A_372 = vector.extract %reduce_min3A_371[15] : i32 from vector<16xi32>
          %broadcast_in_dim3A_373 = vector.broadcast %reduce_min3A_372 : i32 to vector<16xi32>
          %mul3A_374 = arith.constant 16 : i32
          %mul3A_375 = arith.muli %scan3A_48, %mul3A_374 : i32
          %add3A_376 = arith.addi %mul3A_375, %scan3A_57 : i32
          %broadcast_in_dim3A_377 = vector.broadcast %add3A_376 : i32 to vector<16xi32>
          %add3A_378 = vector.broadcast %mul3A_20 : i32 to vector<16xi32>
          %add3A_379 = arith.addi %broadcast_in_dim3A_373, %add3A_378 : vector<16xi32>
          tpu.vector_store_idx %arg6[%broadcast_in_dim3A_377], %add3A_379 masked %eq3A_22 : memref<128xi32, #tpu.memory_space<vmem>>[vector<16xi32>], vector<16xi32>, vector<16xi1>
          %mul3A_380 = arith.constant 16 : i32
          %mul3A_381 = arith.muli %scan3A_48, %mul3A_380 : i32
          %add3A_382 = arith.constant 10 : i32
          %add3A_383 = arith.addi %mul3A_381, %add3A_382 : i32
          %add3A_384 = arith.addi %add3A_383, %scan3A_57 : i32
          %broadcast_in_dim3A_385 = vector.broadcast %add3A_384 : i32 to vector<16xi32>
          %add3A_386 = vector.broadcast %mul3A_20 : i32 to vector<16xi32>
          %add3A_387 = arith.addi %broadcast_in_dim3A_373, %add3A_386 : vector<16xi32>
          %lt3A_388 = arith.constant 6 : i32
          %lt3A_389 = arith.cmpi slt, %scan3A_57, %lt3A_388 : i32
          %and3A_390 = vector.broadcast %lt3A_389 : i1 to vector<16xi1>
          %and3A_391 = arith.andi %eq3A_22, %and3A_390 : vector<16xi1>
          tpu.vector_store_idx %arg6[%broadcast_in_dim3A_385], %add3A_387 masked %and3A_391 : memref<128xi32, #tpu.memory_space<vmem>>[vector<16xi32>], vector<16xi32>, vector<16xi1>
          %broadcast_in_dim3A_392 = vector.broadcast %scan3A_48 : i32 to vector<16xi32>
          %broadcast_in_dim3A_393 = arith.constant 0x7F800000 : f32
          %broadcast_in_dim3A_394 = vector.broadcast %broadcast_in_dim3A_393 : f32 to vector<16xf32>
          tpu.vector_store_idx %arg5[%broadcast_in_dim3A_392, %broadcast_in_dim3A_373], %broadcast_in_dim3A_394 masked %eq3A_22 : memref<8x512xf32, #tpu.memory_space<vmem>>[vector<16xi32>, vector<16xi32>], vector<16xf32>, vector<16xi1>
        }
        %scan3A_55 = arith.constant 10 : i32
        %scan3A_56 = arith.constant 0 : i32
        scf.yield %scan3A_56 : i32
      }
      %scan3A_40 = arith.constant 8 : i32
      %dma_start3A = arith.constant 0 : i32
      %dma_start3A_41 = arith.constant 0 : i32
      %dma_start3A_42 = tpu.memref_slice %arg3[%dma_start3A, %dma_start3A_41] : memref<8192x128xf32, #tpu.memory_space<hbm>> -> memref<8192x128xf32, #tpu.memory_space<hbm>>
      tpu.enqueue_indirect_dma source(%dma_start3A_42 : memref<8192x128xf32, #tpu.memory_space<hbm>>) target(%arg7 : memref<128x128xf32, #tpu.memory_space<vmem>>) offsets(%arg6 : memref<128xi32, #tpu.memory_space<vmem>>) semaphore(%arg8 : memref<!tpu.dma_semaphore, #tpu.memory_space<semaphore_mem>>)
      %dma_wait3A = arith.constant 0 : i32
      %dma_wait3A_43 = arith.constant 0 : i32
      %dma_wait3A_44 = tpu.memref_slice %arg3[%dma_wait3A, %dma_wait3A_43] : memref<8192x128xf32, #tpu.memory_space<hbm>> -> memref<8192x128xf32, #tpu.memory_space<hbm>>
      tpu.wait_indirect_dma semaphore(%arg8 : memref<!tpu.dma_semaphore, #tpu.memory_space<semaphore_mem>>) src(%dma_wait3A_44 : memref<8192x128xf32, #tpu.memory_space<hbm>>) dst(%arg7 : memref<128x128xf32, #tpu.memory_space<vmem>>)
      %mul3A_45 = arith.constant 16 : i32
      %mul3A_46 = arith.muli %add3A_33, %mul3A_45 : i32
      "tpu.region"() ({
        %run_scoped3A = tpu.sem_alloc : memref<!tpu.dma_semaphore, #tpu.memory_space<semaphore_mem>>
        %dma_start3A_48 = arith.constant 0 : i32
        %dma_start3A_49 = tpu.memref_slice %arg4[%mul3A_46, %dma_start3A_48] : memref<131072x128xf32, #tpu.memory_space<hbm>> -> memref<128x128xf32, #tpu.memory_space<hbm>>
        %dma_start3A_50 = arith.constant 0 : i32
        %dma_start3A_51 = tpu.memref_slice %arg4[%mul3A_46, %dma_start3A_50] : memref<131072x128xf32, #tpu.memory_space<hbm>> -> memref<128x128xf32, #tpu.memory_space<hbm>>
        tpu.enqueue_dma source(%arg7 : memref<128x128xf32, #tpu.memory_space<vmem>>) target(%dma_start3A_51 : memref<128x128xf32, #tpu.memory_space<hbm>>) target_semaphore(%run_scoped3A : memref<!tpu.dma_semaphore, #tpu.memory_space<semaphore_mem>>)
        %dma_wait3A_52 = arith.constant 0 : i32
        %dma_wait3A_53 = tpu.memref_slice %arg4[%mul3A_46, %dma_wait3A_52] : memref<131072x128xf32, #tpu.memory_space<hbm>> -> memref<128x128xf32, #tpu.memory_space<hbm>>
        %dma_wait3A_54 = arith.constant 0 : i32
        %dma_wait3A_55 = tpu.memref_slice %arg4[%mul3A_46, %dma_wait3A_54] : memref<131072x128xf32, #tpu.memory_space<hbm>> -> memref<128x128xf32, #tpu.memory_space<hbm>>
        tpu.wait_dma2 semaphore(%run_scoped3A : memref<!tpu.dma_semaphore, #tpu.memory_space<semaphore_mem>>) src(%arg7 : memref<128x128xf32, #tpu.memory_space<vmem>>) dst(%dma_wait3A_55 : memref<128x128xf32, #tpu.memory_space<hbm>>)
        tpu.yield
      }) : () -> ()
      %scan3A_47 = arith.constant 0 : i32
      scf.yield %scan3A_47 : i32
    }
    %scan3A_28 = arith.constant 32 : i32
    return
  }
}

module attributes {stable_mosaic.version = 14 : i64} {
  func.func @_gat_hs_body(%arg0: i32, %arg1: memref<512x256xf32, #tpu.memory_space<vmem>>, %arg2: memref<256x128xf32, #tpu.memory_space<vmem>>, %arg3: memref<1x128xf32, #tpu.memory_space<vmem>>, %arg4: memref<256x1xf32, #tpu.memory_space<vmem>>, %arg5: memref<512x128xf32, #tpu.memory_space<vmem>>, %arg6: memref<512x1xf32, #tpu.memory_space<vmem>>) attributes {dimension_semantics = [#tpu.dimension_semantics<arbitrary>], iteration_bounds = array<i64: 16>, scalar_prefetch = 0 : i64, scratch_operands = 0 : i64, tpu.core_type = #tpu.core_type<tc>, window_params = [{transform_indices = @transform_0, window_bounds = array<i64: 512, 256>}, {pipeline_mode = #tpu.pipeline_mode<synchronous>, transform_indices = @transform_1, window_bounds = array<i64: 256, 128>}, {pipeline_mode = #tpu.pipeline_mode<synchronous>, transform_indices = @transform_2, window_bounds = array<i64: 1, 128>}, {pipeline_mode = #tpu.pipeline_mode<synchronous>, transform_indices = @transform_3, window_bounds = array<i64: 256, 1>}, {transform_indices = @transform_4, window_bounds = array<i64: 512, 128>}, {transform_indices = @transform_5, window_bounds = array<i64: 512, 1>}]} {
    %get3A = arith.constant 0 : index
    %get3A_0 = arith.constant 0 : index
    %get3A_1 = vector.load %arg1[%get3A, %get3A_0] : memref<512x256xf32, #tpu.memory_space<vmem>>, vector<512x256xf32>
    %get3A_2 = arith.constant 0 : index
    %get3A_3 = arith.constant 0 : index
    %get3A_4 = vector.load %arg2[%get3A_2, %get3A_3] : memref<256x128xf32, #tpu.memory_space<vmem>>, vector<256x128xf32>
    %dot_general3A = arith.constant dense<0.000000e+00> : vector<512x128xf32>
    %dot_general3A_5 = tpu.matmul %get3A_1, %get3A_4, %dot_general3A {dimension_numbers = #tpu.dot_dimension_numbers<[1], [0], [0], [1], [0, 0, 1, 1], [], []>, transpose_lhs_hint = false} : vector<512x256xf32>, vector<256x128xf32>, vector<512x128xf32> -> vector<512x128xf32>
    %get3A_6 = arith.constant 0 : index
    %get3A_7 = arith.constant 0 : index
    %get3A_8 = vector.load %arg3[%get3A_6, %get3A_7] : memref<1x128xf32, #tpu.memory_space<vmem>>, vector<1x128xf32>
    %add3A = vector.broadcast %get3A_8 : vector<1x128xf32> to vector<512x128xf32>
    %add3A_9 = arith.addf %dot_general3A_5, %add3A : vector<512x128xf32>
    %swap3A = arith.constant 0 : index
    %swap3A_10 = arith.constant 0 : index
    %swap3A_11 = vector.load %arg5[%swap3A, %swap3A_10] : memref<512x128xf32, #tpu.memory_space<vmem>>, vector<512x128xf32>
    tpu.vector_store %arg5[%swap3A, %swap3A_10], %add3A_9 {strides = array<i32>} : memref<512x128xf32, #tpu.memory_space<vmem>>, vector<512x128xf32>,
    %get3A_12 = arith.constant 0 : index
    %get3A_13 = arith.constant 0 : index
    %get3A_14 = vector.load %arg4[%get3A_12, %get3A_13] : memref<256x1xf32, #tpu.memory_space<vmem>>, vector<256x1xf32>
    %dot_general3A_15 = arith.constant dense<0.000000e+00> : vector<512x1xf32>
    %dot_general3A_16 = tpu.matmul %get3A_1, %get3A_14, %dot_general3A_15 {dimension_numbers = #tpu.dot_dimension_numbers<[1], [0], [0], [1], [0, 0, 1, 1], [], []>, transpose_lhs_hint = false} : vector<512x256xf32>, vector<256x1xf32>, vector<512x1xf32> -> vector<512x1xf32>
    %swap3A_17 = arith.constant 0 : index
    %swap3A_18 = arith.constant 0 : index
    %swap3A_19 = vector.load %arg6[%swap3A_17, %swap3A_18] : memref<512x1xf32, #tpu.memory_space<vmem>>, vector<512x1xf32>
    tpu.vector_store %arg6[%swap3A_17, %swap3A_18], %dot_general3A_16 {strides = array<i32>} : memref<512x1xf32, #tpu.memory_space<vmem>>, vector<512x1xf32>,
    return
  }
  func.func @transform_0(%arg0: i32) -> (i32, i32) {
    %c0_i32 = arith.constant 0 : i32
    %c0_i32_0 = arith.constant 0 : i32
    return %arg0, %c0_i32 : i32, i32
  }
  func.func @transform_1(%arg0: i32) -> (i32, i32) {
    %c0_i32 = arith.constant 0 : i32
    %c0_i32_0 = arith.constant 0 : i32
    %c0_i32_1 = arith.constant 0 : i32
    return %c0_i32, %c0_i32_0 : i32, i32
  }
  func.func @transform_2(%arg0: i32) -> (i32, i32) {
    %c0_i32 = arith.constant 0 : i32
    %c0_i32_0 = arith.constant 0 : i32
    %c0_i32_1 = arith.constant 0 : i32
    return %c0_i32, %c0_i32_0 : i32, i32
  }
  func.func @transform_3(%arg0: i32) -> (i32, i32) {
    %c0_i32 = arith.constant 0 : i32
    %c0_i32_0 = arith.constant 0 : i32
    %c0_i32_1 = arith.constant 0 : i32
    return %c0_i32, %c0_i32_0 : i32, i32
  }
  func.func @transform_4(%arg0: i32) -> (i32, i32) {
    %c0_i32 = arith.constant 0 : i32
    %c0_i32_0 = arith.constant 0 : i32
    return %arg0, %c0_i32 : i32, i32
  }
  func.func @transform_5(%arg0: i32) -> (i32, i32) {
    %c0_i32 = arith.constant 0 : i32
    %c0_i32_0 = arith.constant 0 : i32
    return %arg0, %c0_i32 : i32, i32
  }
}

module attributes {stable_mosaic.version = 14 : i64} {
  func.func @_y_body(%arg0: i32, %arg1: memref<512x128xf32, #tpu.memory_space<vmem>>, %arg2: memref<512x1xf32, #tpu.memory_space<vmem>>, %arg3: memref<512x128xf32, #tpu.memory_space<vmem>>) attributes {dimension_semantics = [#tpu.dimension_semantics<arbitrary>], iteration_bounds = array<i64: 16>, scalar_prefetch = 0 : i64, scratch_operands = 0 : i64, tpu.core_type = #tpu.core_type<tc>, window_params = [{transform_indices = @transform_0, window_bounds = array<i64: 512, 128>}, {transform_indices = @transform_1, window_bounds = array<i64: 512, 1>}, {transform_indices = @transform_2, window_bounds = array<i64: 512, 128>}]} {
    %get3A = arith.constant 0 : index
    %get3A_0 = arith.constant 0 : index
    %get3A_1 = vector.load %arg1[%get3A, %get3A_0] : memref<512x128xf32, #tpu.memory_space<vmem>>, vector<512x128xf32>
    %get3A_2 = arith.constant 0 : index
    %get3A_3 = arith.constant 0 : index
    %get3A_4 = vector.load %arg2[%get3A_2, %get3A_3] : memref<512x1xf32, #tpu.memory_space<vmem>>, vector<512x1xf32>
    %dot_general3A = arith.constant dense<0.000000e+00> : vector<1x128xf32>
    %dot_general3A_5 = tpu.matmul %get3A_4, %get3A_1, %dot_general3A {dimension_numbers = #tpu.dot_dimension_numbers<[0], [0], [1], [1], [0, 1, 1, 1], [], []>, transpose_lhs_hint = false} : vector<512x1xf32>, vector<512x128xf32>, vector<1x128xf32> -> vector<1x128xf32>
    %add3A = vector.broadcast %dot_general3A_5 : vector<1x128xf32> to vector<512x128xf32>
    %add3A_6 = arith.addf %get3A_1, %add3A : vector<512x128xf32>
    %swap3A = arith.constant 0 : index
    %swap3A_7 = arith.constant 0 : index
    %swap3A_8 = vector.load %arg3[%swap3A, %swap3A_7] : memref<512x128xf32, #tpu.memory_space<vmem>>, vector<512x128xf32>
    tpu.vector_store %arg3[%swap3A, %swap3A_7], %add3A_6 {strides = array<i32>} : memref<512x128xf32, #tpu.memory_space<vmem>>, vector<512x128xf32>,
    return
  }
  func.func @transform_0(%arg0: i32) -> (i32, i32) {
    %c0_i32 = arith.constant 0 : i32
    %c0_i32_0 = arith.constant 0 : i32
    return %arg0, %c0_i32 : i32, i32
  }
  func.func @transform_1(%arg0: i32) -> (i32, i32) {
    %c0_i32 = arith.constant 0 : i32
    %c0_i32_0 = arith.constant 0 : i32
    return %arg0, %c0_i32 : i32, i32
  }
  func.func @transform_2(%arg0: i32) -> (i32, i32) {
    %c0_i32 = arith.constant 0 : i32
    %c0_i32_0 = arith.constant 0 : i32
    return %arg0, %c0_i32 : i32, i32
  }
}

module attributes {stable_mosaic.version = 14 : i64} {
  func.func @_d2_body(%arg0: i32, %arg1: memref<512x128xf32, #tpu.memory_space<vmem>>, %arg2: memref<512x1xf32, #tpu.memory_space<vmem>>, %arg3: memref<1x1x512xf32, #tpu.memory_space<vmem>>, %arg4: memref<512x512xf32, #tpu.memory_space<vmem>>) attributes {dimension_semantics = [#tpu.dimension_semantics<arbitrary>], iteration_bounds = array<i64: 16>, scalar_prefetch = 0 : i64, scratch_operands = 0 : i64, tpu.core_type = #tpu.core_type<tc>, window_params = [{transform_indices = @transform_0, window_bounds = array<i64: 512, 128>}, {transform_indices = @transform_1, window_bounds = array<i64: 512, 1>}, {transform_indices = @transform_2, window_bounds = array<i64: 1, 1, 512>}, {transform_indices = @transform_3, window_bounds = array<i64: 512, 512>}]} {
    %get3A = arith.constant 0 : index
    %get3A_0 = arith.constant 0 : index
    %get3A_1 = vector.load %arg1[%get3A, %get3A_0] : memref<512x128xf32, #tpu.memory_space<vmem>>, vector<512x128xf32>
    %dot_general3A = arith.constant dense<0.000000e+00> : vector<512x512xf32>
    %dot_general3A_2 = tpu.matmul %get3A_1, %get3A_1, %dot_general3A {dimension_numbers = #tpu.dot_dimension_numbers<[1], [1], [0], [0], [0, 0, 1, 0], [], []>, transpose_lhs_hint = false} : vector<512x128xf32>, vector<512x128xf32>, vector<512x512xf32> -> vector<512x512xf32>
    %get3A_3 = arith.constant 0 : index
    %get3A_4 = arith.constant 0 : index
    %get3A_5 = vector.load %arg2[%get3A_3, %get3A_4] : memref<512x1xf32, #tpu.memory_space<vmem>>, vector<512x1xf32>
    %get3A_6 = arith.constant 0 : index
    %get3A_7 = arith.constant 0 : index
    %get3A_8 = arith.constant 0 : index
    %get3A_9 = vector.load %arg3[%get3A_6, %get3A_7, %get3A_8] : memref<1x1x512xf32, #tpu.memory_space<vmem>>, vector<1x1x512xf32>
    %get3A_10 = vector.shape_cast %get3A_9 : vector<1x1x512xf32> to vector<1x512xf32>
    %add3A = vector.broadcast %get3A_5 : vector<512x1xf32> to vector<512x512xf32>
    %add3A_11 = vector.broadcast %get3A_10 : vector<1x512xf32> to vector<512x512xf32>
    %add3A_12 = arith.addf %add3A, %add3A_11 : vector<512x512xf32>
    %mul3A = arith.constant 2.000000e+00 : f32
    %mul3A_13 = vector.broadcast %mul3A : f32 to vector<512x512xf32>
    %mul3A_14 = arith.mulf %mul3A_13, %dot_general3A_2 : vector<512x512xf32>
    %sub3A = arith.subf %add3A_12, %mul3A_14 : vector<512x512xf32>
    %swap3A = arith.constant 0 : index
    %swap3A_15 = arith.constant 0 : index
    %swap3A_16 = vector.load %arg4[%swap3A, %swap3A_15] : memref<512x512xf32, #tpu.memory_space<vmem>>, vector<512x512xf32>
    tpu.vector_store %arg4[%swap3A, %swap3A_15], %sub3A {strides = array<i32>} : memref<512x512xf32, #tpu.memory_space<vmem>>, vector<512x512xf32>,
    return
  }
  func.func @transform_0(%arg0: i32) -> (i32, i32) {
    %c0_i32 = arith.constant 0 : i32
    %c0_i32_0 = arith.constant 0 : i32
    return %arg0, %c0_i32 : i32, i32
  }
  func.func @transform_1(%arg0: i32) -> (i32, i32) {
    %c0_i32 = arith.constant 0 : i32
    %c0_i32_0 = arith.constant 0 : i32
    return %arg0, %c0_i32 : i32, i32
  }
  func.func @transform_2(%arg0: i32) -> (i32, i32, i32) {
    %c0_i32 = arith.constant 0 : i32
    %c0_i32_0 = arith.constant 0 : i32
    %c0_i32_1 = arith.constant 0 : i32
    return %arg0, %c0_i32, %c0_i32_0 : i32, i32, i32
  }
  func.func @transform_3(%arg0: i32) -> (i32, i32) {
    %c0_i32 = arith.constant 0 : i32
    %c0_i32_0 = arith.constant 0 : i32
    return %arg0, %c0_i32 : i32, i32
  }
}

module attributes {stable_mosaic.version = 14 : i64} {
  func.func @_pre_body(%arg0: i32, %arg1: memref<512x128xf32, #tpu.memory_space<vmem>>, %arg2: memref<512x16x128xf32, #tpu.memory_space<vmem>>, %arg3: memref<256x128xf32, #tpu.memory_space<vmem>>, %arg4: memref<1x128xf32, #tpu.memory_space<vmem>>, %arg5: memref<512x128xf32, #tpu.memory_space<vmem>>) attributes {dimension_semantics = [#tpu.dimension_semantics<arbitrary>], iteration_bounds = array<i64: 16>, scalar_prefetch = 0 : i64, scratch_operands = 0 : i64, tpu.core_type = #tpu.core_type<tc>, window_params = [{transform_indices = @transform_0, window_bounds = array<i64: 512, 128>}, {transform_indices = @transform_1, window_bounds = array<i64: 512, 16, 128>}, {pipeline_mode = #tpu.pipeline_mode<synchronous>, transform_indices = @transform_2, window_bounds = array<i64: 256, 128>}, {pipeline_mode = #tpu.pipeline_mode<synchronous>, transform_indices = @transform_3, window_bounds = array<i64: 1, 128>}, {transform_indices = @transform_4, window_bounds = array<i64: 512, 128>}]} {
    %get3A = arith.constant 0 : index
    %get3A_0 = arith.constant 0 : index
    %get3A_1 = vector.load %arg1[%get3A, %get3A_0] : memref<512x128xf32, #tpu.memory_space<vmem>>, vector<512x128xf32>
    %get3A_2 = arith.constant 0 : index
    %get3A_3 = arith.constant 0 : index
    %get3A_4 = arith.constant 0 : index
    %get3A_5 = vector.load %arg2[%get3A_2, %get3A_3, %get3A_4] : memref<512x16x128xf32, #tpu.memory_space<vmem>>, vector<512x16x128xf32>
    %broadcast_in_dim3A = vector.shape_cast %get3A_1 : vector<512x128xf32> to vector<512x1x128xf32>
    %broadcast_in_dim3A_6 = vector.shape_cast %broadcast_in_dim3A : vector<512x1x128xf32> to vector<512x1x128xf32>
    %broadcast_in_dim3A_7 = vector.broadcast %broadcast_in_dim3A_6 : vector<512x1x128xf32> to vector<512x16x128xf32>
    %broadcast_in_dim3A_8 = vector.shape_cast %get3A_1 : vector<512x128xf32> to vector<512x1x128xf32>
    %sub3A = vector.broadcast %broadcast_in_dim3A_8 : vector<512x1x128xf32> to vector<512x16x128xf32>
    %sub3A_9 = arith.subf %get3A_5, %sub3A : vector<512x16x128xf32>
    %concatenate3A = tpu.concatenate %broadcast_in_dim3A_7, %sub3A_9 in 2 : vector<512x16x128xf32>, vector<512x16x128xf32> -> vector<512x16x256xf32>
    %get3A_10 = arith.constant 0 : index
    %get3A_11 = arith.constant 0 : index
    %get3A_12 = vector.load %arg3[%get3A_10, %get3A_11] : memref<256x128xf32, #tpu.memory_space<vmem>>, vector<256x128xf32>
    %dot_general3A = arith.constant dense<0.000000e+00> : vector<512x16x128xf32>
    %dot_general3A_13 = tpu.matmul %concatenate3A, %get3A_12, %dot_general3A {dimension_numbers = #tpu.dot_dimension_numbers<[2], [0], [0, 1], [1], [0, 0, 0, 1, 1, 1], [], []>, transpose_lhs_hint = false} : vector<512x16x256xf32>, vector<256x128xf32>, vector<512x16x128xf32> -> vector<512x16x128xf32>
    %get3A_14 = arith.constant 0 : index
    %get3A_15 = arith.constant 0 : index
    %get3A_16 = vector.load %arg4[%get3A_14, %get3A_15] : memref<1x128xf32, #tpu.memory_space<vmem>>, vector<1x128xf32>
    %broadcast_in_dim3A_17 = vector.shape_cast %get3A_16 : vector<1x128xf32> to vector<1x1x128xf32>
    %add3A = vector.broadcast %broadcast_in_dim3A_17 : vector<1x1x128xf32> to vector<512x16x128xf32>
    %add3A_18 = arith.addf %dot_general3A_13, %add3A : vector<512x16x128xf32>
    %reduce_max3A = arith.constant dense<0xFF800000> : vector<512x128xf32>
    %reduce_max3A_19 = vector.multi_reduction <maximumf>, %add3A_18, %reduce_max3A [1] : vector<512x16x128xf32> to vector<512x128xf32>
    %swap3A = arith.constant 0 : index
    %swap3A_20 = arith.constant 0 : index
    %swap3A_21 = vector.load %arg5[%swap3A, %swap3A_20] : memref<512x128xf32, #tpu.memory_space<vmem>>, vector<512x128xf32>
    tpu.vector_store %arg5[%swap3A, %swap3A_20], %reduce_max3A_19 {strides = array<i32>} : memref<512x128xf32, #tpu.memory_space<vmem>>, vector<512x128xf32>,
    return
  }
  func.func @transform_0(%arg0: i32) -> (i32, i32) {
    %c0_i32 = arith.constant 0 : i32
    %c0_i32_0 = arith.constant 0 : i32
    return %arg0, %c0_i32 : i32, i32
  }
  func.func @transform_1(%arg0: i32) -> (i32, i32, i32) {
    %c0_i32 = arith.constant 0 : i32
    %c0_i32_0 = arith.constant 0 : i32
    %c0_i32_1 = arith.constant 0 : i32
    return %arg0, %c0_i32, %c0_i32_0 : i32, i32, i32
  }
  func.func @transform_2(%arg0: i32) -> (i32, i32) {
    %c0_i32 = arith.constant 0 : i32
    %c0_i32_0 = arith.constant 0 : i32
    %c0_i32_1 = arith.constant 0 : i32
    return %c0_i32, %c0_i32_0 : i32, i32
  }
  func.func @transform_3(%arg0: i32) -> (i32, i32) {
    %c0_i32 = arith.constant 0 : i32
    %c0_i32_0 = arith.constant 0 : i32
    %c0_i32_1 = arith.constant 0 : i32
    return %c0_i32, %c0_i32_0 : i32, i32
  }
  func.func @transform_4(%arg0: i32) -> (i32, i32) {
    %c0_i32 = arith.constant 0 : i32
    %c0_i32_0 = arith.constant 0 : i32
    return %arg0, %c0_i32 : i32, i32
  }
}

module attributes {stable_mosaic.version = 14 : i64} {
  func.func @_gat_hs_body(%arg0: i32, %arg1: memref<512x128xf32, #tpu.memory_space<vmem>>, %arg2: memref<128x64xf32, #tpu.memory_space<vmem>>, %arg3: memref<1x64xf32, #tpu.memory_space<vmem>>, %arg4: memref<128x1xf32, #tpu.memory_space<vmem>>, %arg5: memref<512x64xf32, #tpu.memory_space<vmem>>, %arg6: memref<512x1xf32, #tpu.memory_space<vmem>>) attributes {dimension_semantics = [#tpu.dimension_semantics<arbitrary>], iteration_bounds = array<i64: 16>, scalar_prefetch = 0 : i64, scratch_operands = 0 : i64, tpu.core_type = #tpu.core_type<tc>, window_params = [{transform_indices = @transform_0, window_bounds = array<i64: 512, 128>}, {pipeline_mode = #tpu.pipeline_mode<synchronous>, transform_indices = @transform_1, window_bounds = array<i64: 128, 64>}, {pipeline_mode = #tpu.pipeline_mode<synchronous>, transform_indices = @transform_2, window_bounds = array<i64: 1, 64>}, {pipeline_mode = #tpu.pipeline_mode<synchronous>, transform_indices = @transform_3, window_bounds = array<i64: 128, 1>}, {transform_indices = @transform_4, window_bounds = array<i64: 512, 64>}, {transform_indices = @transform_5, window_bounds = array<i64: 512, 1>}]} {
    %get3A = arith.constant 0 : index
    %get3A_0 = arith.constant 0 : index
    %get3A_1 = vector.load %arg1[%get3A, %get3A_0] : memref<512x128xf32, #tpu.memory_space<vmem>>, vector<512x128xf32>
    %get3A_2 = arith.constant 0 : index
    %get3A_3 = arith.constant 0 : index
    %get3A_4 = vector.load %arg2[%get3A_2, %get3A_3] : memref<128x64xf32, #tpu.memory_space<vmem>>, vector<128x64xf32>
    %dot_general3A = arith.constant dense<0.000000e+00> : vector<512x64xf32>
    %dot_general3A_5 = tpu.matmul %get3A_1, %get3A_4, %dot_general3A {dimension_numbers = #tpu.dot_dimension_numbers<[1], [0], [0], [1], [0, 0, 1, 1], [], []>, transpose_lhs_hint = false} : vector<512x128xf32>, vector<128x64xf32>, vector<512x64xf32> -> vector<512x64xf32>
    %get3A_6 = arith.constant 0 : index
    %get3A_7 = arith.constant 0 : index
    %get3A_8 = vector.load %arg3[%get3A_6, %get3A_7] : memref<1x64xf32, #tpu.memory_space<vmem>>, vector<1x64xf32>
    %add3A = vector.broadcast %get3A_8 : vector<1x64xf32> to vector<512x64xf32>
    %add3A_9 = arith.addf %dot_general3A_5, %add3A : vector<512x64xf32>
    %swap3A = arith.constant 0 : index
    %swap3A_10 = arith.constant 0 : index
    %swap3A_11 = vector.load %arg5[%swap3A, %swap3A_10] : memref<512x64xf32, #tpu.memory_space<vmem>>, vector<512x64xf32>
    tpu.vector_store %arg5[%swap3A, %swap3A_10], %add3A_9 {strides = array<i32>} : memref<512x64xf32, #tpu.memory_space<vmem>>, vector<512x64xf32>,
    %get3A_12 = arith.constant 0 : index
    %get3A_13 = arith.constant 0 : index
    %get3A_14 = vector.load %arg4[%get3A_12, %get3A_13] : memref<128x1xf32, #tpu.memory_space<vmem>>, vector<128x1xf32>
    %dot_general3A_15 = arith.constant dense<0.000000e+00> : vector<512x1xf32>
    %dot_general3A_16 = tpu.matmul %get3A_1, %get3A_14, %dot_general3A_15 {dimension_numbers = #tpu.dot_dimension_numbers<[1], [0], [0], [1], [0, 0, 1, 1], [], []>, transpose_lhs_hint = false} : vector<512x128xf32>, vector<128x1xf32>, vector<512x1xf32> -> vector<512x1xf32>
    %swap3A_17 = arith.constant 0 : index
    %swap3A_18 = arith.constant 0 : index
    %swap3A_19 = vector.load %arg6[%swap3A_17, %swap3A_18] : memref<512x1xf32, #tpu.memory_space<vmem>>, vector<512x1xf32>
    tpu.vector_store %arg6[%swap3A_17, %swap3A_18], %dot_general3A_16 {strides = array<i32>} : memref<512x1xf32, #tpu.memory_space<vmem>>, vector<512x1xf32>,
    return
  }
  func.func @transform_0(%arg0: i32) -> (i32, i32) {
    %c0_i32 = arith.constant 0 : i32
    %c0_i32_0 = arith.constant 0 : i32
    return %arg0, %c0_i32 : i32, i32
  }
  func.func @transform_1(%arg0: i32) -> (i32, i32) {
    %c0_i32 = arith.constant 0 : i32
    %c0_i32_0 = arith.constant 0 : i32
    %c0_i32_1 = arith.constant 0 : i32
    return %c0_i32, %c0_i32_0 : i32, i32
  }
  func.func @transform_2(%arg0: i32) -> (i32, i32) {
    %c0_i32 = arith.constant 0 : i32
    %c0_i32_0 = arith.constant 0 : i32
    %c0_i32_1 = arith.constant 0 : i32
    return %c0_i32, %c0_i32_0 : i32, i32
  }
  func.func @transform_3(%arg0: i32) -> (i32, i32) {
    %c0_i32 = arith.constant 0 : i32
    %c0_i32_0 = arith.constant 0 : i32
    %c0_i32_1 = arith.constant 0 : i32
    return %c0_i32, %c0_i32_0 : i32, i32
  }
  func.func @transform_4(%arg0: i32) -> (i32, i32) {
    %c0_i32 = arith.constant 0 : i32
    %c0_i32_0 = arith.constant 0 : i32
    return %arg0, %c0_i32 : i32, i32
  }
  func.func @transform_5(%arg0: i32) -> (i32, i32) {
    %c0_i32 = arith.constant 0 : i32
    %c0_i32_0 = arith.constant 0 : i32
    return %arg0, %c0_i32 : i32, i32
  }
}

module attributes {stable_mosaic.version = 14 : i64} {
  func.func @_y_body(%arg0: i32, %arg1: memref<512x64xf32, #tpu.memory_space<vmem>>, %arg2: memref<512x1xf32, #tpu.memory_space<vmem>>, %arg3: memref<512x128xf32, #tpu.memory_space<vmem>>) attributes {dimension_semantics = [#tpu.dimension_semantics<arbitrary>], iteration_bounds = array<i64: 16>, scalar_prefetch = 0 : i64, scratch_operands = 0 : i64, tpu.core_type = #tpu.core_type<tc>, window_params = [{transform_indices = @transform_0, window_bounds = array<i64: 512, 64>}, {transform_indices = @transform_1, window_bounds = array<i64: 512, 1>}, {transform_indices = @transform_2, window_bounds = array<i64: 512, 128>}]} {
    %get3A = arith.constant 0 : index
    %get3A_0 = arith.constant 0 : index
    %get3A_1 = vector.load %arg1[%get3A, %get3A_0] : memref<512x64xf32, #tpu.memory_space<vmem>>, vector<512x64xf32>
    %get3A_2 = arith.constant 0 : index
    %get3A_3 = arith.constant 0 : index
    %get3A_4 = vector.load %arg2[%get3A_2, %get3A_3] : memref<512x1xf32, #tpu.memory_space<vmem>>, vector<512x1xf32>
    %dot_general3A = arith.constant dense<0.000000e+00> : vector<1x64xf32>
    %dot_general3A_5 = tpu.matmul %get3A_4, %get3A_1, %dot_general3A {dimension_numbers = #tpu.dot_dimension_numbers<[0], [0], [1], [1], [0, 1, 1, 1], [], []>, transpose_lhs_hint = false} : vector<512x1xf32>, vector<512x64xf32>, vector<1x64xf32> -> vector<1x64xf32>
    %add3A = vector.broadcast %dot_general3A_5 : vector<1x64xf32> to vector<512x64xf32>
    %add3A_6 = arith.addf %get3A_1, %add3A : vector<512x64xf32>
    %broadcast_in_dim3A = arith.constant 0.000000e+00 : f32
    %broadcast_in_dim3A_7 = vector.broadcast %broadcast_in_dim3A : f32 to vector<512x64xf32>
    %concatenate3A = tpu.concatenate %add3A_6, %broadcast_in_dim3A_7 in 1 : vector<512x64xf32>, vector<512x64xf32> -> vector<512x128xf32>
    %swap3A = arith.constant 0 : index
    %swap3A_8 = arith.constant 0 : index
    %swap3A_9 = vector.load %arg3[%swap3A, %swap3A_8] : memref<512x128xf32, #tpu.memory_space<vmem>>, vector<512x128xf32>
    tpu.vector_store %arg3[%swap3A, %swap3A_8], %concatenate3A {strides = array<i32>} : memref<512x128xf32, #tpu.memory_space<vmem>>, vector<512x128xf32>,
    return
  }
  func.func @transform_0(%arg0: i32) -> (i32, i32) {
    %c0_i32 = arith.constant 0 : i32
    %c0_i32_0 = arith.constant 0 : i32
    return %arg0, %c0_i32 : i32, i32
  }
  func.func @transform_1(%arg0: i32) -> (i32, i32) {
    %c0_i32 = arith.constant 0 : i32
    %c0_i32_0 = arith.constant 0 : i32
    return %arg0, %c0_i32 : i32, i32
  }
  func.func @transform_2(%arg0: i32) -> (i32, i32) {
    %c0_i32 = arith.constant 0 : i32
    %c0_i32_0 = arith.constant 0 : i32
    return %arg0, %c0_i32 : i32, i32
  }
}

module attributes {stable_mosaic.version = 14 : i64} {
  func.func @_d2_body(%arg0: i32, %arg1: memref<512x128xf32, #tpu.memory_space<vmem>>, %arg2: memref<512x1xf32, #tpu.memory_space<vmem>>, %arg3: memref<1x1x512xf32, #tpu.memory_space<vmem>>, %arg4: memref<512x512xf32, #tpu.memory_space<vmem>>) attributes {dimension_semantics = [#tpu.dimension_semantics<arbitrary>], iteration_bounds = array<i64: 16>, scalar_prefetch = 0 : i64, scratch_operands = 0 : i64, tpu.core_type = #tpu.core_type<tc>, window_params = [{transform_indices = @transform_0, window_bounds = array<i64: 512, 128>}, {transform_indices = @transform_1, window_bounds = array<i64: 512, 1>}, {transform_indices = @transform_2, window_bounds = array<i64: 1, 1, 512>}, {transform_indices = @transform_3, window_bounds = array<i64: 512, 512>}]} {
    %get3A = arith.constant 0 : index
    %get3A_0 = arith.constant 0 : index
    %get3A_1 = vector.load %arg1[%get3A, %get3A_0] : memref<512x128xf32, #tpu.memory_space<vmem>>, vector<512x128xf32>
    %slice3A = vector.extract_strided_slice %get3A_1 {offsets = [0, 0], sizes = [512, 64], strides = [1, 1]} : vector<512x128xf32> to vector<512x64xf32>
    %dot_general3A = arith.constant dense<0.000000e+00> : vector<512x512xf32>
    %dot_general3A_2 = tpu.matmul %slice3A, %slice3A, %dot_general3A {dimension_numbers = #tpu.dot_dimension_numbers<[1], [1], [0], [0], [0, 0, 1, 0], [], []>, transpose_lhs_hint = false} : vector<512x64xf32>, vector<512x64xf32>, vector<512x512xf32> -> vector<512x512xf32>
    %get3A_3 = arith.constant 0 : index
    %get3A_4 = arith.constant 0 : index
    %get3A_5 = vector.load %arg2[%get3A_3, %get3A_4] : memref<512x1xf32, #tpu.memory_space<vmem>>, vector<512x1xf32>
    %get3A_6 = arith.constant 0 : index
    %get3A_7 = arith.constant 0 : index
    %get3A_8 = arith.constant 0 : index
    %get3A_9 = vector.load %arg3[%get3A_6, %get3A_7, %get3A_8] : memref<1x1x512xf32, #tpu.memory_space<vmem>>, vector<1x1x512xf32>
    %get3A_10 = vector.shape_cast %get3A_9 : vector<1x1x512xf32> to vector<1x512xf32>
    %add3A = vector.broadcast %get3A_5 : vector<512x1xf32> to vector<512x512xf32>
    %add3A_11 = vector.broadcast %get3A_10 : vector<1x512xf32> to vector<512x512xf32>
    %add3A_12 = arith.addf %add3A, %add3A_11 : vector<512x512xf32>
    %mul3A = arith.constant 2.000000e+00 : f32
    %mul3A_13 = vector.broadcast %mul3A : f32 to vector<512x512xf32>
    %mul3A_14 = arith.mulf %mul3A_13, %dot_general3A_2 : vector<512x512xf32>
    %sub3A = arith.subf %add3A_12, %mul3A_14 : vector<512x512xf32>
    %swap3A = arith.constant 0 : index
    %swap3A_15 = arith.constant 0 : index
    %swap3A_16 = vector.load %arg4[%swap3A, %swap3A_15] : memref<512x512xf32, #tpu.memory_space<vmem>>, vector<512x512xf32>
    tpu.vector_store %arg4[%swap3A, %swap3A_15], %sub3A {strides = array<i32>} : memref<512x512xf32, #tpu.memory_space<vmem>>, vector<512x512xf32>,
    return
  }
  func.func @transform_0(%arg0: i32) -> (i32, i32) {
    %c0_i32 = arith.constant 0 : i32
    %c0_i32_0 = arith.constant 0 : i32
    return %arg0, %c0_i32 : i32, i32
  }
  func.func @transform_1(%arg0: i32) -> (i32, i32) {
    %c0_i32 = arith.constant 0 : i32
    %c0_i32_0 = arith.constant 0 : i32
    return %arg0, %c0_i32 : i32, i32
  }
  func.func @transform_2(%arg0: i32) -> (i32, i32, i32) {
    %c0_i32 = arith.constant 0 : i32
    %c0_i32_0 = arith.constant 0 : i32
    %c0_i32_1 = arith.constant 0 : i32
    return %arg0, %c0_i32, %c0_i32_0 : i32, i32, i32
  }
  func.func @transform_3(%arg0: i32) -> (i32, i32) {
    %c0_i32 = arith.constant 0 : i32
    %c0_i32_0 = arith.constant 0 : i32
    return %arg0, %c0_i32 : i32, i32
  }
}

module attributes {stable_mosaic.version = 14 : i64} {
  func.func @_pre_body(%arg0: i32, %arg1: memref<512x128xf32, #tpu.memory_space<vmem>>, %arg2: memref<512x16x128xf32, #tpu.memory_space<vmem>>, %arg3: memref<128x64xf32, #tpu.memory_space<vmem>>, %arg4: memref<1x64xf32, #tpu.memory_space<vmem>>, %arg5: memref<512x64xf32, #tpu.memory_space<vmem>>) attributes {dimension_semantics = [#tpu.dimension_semantics<arbitrary>], iteration_bounds = array<i64: 16>, scalar_prefetch = 0 : i64, scratch_operands = 0 : i64, tpu.core_type = #tpu.core_type<tc>, window_params = [{transform_indices = @transform_0, window_bounds = array<i64: 512, 128>}, {transform_indices = @transform_1, window_bounds = array<i64: 512, 16, 128>}, {pipeline_mode = #tpu.pipeline_mode<synchronous>, transform_indices = @transform_2, window_bounds = array<i64: 128, 64>}, {pipeline_mode = #tpu.pipeline_mode<synchronous>, transform_indices = @transform_3, window_bounds = array<i64: 1, 64>}, {transform_indices = @transform_4, window_bounds = array<i64: 512, 64>}]} {
    %get3A = arith.constant 0 : index
    %get3A_0 = arith.constant 0 : index
    %get3A_1 = vector.load %arg1[%get3A, %get3A_0] : memref<512x128xf32, #tpu.memory_space<vmem>>, vector<512x128xf32>
    %slice3A = vector.extract_strided_slice %get3A_1 {offsets = [0, 0], sizes = [512, 64], strides = [1, 1]} : vector<512x128xf32> to vector<512x64xf32>
    %get3A_2 = arith.constant 0 : index
    %get3A_3 = arith.constant 0 : index
    %get3A_4 = arith.constant 0 : index
    %get3A_5 = vector.load %arg2[%get3A_2, %get3A_3, %get3A_4] : memref<512x16x128xf32, #tpu.memory_space<vmem>>, vector<512x16x128xf32>
    %slice3A_6 = vector.extract_strided_slice %get3A_5 {offsets = [0, 0, 0], sizes = [512, 16, 64], strides = [1, 1, 1]} : vector<512x16x128xf32> to vector<512x16x64xf32>
    %broadcast_in_dim3A = vector.shape_cast %slice3A : vector<512x64xf32> to vector<512x1x64xf32>
    %broadcast_in_dim3A_7 = vector.shape_cast %broadcast_in_dim3A : vector<512x1x64xf32> to vector<512x1x64xf32>
    %broadcast_in_dim3A_8 = vector.broadcast %broadcast_in_dim3A_7 : vector<512x1x64xf32> to vector<512x16x64xf32>
    %broadcast_in_dim3A_9 = vector.shape_cast %slice3A : vector<512x64xf32> to vector<512x1x64xf32>
    %sub3A = vector.broadcast %broadcast_in_dim3A_9 : vector<512x1x64xf32> to vector<512x16x64xf32>
    %sub3A_10 = arith.subf %slice3A_6, %sub3A : vector<512x16x64xf32>
    %concatenate3A = tpu.concatenate %broadcast_in_dim3A_8, %sub3A_10 in 2 : vector<512x16x64xf32>, vector<512x16x64xf32> -> vector<512x16x128xf32>
    %get3A_11 = arith.constant 0 : index
    %get3A_12 = arith.constant 0 : index
    %get3A_13 = vector.load %arg3[%get3A_11, %get3A_12] : memref<128x64xf32, #tpu.memory_space<vmem>>, vector<128x64xf32>
    %dot_general3A = arith.constant dense<0.000000e+00> : vector<512x16x64xf32>
    %dot_general3A_14 = tpu.matmul %concatenate3A, %get3A_13, %dot_general3A {dimension_numbers = #tpu.dot_dimension_numbers<[2], [0], [0, 1], [1], [0, 0, 0, 1, 1, 1], [], []>, transpose_lhs_hint = false} : vector<512x16x128xf32>, vector<128x64xf32>, vector<512x16x64xf32> -> vector<512x16x64xf32>
    %get3A_15 = arith.constant 0 : index
    %get3A_16 = arith.constant 0 : index
    %get3A_17 = vector.load %arg4[%get3A_15, %get3A_16] : memref<1x64xf32, #tpu.memory_space<vmem>>, vector<1x64xf32>
    %broadcast_in_dim3A_18 = vector.shape_cast %get3A_17 : vector<1x64xf32> to vector<1x1x64xf32>
    %add3A = vector.broadcast %broadcast_in_dim3A_18 : vector<1x1x64xf32> to vector<512x16x64xf32>
    %add3A_19 = arith.addf %dot_general3A_14, %add3A : vector<512x16x64xf32>
    %reduce_max3A = arith.constant dense<0xFF800000> : vector<512x64xf32>
    %reduce_max3A_20 = vector.multi_reduction <maximumf>, %add3A_19, %reduce_max3A [1] : vector<512x16x64xf32> to vector<512x64xf32>
    %swap3A = arith.constant 0 : index
    %swap3A_21 = arith.constant 0 : index
    %swap3A_22 = vector.load %arg5[%swap3A, %swap3A_21] : memref<512x64xf32, #tpu.memory_space<vmem>>, vector<512x64xf32>
    tpu.vector_store %arg5[%swap3A, %swap3A_21], %reduce_max3A_20 {strides = array<i32>} : memref<512x64xf32, #tpu.memory_space<vmem>>, vector<512x64xf32>,
    return
  }
  func.func @transform_0(%arg0: i32) -> (i32, i32) {
    %c0_i32 = arith.constant 0 : i32
    %c0_i32_0 = arith.constant 0 : i32
    return %arg0, %c0_i32 : i32, i32
  }
  func.func @transform_1(%arg0: i32) -> (i32, i32, i32) {
    %c0_i32 = arith.constant 0 : i32
    %c0_i32_0 = arith.constant 0 : i32
    %c0_i32_1 = arith.constant 0 : i32
    return %arg0, %c0_i32, %c0_i32_0 : i32, i32, i32
  }
  func.func @transform_2(%arg0: i32) -> (i32, i32) {
    %c0_i32 = arith.constant 0 : i32
    %c0_i32_0 = arith.constant 0 : i32
    %c0_i32_1 = arith.constant 0 : i32
    return %c0_i32, %c0_i32_0 : i32, i32
  }
  func.func @transform_3(%arg0: i32) -> (i32, i32) {
    %c0_i32 = arith.constant 0 : i32
    %c0_i32_0 = arith.constant 0 : i32
    %c0_i32_1 = arith.constant 0 : i32
    return %c0_i32, %c0_i32_0 : i32, i32
  }
  func.func @transform_4(%arg0: i32) -> (i32, i32) {
    %c0_i32 = arith.constant 0 : i32
    %c0_i32_0 = arith.constant 0 : i32
    return %arg0, %c0_i32 : i32, i32
  }
}

module attributes {stable_mosaic.version = 14 : i64} {
  func.func @_gat_hs_body(%arg0: i32, %arg1: memref<512x64xf32, #tpu.memory_space<vmem>>, %arg2: memref<64x32xf32, #tpu.memory_space<vmem>>, %arg3: memref<1x32xf32, #tpu.memory_space<vmem>>, %arg4: memref<64x1xf32, #tpu.memory_space<vmem>>, %arg5: memref<512x32xf32, #tpu.memory_space<vmem>>, %arg6: memref<512x1xf32, #tpu.memory_space<vmem>>) attributes {dimension_semantics = [#tpu.dimension_semantics<arbitrary>], iteration_bounds = array<i64: 16>, scalar_prefetch = 0 : i64, scratch_operands = 0 : i64, tpu.core_type = #tpu.core_type<tc>, window_params = [{transform_indices = @transform_0, window_bounds = array<i64: 512, 64>}, {pipeline_mode = #tpu.pipeline_mode<synchronous>, transform_indices = @transform_1, window_bounds = array<i64: 64, 32>}, {pipeline_mode = #tpu.pipeline_mode<synchronous>, transform_indices = @transform_2, window_bounds = array<i64: 1, 32>}, {pipeline_mode = #tpu.pipeline_mode<synchronous>, transform_indices = @transform_3, window_bounds = array<i64: 64, 1>}, {transform_indices = @transform_4, window_bounds = array<i64: 512, 32>}, {transform_indices = @transform_5, window_bounds = array<i64: 512, 1>}]} {
    %get3A = arith.constant 0 : index
    %get3A_0 = arith.constant 0 : index
    %get3A_1 = vector.load %arg1[%get3A, %get3A_0] : memref<512x64xf32, #tpu.memory_space<vmem>>, vector<512x64xf32>
    %get3A_2 = arith.constant 0 : index
    %get3A_3 = arith.constant 0 : index
    %get3A_4 = vector.load %arg2[%get3A_2, %get3A_3] : memref<64x32xf32, #tpu.memory_space<vmem>>, vector<64x32xf32>
    %dot_general3A = arith.constant dense<0.000000e+00> : vector<512x32xf32>
    %dot_general3A_5 = tpu.matmul %get3A_1, %get3A_4, %dot_general3A {dimension_numbers = #tpu.dot_dimension_numbers<[1], [0], [0], [1], [0, 0, 1, 1], [], []>, transpose_lhs_hint = false} : vector<512x64xf32>, vector<64x32xf32>, vector<512x32xf32> -> vector<512x32xf32>
    %get3A_6 = arith.constant 0 : index
    %get3A_7 = arith.constant 0 : index
    %get3A_8 = vector.load %arg3[%get3A_6, %get3A_7] : memref<1x32xf32, #tpu.memory_space<vmem>>, vector<1x32xf32>
    %add3A = vector.broadcast %get3A_8 : vector<1x32xf32> to vector<512x32xf32>
    %add3A_9 = arith.addf %dot_general3A_5, %add3A : vector<512x32xf32>
    %swap3A = arith.constant 0 : index
    %swap3A_10 = arith.constant 0 : index
    %swap3A_11 = vector.load %arg5[%swap3A, %swap3A_10] : memref<512x32xf32, #tpu.memory_space<vmem>>, vector<512x32xf32>
    tpu.vector_store %arg5[%swap3A, %swap3A_10], %add3A_9 {strides = array<i32>} : memref<512x32xf32, #tpu.memory_space<vmem>>, vector<512x32xf32>,
    %get3A_12 = arith.constant 0 : index
    %get3A_13 = arith.constant 0 : index
    %get3A_14 = vector.load %arg4[%get3A_12, %get3A_13] : memref<64x1xf32, #tpu.memory_space<vmem>>, vector<64x1xf32>
    %dot_general3A_15 = arith.constant dense<0.000000e+00> : vector<512x1xf32>
    %dot_general3A_16 = tpu.matmul %get3A_1, %get3A_14, %dot_general3A_15 {dimension_numbers = #tpu.dot_dimension_numbers<[1], [0], [0], [1], [0, 0, 1, 1], [], []>, transpose_lhs_hint = false} : vector<512x64xf32>, vector<64x1xf32>, vector<512x1xf32> -> vector<512x1xf32>
    %swap3A_17 = arith.constant 0 : index
    %swap3A_18 = arith.constant 0 : index
    %swap3A_19 = vector.load %arg6[%swap3A_17, %swap3A_18] : memref<512x1xf32, #tpu.memory_space<vmem>>, vector<512x1xf32>
    tpu.vector_store %arg6[%swap3A_17, %swap3A_18], %dot_general3A_16 {strides = array<i32>} : memref<512x1xf32, #tpu.memory_space<vmem>>, vector<512x1xf32>,
    return
  }
  func.func @transform_0(%arg0: i32) -> (i32, i32) {
    %c0_i32 = arith.constant 0 : i32
    %c0_i32_0 = arith.constant 0 : i32
    return %arg0, %c0_i32 : i32, i32
  }
  func.func @transform_1(%arg0: i32) -> (i32, i32) {
    %c0_i32 = arith.constant 0 : i32
    %c0_i32_0 = arith.constant 0 : i32
    %c0_i32_1 = arith.constant 0 : i32
    return %c0_i32, %c0_i32_0 : i32, i32
  }
  func.func @transform_2(%arg0: i32) -> (i32, i32) {
    %c0_i32 = arith.constant 0 : i32
    %c0_i32_0 = arith.constant 0 : i32
    %c0_i32_1 = arith.constant 0 : i32
    return %c0_i32, %c0_i32_0 : i32, i32
  }
  func.func @transform_3(%arg0: i32) -> (i32, i32) {
    %c0_i32 = arith.constant 0 : i32
    %c0_i32_0 = arith.constant 0 : i32
    %c0_i32_1 = arith.constant 0 : i32
    return %c0_i32, %c0_i32_0 : i32, i32
  }
  func.func @transform_4(%arg0: i32) -> (i32, i32) {
    %c0_i32 = arith.constant 0 : i32
    %c0_i32_0 = arith.constant 0 : i32
    return %arg0, %c0_i32 : i32, i32
  }
  func.func @transform_5(%arg0: i32) -> (i32, i32) {
    %c0_i32 = arith.constant 0 : i32
    %c0_i32_0 = arith.constant 0 : i32
    return %arg0, %c0_i32 : i32, i32
  }
}

module attributes {stable_mosaic.version = 14 : i64} {
  func.func @_y_body(%arg0: i32, %arg1: memref<512x32xf32, #tpu.memory_space<vmem>>, %arg2: memref<512x1xf32, #tpu.memory_space<vmem>>, %arg3: memref<512x128xf32, #tpu.memory_space<vmem>>) attributes {dimension_semantics = [#tpu.dimension_semantics<arbitrary>], iteration_bounds = array<i64: 16>, scalar_prefetch = 0 : i64, scratch_operands = 0 : i64, tpu.core_type = #tpu.core_type<tc>, window_params = [{transform_indices = @transform_0, window_bounds = array<i64: 512, 32>}, {transform_indices = @transform_1, window_bounds = array<i64: 512, 1>}, {transform_indices = @transform_2, window_bounds = array<i64: 512, 128>}]} {
    %get3A = arith.constant 0 : index
    %get3A_0 = arith.constant 0 : index
    %get3A_1 = vector.load %arg1[%get3A, %get3A_0] : memref<512x32xf32, #tpu.memory_space<vmem>>, vector<512x32xf32>
    %get3A_2 = arith.constant 0 : index
    %get3A_3 = arith.constant 0 : index
    %get3A_4 = vector.load %arg2[%get3A_2, %get3A_3] : memref<512x1xf32, #tpu.memory_space<vmem>>, vector<512x1xf32>
    %dot_general3A = arith.constant dense<0.000000e+00> : vector<1x32xf32>
    %dot_general3A_5 = tpu.matmul %get3A_4, %get3A_1, %dot_general3A {dimension_numbers = #tpu.dot_dimension_numbers<[0], [0], [1], [1], [0, 1, 1, 1], [], []>, transpose_lhs_hint = false} : vector<512x1xf32>, vector<512x32xf32>, vector<1x32xf32> -> vector<1x32xf32>
    %add3A = vector.broadcast %dot_general3A_5 : vector<1x32xf32> to vector<512x32xf32>
    %add3A_6 = arith.addf %get3A_1, %add3A : vector<512x32xf32>
    %broadcast_in_dim3A = arith.constant 0.000000e+00 : f32
    %broadcast_in_dim3A_7 = vector.broadcast %broadcast_in_dim3A : f32 to vector<512x96xf32>
    %concatenate3A = tpu.concatenate %add3A_6, %broadcast_in_dim3A_7 in 1 : vector<512x32xf32>, vector<512x96xf32> -> vector<512x128xf32>
    %swap3A = arith.constant 0 : index
    %swap3A_8 = arith.constant 0 : index
    %swap3A_9 = vector.load %arg3[%swap3A, %swap3A_8] : memref<512x128xf32, #tpu.memory_space<vmem>>, vector<512x128xf32>
    tpu.vector_store %arg3[%swap3A, %swap3A_8], %concatenate3A {strides = array<i32>} : memref<512x128xf32, #tpu.memory_space<vmem>>, vector<512x128xf32>,
    return
  }
  func.func @transform_0(%arg0: i32) -> (i32, i32) {
    %c0_i32 = arith.constant 0 : i32
    %c0_i32_0 = arith.constant 0 : i32
    return %arg0, %c0_i32 : i32, i32
  }
  func.func @transform_1(%arg0: i32) -> (i32, i32) {
    %c0_i32 = arith.constant 0 : i32
    %c0_i32_0 = arith.constant 0 : i32
    return %arg0, %c0_i32 : i32, i32
  }
  func.func @transform_2(%arg0: i32) -> (i32, i32) {
    %c0_i32 = arith.constant 0 : i32
    %c0_i32_0 = arith.constant 0 : i32
    return %arg0, %c0_i32 : i32, i32
  }
}

module attributes {stable_mosaic.version = 14 : i64} {
  func.func @_d2_body(%arg0: i32, %arg1: memref<512x128xf32, #tpu.memory_space<vmem>>, %arg2: memref<512x1xf32, #tpu.memory_space<vmem>>, %arg3: memref<1x1x512xf32, #tpu.memory_space<vmem>>, %arg4: memref<512x512xf32, #tpu.memory_space<vmem>>) attributes {dimension_semantics = [#tpu.dimension_semantics<arbitrary>], iteration_bounds = array<i64: 16>, scalar_prefetch = 0 : i64, scratch_operands = 0 : i64, tpu.core_type = #tpu.core_type<tc>, window_params = [{transform_indices = @transform_0, window_bounds = array<i64: 512, 128>}, {transform_indices = @transform_1, window_bounds = array<i64: 512, 1>}, {transform_indices = @transform_2, window_bounds = array<i64: 1, 1, 512>}, {transform_indices = @transform_3, window_bounds = array<i64: 512, 512>}]} {
    %get3A = arith.constant 0 : index
    %get3A_0 = arith.constant 0 : index
    %get3A_1 = vector.load %arg1[%get3A, %get3A_0] : memref<512x128xf32, #tpu.memory_space<vmem>>, vector<512x128xf32>
    %slice3A = vector.extract_strided_slice %get3A_1 {offsets = [0, 0], sizes = [512, 32], strides = [1, 1]} : vector<512x128xf32> to vector<512x32xf32>
    %dot_general3A = arith.constant dense<0.000000e+00> : vector<512x512xf32>
    %dot_general3A_2 = tpu.matmul %slice3A, %slice3A, %dot_general3A {dimension_numbers = #tpu.dot_dimension_numbers<[1], [1], [0], [0], [0, 0, 1, 0], [], []>, transpose_lhs_hint = false} : vector<512x32xf32>, vector<512x32xf32>, vector<512x512xf32> -> vector<512x512xf32>
    %get3A_3 = arith.constant 0 : index
    %get3A_4 = arith.constant 0 : index
    %get3A_5 = vector.load %arg2[%get3A_3, %get3A_4] : memref<512x1xf32, #tpu.memory_space<vmem>>, vector<512x1xf32>
    %get3A_6 = arith.constant 0 : index
    %get3A_7 = arith.constant 0 : index
    %get3A_8 = arith.constant 0 : index
    %get3A_9 = vector.load %arg3[%get3A_6, %get3A_7, %get3A_8] : memref<1x1x512xf32, #tpu.memory_space<vmem>>, vector<1x1x512xf32>
    %get3A_10 = vector.shape_cast %get3A_9 : vector<1x1x512xf32> to vector<1x512xf32>
    %add3A = vector.broadcast %get3A_5 : vector<512x1xf32> to vector<512x512xf32>
    %add3A_11 = vector.broadcast %get3A_10 : vector<1x512xf32> to vector<512x512xf32>
    %add3A_12 = arith.addf %add3A, %add3A_11 : vector<512x512xf32>
    %mul3A = arith.constant 2.000000e+00 : f32
    %mul3A_13 = vector.broadcast %mul3A : f32 to vector<512x512xf32>
    %mul3A_14 = arith.mulf %mul3A_13, %dot_general3A_2 : vector<512x512xf32>
    %sub3A = arith.subf %add3A_12, %mul3A_14 : vector<512x512xf32>
    %swap3A = arith.constant 0 : index
    %swap3A_15 = arith.constant 0 : index
    %swap3A_16 = vector.load %arg4[%swap3A, %swap3A_15] : memref<512x512xf32, #tpu.memory_space<vmem>>, vector<512x512xf32>
    tpu.vector_store %arg4[%swap3A, %swap3A_15], %sub3A {strides = array<i32>} : memref<512x512xf32, #tpu.memory_space<vmem>>, vector<512x512xf32>,
    return
  }
  func.func @transform_0(%arg0: i32) -> (i32, i32) {
    %c0_i32 = arith.constant 0 : i32
    %c0_i32_0 = arith.constant 0 : i32
    return %arg0, %c0_i32 : i32, i32
  }
  func.func @transform_1(%arg0: i32) -> (i32, i32) {
    %c0_i32 = arith.constant 0 : i32
    %c0_i32_0 = arith.constant 0 : i32
    return %arg0, %c0_i32 : i32, i32
  }
  func.func @transform_2(%arg0: i32) -> (i32, i32, i32) {
    %c0_i32 = arith.constant 0 : i32
    %c0_i32_0 = arith.constant 0 : i32
    %c0_i32_1 = arith.constant 0 : i32
    return %arg0, %c0_i32, %c0_i32_0 : i32, i32, i32
  }
  func.func @transform_3(%arg0: i32) -> (i32, i32) {
    %c0_i32 = arith.constant 0 : i32
    %c0_i32_0 = arith.constant 0 : i32
    return %arg0, %c0_i32 : i32, i32
  }
}

module attributes {stable_mosaic.version = 14 : i64} {
  func.func @_pre_body(%arg0: i32, %arg1: memref<512x128xf32, #tpu.memory_space<vmem>>, %arg2: memref<512x16x128xf32, #tpu.memory_space<vmem>>, %arg3: memref<64x128xf32, #tpu.memory_space<vmem>>, %arg4: memref<1x128xf32, #tpu.memory_space<vmem>>, %arg5: memref<512x128xf32, #tpu.memory_space<vmem>>) attributes {dimension_semantics = [#tpu.dimension_semantics<arbitrary>], iteration_bounds = array<i64: 16>, scalar_prefetch = 0 : i64, scratch_operands = 0 : i64, tpu.core_type = #tpu.core_type<tc>, window_params = [{transform_indices = @transform_0, window_bounds = array<i64: 512, 128>}, {transform_indices = @transform_1, window_bounds = array<i64: 512, 16, 128>}, {pipeline_mode = #tpu.pipeline_mode<synchronous>, transform_indices = @transform_2, window_bounds = array<i64: 64, 128>}, {pipeline_mode = #tpu.pipeline_mode<synchronous>, transform_indices = @transform_3, window_bounds = array<i64: 1, 128>}, {transform_indices = @transform_4, window_bounds = array<i64: 512, 128>}]} {
    %get3A = arith.constant 0 : index
    %get3A_0 = arith.constant 0 : index
    %get3A_1 = vector.load %arg1[%get3A, %get3A_0] : memref<512x128xf32, #tpu.memory_space<vmem>>, vector<512x128xf32>
    %slice3A = vector.extract_strided_slice %get3A_1 {offsets = [0, 0], sizes = [512, 32], strides = [1, 1]} : vector<512x128xf32> to vector<512x32xf32>
    %get3A_2 = arith.constant 0 : index
    %get3A_3 = arith.constant 0 : index
    %get3A_4 = arith.constant 0 : index
    %get3A_5 = vector.load %arg2[%get3A_2, %get3A_3, %get3A_4] : memref<512x16x128xf32, #tpu.memory_space<vmem>>, vector<512x16x128xf32>
    %slice3A_6 = vector.extract_strided_slice %get3A_5 {offsets = [0, 0, 0], sizes = [512, 16, 32], strides = [1, 1, 1]} : vector<512x16x128xf32> to vector<512x16x32xf32>
    %broadcast_in_dim3A = vector.shape_cast %slice3A : vector<512x32xf32> to vector<512x1x32xf32>
    %broadcast_in_dim3A_7 = vector.shape_cast %broadcast_in_dim3A : vector<512x1x32xf32> to vector<512x1x32xf32>
    %broadcast_in_dim3A_8 = vector.broadcast %broadcast_in_dim3A_7 : vector<512x1x32xf32> to vector<512x16x32xf32>
    %broadcast_in_dim3A_9 = vector.shape_cast %slice3A : vector<512x32xf32> to vector<512x1x32xf32>
    %sub3A = vector.broadcast %broadcast_in_dim3A_9 : vector<512x1x32xf32> to vector<512x16x32xf32>
    %sub3A_10 = arith.subf %slice3A_6, %sub3A : vector<512x16x32xf32>
    %concatenate3A = tpu.concatenate %broadcast_in_dim3A_8, %sub3A_10 in 2 : vector<512x16x32xf32>, vector<512x16x32xf32> -> vector<512x16x64xf32>
    %get3A_11 = arith.constant 0 : index
    %get3A_12 = arith.constant 0 : index
    %get3A_13 = vector.load %arg3[%get3A_11, %get3A_12] : memref<64x128xf32, #tpu.memory_space<vmem>>, vector<64x128xf32>
    %dot_general3A = arith.constant dense<0.000000e+00> : vector<512x16x128xf32>
    %dot_general3A_14 = tpu.matmul %concatenate3A, %get3A_13, %dot_general3A {dimension_numbers = #tpu.dot_dimension_numbers<[2], [0], [0, 1], [1], [0, 0, 0, 1, 1, 1], [], []>, transpose_lhs_hint = false} : vector<512x16x64xf32>, vector<64x128xf32>, vector<512x16x128xf32> -> vector<512x16x128xf32>
    %get3A_15 = arith.constant 0 : index
    %get3A_16 = arith.constant 0 : index
    %get3A_17 = vector.load %arg4[%get3A_15, %get3A_16] : memref<1x128xf32, #tpu.memory_space<vmem>>, vector<1x128xf32>
    %broadcast_in_dim3A_18 = vector.shape_cast %get3A_17 : vector<1x128xf32> to vector<1x1x128xf32>
    %add3A = vector.broadcast %broadcast_in_dim3A_18 : vector<1x1x128xf32> to vector<512x16x128xf32>
    %add3A_19 = arith.addf %dot_general3A_14, %add3A : vector<512x16x128xf32>
    %reduce_max3A = arith.constant dense<0xFF800000> : vector<512x128xf32>
    %reduce_max3A_20 = vector.multi_reduction <maximumf>, %add3A_19, %reduce_max3A [1] : vector<512x16x128xf32> to vector<512x128xf32>
    %swap3A = arith.constant 0 : index
    %swap3A_21 = arith.constant 0 : index
    %swap3A_22 = vector.load %arg5[%swap3A, %swap3A_21] : memref<512x128xf32, #tpu.memory_space<vmem>>, vector<512x128xf32>
    tpu.vector_store %arg5[%swap3A, %swap3A_21], %reduce_max3A_20 {strides = array<i32>} : memref<512x128xf32, #tpu.memory_space<vmem>>, vector<512x128xf32>,
    return
  }
  func.func @transform_0(%arg0: i32) -> (i32, i32) {
    %c0_i32 = arith.constant 0 : i32
    %c0_i32_0 = arith.constant 0 : i32
    return %arg0, %c0_i32 : i32, i32
  }
  func.func @transform_1(%arg0: i32) -> (i32, i32, i32) {
    %c0_i32 = arith.constant 0 : i32
    %c0_i32_0 = arith.constant 0 : i32
    %c0_i32_1 = arith.constant 0 : i32
    return %arg0, %c0_i32, %c0_i32_0 : i32, i32, i32
  }
  func.func @transform_2(%arg0: i32) -> (i32, i32) {
    %c0_i32 = arith.constant 0 : i32
    %c0_i32_0 = arith.constant 0 : i32
    %c0_i32_1 = arith.constant 0 : i32
    return %c0_i32, %c0_i32_0 : i32, i32
  }
  func.func @transform_3(%arg0: i32) -> (i32, i32) {
    %c0_i32 = arith.constant 0 : i32
    %c0_i32_0 = arith.constant 0 : i32
    %c0_i32_1 = arith.constant 0 : i32
    return %c0_i32, %c0_i32_0 : i32, i32
  }
  func.func @transform_4(%arg0: i32) -> (i32, i32) {
    %c0_i32 = arith.constant 0 : i32
    %c0_i32_0 = arith.constant 0 : i32
    return %arg0, %c0_i32 : i32, i32
  }
}

module attributes {stable_mosaic.version = 14 : i64} {
  func.func @_final_body(%arg0: i32, %arg1: memref<512x128xf32, #tpu.memory_space<vmem>>, %arg2: memref<512x128xf32, #tpu.memory_space<vmem>>, %arg3: memref<512x64xf32, #tpu.memory_space<vmem>>, %arg4: memref<128x128xf32, #tpu.memory_space<vmem>>, %arg5: memref<64x128xf32, #tpu.memory_space<vmem>>, %arg6: memref<128x128xf32, #tpu.memory_space<vmem>>, %arg7: memref<1x128xf32, #tpu.memory_space<vmem>>, %arg8: memref<512x128xf32, #tpu.memory_space<vmem>>) attributes {dimension_semantics = [#tpu.dimension_semantics<arbitrary>], iteration_bounds = array<i64: 16>, scalar_prefetch = 0 : i64, scratch_operands = 0 : i64, tpu.core_type = #tpu.core_type<tc>, window_params = [{transform_indices = @transform_0, window_bounds = array<i64: 512, 128>}, {transform_indices = @transform_1, window_bounds = array<i64: 512, 128>}, {transform_indices = @transform_2, window_bounds = array<i64: 512, 64>}, {pipeline_mode = #tpu.pipeline_mode<synchronous>, transform_indices = @transform_3, window_bounds = array<i64: 128, 128>}, {pipeline_mode = #tpu.pipeline_mode<synchronous>, transform_indices = @transform_4, window_bounds = array<i64: 64, 128>}, {pipeline_mode = #tpu.pipeline_mode<synchronous>, transform_indices = @transform_5, window_bounds = array<i64: 128, 128>}, {pipeline_mode = #tpu.pipeline_mode<synchronous>, transform_indices = @transform_6, window_bounds = array<i64: 1, 128>}, {transform_indices = @transform_7, window_bounds = array<i64: 512, 128>}]} {
    %get3A = arith.constant 0 : index
    %get3A_0 = arith.constant 0 : index
    %get3A_1 = vector.load %arg2[%get3A, %get3A_0] : memref<512x128xf32, #tpu.memory_space<vmem>>, vector<512x128xf32>
    %get3A_2 = arith.constant 0 : index
    %get3A_3 = arith.constant 0 : index
    %get3A_4 = vector.load %arg4[%get3A_2, %get3A_3] : memref<128x128xf32, #tpu.memory_space<vmem>>, vector<128x128xf32>
    %dot_general3A = arith.constant dense<0.000000e+00> : vector<512x128xf32>
    %dot_general3A_5 = tpu.matmul %get3A_1, %get3A_4, %dot_general3A {dimension_numbers = #tpu.dot_dimension_numbers<[1], [0], [0], [1], [0, 0, 1, 1], [], []>, transpose_lhs_hint = false} : vector<512x128xf32>, vector<128x128xf32>, vector<512x128xf32> -> vector<512x128xf32>
    %get3A_6 = arith.constant 0 : index
    %get3A_7 = arith.constant 0 : index
    %get3A_8 = vector.load %arg3[%get3A_6, %get3A_7] : memref<512x64xf32, #tpu.memory_space<vmem>>, vector<512x64xf32>
    %get3A_9 = arith.constant 0 : index
    %get3A_10 = arith.constant 0 : index
    %get3A_11 = vector.load %arg5[%get3A_9, %get3A_10] : memref<64x128xf32, #tpu.memory_space<vmem>>, vector<64x128xf32>
    %dot_general3A_12 = arith.constant dense<0.000000e+00> : vector<512x128xf32>
    %dot_general3A_13 = tpu.matmul %get3A_8, %get3A_11, %dot_general3A_12 {dimension_numbers = #tpu.dot_dimension_numbers<[1], [0], [0], [1], [0, 0, 1, 1], [], []>, transpose_lhs_hint = false} : vector<512x64xf32>, vector<64x128xf32>, vector<512x128xf32> -> vector<512x128xf32>
    %add3A = arith.addf %dot_general3A_5, %dot_general3A_13 : vector<512x128xf32>
    %get3A_14 = arith.constant 0 : index
    %get3A_15 = arith.constant 0 : index
    %get3A_16 = vector.load %arg1[%get3A_14, %get3A_15] : memref<512x128xf32, #tpu.memory_space<vmem>>, vector<512x128xf32>
    %get3A_17 = arith.constant 0 : index
    %get3A_18 = arith.constant 0 : index
    %get3A_19 = vector.load %arg6[%get3A_17, %get3A_18] : memref<128x128xf32, #tpu.memory_space<vmem>>, vector<128x128xf32>
    %dot_general3A_20 = arith.constant dense<0.000000e+00> : vector<512x128xf32>
    %dot_general3A_21 = tpu.matmul %get3A_16, %get3A_19, %dot_general3A_20 {dimension_numbers = #tpu.dot_dimension_numbers<[1], [0], [0], [1], [0, 0, 1, 1], [], []>, transpose_lhs_hint = false} : vector<512x128xf32>, vector<128x128xf32>, vector<512x128xf32> -> vector<512x128xf32>
    %add3A_22 = arith.addf %add3A, %dot_general3A_21 : vector<512x128xf32>
    %get3A_23 = arith.constant 0 : index
    %get3A_24 = arith.constant 0 : index
    %get3A_25 = vector.load %arg7[%get3A_23, %get3A_24] : memref<1x128xf32, #tpu.memory_space<vmem>>, vector<1x128xf32>
    %add3A_26 = vector.broadcast %get3A_25 : vector<1x128xf32> to vector<512x128xf32>
    %add3A_27 = arith.addf %add3A_22, %add3A_26 : vector<512x128xf32>
    %mul3A = arith.mulf %add3A_27, %add3A_27 : vector<512x128xf32>
    %reduce_sum3A = arith.constant dense<0.000000e+00> : vector<512xf32>
    %reduce_sum3A_28 = vector.multi_reduction <add>, %mul3A, %reduce_sum3A [1] : vector<512x128xf32> to vector<512xf32>
    %broadcast_in_dim3A = vector.shape_cast %reduce_sum3A_28 : vector<512xf32> to vector<512x1xf32>
    %sqrt3A = math.sqrt %broadcast_in_dim3A : vector<512x1xf32>
    %add3A_29 = arith.constant 9.99999971E-10 : f32
    %add3A_30 = vector.broadcast %add3A_29 : f32 to vector<512x1xf32>
    %add3A_31 = arith.addf %sqrt3A, %add3A_30 : vector<512x1xf32>
    %div3A = vector.broadcast %add3A_31 : vector<512x1xf32> to vector<512x128xf32>
    %div3A_32 = arith.divf %add3A_27, %div3A : vector<512x128xf32>
    %swap3A = arith.constant 0 : index
    %swap3A_33 = arith.constant 0 : index
    %swap3A_34 = vector.load %arg8[%swap3A, %swap3A_33] : memref<512x128xf32, #tpu.memory_space<vmem>>, vector<512x128xf32>
    tpu.vector_store %arg8[%swap3A, %swap3A_33], %div3A_32 {strides = array<i32>} : memref<512x128xf32, #tpu.memory_space<vmem>>, vector<512x128xf32>,
    return
  }
  func.func @transform_0(%arg0: i32) -> (i32, i32) {
    %c0_i32 = arith.constant 0 : i32
    %c0_i32_0 = arith.constant 0 : i32
    return %arg0, %c0_i32 : i32, i32
  }
  func.func @transform_1(%arg0: i32) -> (i32, i32) {
    %c0_i32 = arith.constant 0 : i32
    %c0_i32_0 = arith.constant 0 : i32
    return %arg0, %c0_i32 : i32, i32
  }
  func.func @transform_2(%arg0: i32) -> (i32, i32) {
    %c0_i32 = arith.constant 0 : i32
    %c0_i32_0 = arith.constant 0 : i32
    return %arg0, %c0_i32 : i32, i32
  }
  func.func @transform_3(%arg0: i32) -> (i32, i32) {
    %c0_i32 = arith.constant 0 : i32
    %c0_i32_0 = arith.constant 0 : i32
    %c0_i32_1 = arith.constant 0 : i32
    return %c0_i32, %c0_i32_0 : i32, i32
  }
  func.func @transform_4(%arg0: i32) -> (i32, i32) {
    %c0_i32 = arith.constant 0 : i32
    %c0_i32_0 = arith.constant 0 : i32
    %c0_i32_1 = arith.constant 0 : i32
    return %c0_i32, %c0_i32_0 : i32, i32
  }
  func.func @transform_5(%arg0: i32) -> (i32, i32) {
    %c0_i32 = arith.constant 0 : i32
    %c0_i32_0 = arith.constant 0 : i32
    %c0_i32_1 = arith.constant 0 : i32
    return %c0_i32, %c0_i32_0 : i32, i32
  }
  func.func @transform_6(%arg0: i32) -> (i32, i32) {
    %c0_i32 = arith.constant 0 : i32
    %c0_i32_0 = arith.constant 0 : i32
    %c0_i32_1 = arith.constant 0 : i32
    return %c0_i32, %c0_i32_0 : i32, i32
  }
  func.func @transform_7(%arg0: i32) -> (i32, i32) {
    %c0_i32 = arith.constant 0 : i32
    %c0_i32_0 = arith.constant 0 : i32
    return %arg0, %c0_i32 : i32, i32
  }
}

</mosaic_0001>

<sc_bundles>
// kernel: kernel.18.cloned.1.call-start
scs
__scs_entry_jumppad:
0x0: {  	(pc) =	sbr.rel $0x88, $3  }
0x1: {  	(tag) =	ssettag $0x0;
	lr =	simm.s32 $0x1  }
0x2: {  	[smem:$0x3F89] =	sst lr;
	_ =	strace $0xD0000000  }
0x3: {  	_ = 	snop  }
0x4: {  	_ = 	snop  }
0x5: {  	_ = 	snop  }
0x6: {  	_ = 	snop  }
0x7: {  	_ = 	snop  }
__scs_overlays_trampoline_lowered:
0x8: {  	[smem:$0x3F98] =	sst s0  }
0x9: {  	[smem:$0x3F99] =	sst s1  }
0xa: {  	[smem:$0x3F9A] =	sst s2  }
0xb: {  	[smem:$0x3F9B] =	sst s3  }
0xc: {  	[smem:$0x3F9C] =	sst s4  }
0xd: {  	[smem:$0x3F9D] =	sst s5  }
0xe: {  	[smem:$0x3F9E] =	sst s6  }
0xf: {  	[smem:$0x3F9F] =	sst s7  }
0x10: {  	[smem:$0x3FA0] =	sst s8  }
0x11: {  	[smem:$0x3FA1] =	sst s9;
	s0 =	simm.s32 @!p0 $0x0  }
0x12: {  	s1 =	sld [smem:$0x3F87];
	s0 =	simm.s32 @p0 $0x1  }
0x13: {  	[smem:$0x3FA2] =	sst s0;
	s0 =	simm.s32 @!p1 $0x0  }
0x14: {  	s2 =	sld [smem:$0x3F86];
	s0 =	simm.s32 @p1 $0x1  }
0x15: {  	[smem:$0x3FA3] =	sst s0;
	s0 =	simm.s32 @!p2 $0x0  }
0x16: {  	s3 =	sld [smem:$0x3FDB];
	s0 =	simm.s32 @p2 $0x1  }
0x17: {  	s4 =	simm.s32 $0x1BF5;
	[smem:$0x3FA5] =	sst s0  }
0x18: {  	s0 =	sld [smem:$0x3F88];
	_ =	swait.ge [sflag:s4], $0x0  }
0x19: {  	s7 =	sld [smem:$0x3F89]  }
0x1a: {  	s8 =	sadd.s32 $0xFFFFE003, lr  }
0x1b: {  	s9 =	sadd.s32 $0xFFFFFEF7, lr;
	s5 =	simm.s32 $0xFFFFFFFF;
	p2 =	slt.u32 s8, $0xFFFFF086  }
0x1c: {  	p1 =	slt.u32 s9, $0xF7A;
	s5 =	simm.s32 @!p2 $0x0  }
0x1d: {  	s5 =	simm.s32 @p1 $0x1;
	p0 =	seq.s32 s7, s2  }
0x1e: {  	s7 =	smul.u32 @!p0 $0xF7A, s2;
	p2 =	seq.s32 @!p0 s5, $0x0  }
0x1f: {  	s9 =	smul.u32 $0xF7A, s1;
	s8 =	simm.s32 @!p0 $0x1BF5;
	p2 =	por !p2, p0  }
0x20: {  	[sflag:s8] =	ssyncset.s32 @!p0 $0xFFFFF086;
	s6 =	sadd.s32 @!p0 s3, s7;
	s7 =	simm.s32 @!p0 $0x108  }
0x21: {  	s3 =	sadd.s32 s3, s9;
	s6 =	sadd.s32 @!p0 $0x88, s6;
	s7 =	simm.s32 @p2 $0x1082  }
0x22: {  	[simem:s7], [sflag:s8] =	dma.local @!p0 [hbm:s6], $0xF7A  }
0x23: {  	s9 =	sor.u32 $0xD0000000, s2;
	s6 =	simm.s32 $0x108;
	_ =	swait.ge @!p0 [sflag:s8], $0x0  }
0x24: {  	s3 =	sadd.s32 $0x88, s3;
	s6 =	simm.s32 @!p1 $0x1082;
	[sflag:s4] =	ssyncset.s32 $0xFFFFF086  }
0x25: {  	[simem:s6], [sflag:s4] =	dma.local [hbm:s3], $0xF7A  }
0x26: {  	[smem:$0x3F89] =	sst s1;
	(tag) =	ssettag s2;
	_ =	strace s9  }
0x27: {  	s1 =	sld [smem:$0x3F99]  }
0x28: {  	s2 =	sld [smem:$0x3F9A]  }
0x29: {  	s4 =	sld [smem:$0x3F9C]  }
0x2a: {  	p0 =	seq.s32 s5, $0x0;
	s5 =	sld [smem:$0x3F9D]  }
0x2b: {  	s6 =	sld [smem:$0x3F9E]  }
0x2c: {  	s7 =	sld [smem:$0x3F9F]  }
0x2d: {  	s3 =	simm.s32 $0x108;
	s8 =	sld [smem:$0x3FA0]  }
0x2e: {  	s3 =	simm.s32 @!p0 $0x1082;
	s9 =	sld [smem:$0x3FA1]  }
0x2f: {  	lr =	sadd.s32 s0, s3;
	s0 =	sld [smem:$0x3F98]  }
0x30: {  	s3 =	sld [smem:$0x3F9B]  }
0x31: {  	[smem:$0x3FA4] =	sst s10  }
0x32: {  	s10 =	sld [smem:$0x3FA2];
	_ =	sdelay $0x3  }
0x33: {  	p0 =	seq.s32 s10, $0x1;
	s10 =	sld [smem:$0x3FA4];
	_ =	sdelay $0x3  }
0x34: {  	[smem:$0x3FA4] =	sst s10  }
0x35: {  	s10 =	sld [smem:$0x3FA3];
	_ =	sdelay $0x3  }
0x36: {  	p1 =	seq.s32 s10, $0x1;
	s10 =	sld [smem:$0x3FA4];
	_ =	sdelay $0x3  }
0x37: {  	[smem:$0x3FA4] =	sst s10  }
0x38: {  	s10 =	sld [smem:$0x3FA5]  }
0x39: {  	_ = 	snop;
	(pc) =	sbr.ind lr, $3  }
0x3a: {  	_ = 	snop  }
0x3b: {  	_ = 	snop  }
0x3c: {  	p2 =	seq.s32 s10, $0x1;
	s10 =	sld [smem:$0x3FA4]  }
0x3d: {  	_ =	shalt  }
0x3e: {  	_ =	shalt  }
0x3f: {  	_ =	shalt  }
0x40: {  	_ =	shalt  }
0x41: {  	_ =	shalt  }
0x42: {  	_ =	shalt  }
0x43: {  	_ =	shalt  }
0x44: {  	_ =	shalt  }
0x45: {  	_ =	shalt  }
0x46: {  	_ =	shalt  }
0x47: {  	_ =	shalt  }
0x48: {  	_ =	shalt  }
0x49: {  	_ =	shalt  }
0x4a: {  	_ =	shalt  }
0x4b: {  	_ =	shalt  }
0x4c: {  	_ =	shalt  }
0x4d: {  	_ =	shalt  }
0x4e: {  	_ =	shalt  }
0x4f: {  	_ =	shalt  }
0x50: {  	_ =	shalt  }
0x51: {  	_ =	shalt  }
0x52: {  	_ =	shalt  }
0x53: {  	_ =	shalt  }
0x54: {  	_ =	shalt  }
0x55: {  	_ =	shalt  }
0x56: {  	_ =	shalt  }
0x57: {  	_ =	shalt  }
0x58: {  	_ =	shalt  }
0x59: {  	_ =	shalt  }
0x5a: {  	_ =	shalt  }
0x5b: {  	_ =	shalt  }
0x5c: {  	_ =	shalt  }
0x5d: {  	_ =	shalt  }
0x5e: {  	_ =	shalt  }
0x5f: {  	_ =	shalt  }
0x60: {  	_ =	shalt  }
0x61: {  	_ =	shalt  }
0x62: {  	_ =	shalt  }
0x63: {  	_ =	shalt  }
0x64: {  	_ =	shalt  }
0x65: {  	_ =	shalt  }
0x66: {  	_ =	shalt  }
0x67: {  	_ =	shalt  }
0x68: {  	_ =	shalt  }
0x69: {  	_ =	shalt  }
0x6a: {  	_ =	shalt  }
0x6b: {  	_ =	shalt  }
0x6c: {  	_ =	shalt  }
0x6d: {  	_ =	shalt  }
0x6e: {  	_ =	shalt  }
0x6f: {  	_ =	shalt  }
0x70: {  	_ =	shalt  }
0x71: {  	_ =	shalt  }
0x72: {  	_ =	shalt  }
0x73: {  	_ =	shalt  }
0x74: {  	_ =	shalt  }
0x75: {  	_ =	shalt  }
0x76: {  	_ =	shalt  }
0x77: {  	_ =	shalt  }
0x78: {  	_ =	shalt  }
0x79: {  	_ =	shalt  }
0x7a: {  	_ =	shalt  }
0x7b: {  	_ =	shalt  }
0x7c: {  	_ =	shalt  }
0x7d: {  	_ =	shalt  }
0x7e: {  	_ =	shalt  }
0x7f: {  	_ =	shalt  }
0x80: {  	_ =	shalt  }
0x81: {  	_ =	shalt  }
0x82: {  	_ =	shalt  }
0x83: {  	_ =	shalt  }
0x84: {  	_ =	shalt  }
0x85: {  	_ =	shalt  }
0x86: {  	_ =	shalt  }
0x87: {  	_ =	shalt  }
.Lfunc_end0:
.L_simem_size_0:
called_computation_lowered:
.L_overlay_start_0:
0x88: {  	s2 =	sld [smem:$0x3FD9]  }
0x89: {  	s3 =	sld [smem:$0x3FFE];
	_ =	sdelay $0x1  }
0x8a: {  	s1 =	srdreg.scid  }
0x8b: {  	s0 =	sand.u32 $0x1, s1  }
0x8c: {  	s17 =	sshll.u32 s0, $0xA;
	s2 =	sadd.s32 s3, s2  }
0x8d: {  	s2 =	sadd.s32 s2, s17  }
0x8e: {  	[smem:$0x3FB0] =	sst s2  }
0x8f: {  	_ = 	snop  }
0x90: {  	s2 =	sld [smem:$0x3FD0];
	(tm) =	ssettm $0x1  }
0x91: {  	s18 =	sld [smem:$0x3FFB];
	_ =	sdelay $0x3  }
0x92: {  	_ =	strace s18  }
0x93: {  	s3 =	sld [smem:$0x3FFC];
	_ =	sdelay $0x3  }
0x94: {  	_ =	strace s3  }
0x95: {  	s3 =	sld [smem:$0x3FFD];
	_ =	sdelay $0x3  }
0x96: {  	_ =	strace s3  }
0x97: {  	_ =	strace $0x8FFFFFFF  }
0x98: {  	s19 =	sld [smem:$0x3FDB];
	_ =	sdelay $0x1  }
0x99: {  	s4 =	simm.s32 $_scs_section_size  }
0x9a: {  	s5 =	simm.s32 $_size__tile_overlayer_lowered;
	s6 =	simm.s32 $_tile_overlayer_lowered  }
0x9b: {  	s22 =	simm.s32 $0x1BFF;
	s21 =	sshll.u32 s6, $0x1;
	s3 =	sadd.s32 s4, s19  }
0x9c: {  	s7 =	simm.s32 $0x0;
	s20 =	sshll.u32 s5, $0x1;
	s5 =	sadd.s32 s21, s3  }
0x9d: {  	[timem:s7], [sflag:s22] =	dma.local [hbm:s5], s20  }
0x9e: {  	_ =	swait.ge [sflag:s22], s20  }
0x9f: {  	s4 =	ssub.s32 $0x0, s20;
	[sflag:s22] =	ssyncset.done $0x0  }
0xa0: {  	[sflag:s22] =	ssyncadd.s32 s4;
	_ =	sdelay $0x1  }
0xa1: {  	s23 =	simm.s32 $0x1B8B  }
0xa2: {  	_ =	swait.ge [sflag:s23], $0x1  }
0xa3: {  	[sflag:s23] =	ssyncset.done $0x0  }
0xa4: {  	s25 =	simm.s32 $0x1B8E;
	s24 =	sld [smem:$0x3FFE];
	[sflag:s23] =	ssyncadd.s32 $0xFFFFFFFF  }
0xa5: {  	s26 =	simm.s32 $execute0_lowered;
	[smem:$0x3FD2] =	sst s25  }
0xa6: {  	s5 =	sshll.u32 s26, $0x1;
	_ =	strace $0x80000046;
	[dreg:$0x1] =	wrdreg $0xFFFFFFFF  }
0xa7: {  	s28 =	simm.s32 $_size_execute0_lowered;
	s3 =	sadd.s32 s3, s5;
	[dreg:$0x0] =	wrdreg $0x0  }
0xa8: {  	s5 =	sshll.u32 s28, $0x1;
	[dreg:$0x2] =	wrdreg s3  }
0xa9: {  	[dreg:$0x3] =	wrdreg s5  }
0xaa: {  	[dreg:$0x4] =	wrdreg $0xC0  }
0xab: {  	_ =	task [dreg:s7], $0x5FFFF  }
0xac: {  	[dreg:$0x1] =	wrdreg $0xFFFFFFFF  }
0xad: {  	[dreg:$0x0] =	wrdreg $0x60  }
0xae: {  	[dreg:$0x2] =	wrdreg s24  }
0xaf: {  	[dreg:$0x3] =	wrdreg s2  }
0xb0: {  	[dreg:$0x4] =	wrdreg $0x9  }
0xb1: {  	_ =	task.clear_ibuf [dreg:s7], $0x5FFFF;
	_ =	strace $0x90000046  }
0xb2: {  	s29 =	simm.s32 $0x9;
	_ =	strace $0x80000048  }
0xb3: {  	_ =	swait.ge [sflag:s29], $0x1  }
0xb4: {  	[sflag:s29] =	ssyncadd.s32 $0xFFFFFFFF  }
0xb5: {  	_ =	strace $0x90000048  }
0xb6: {  	_ =	sfence  }
0xb7: {  	s30 =	sld [smem:$0x0];
	_ =	sdelay $0x2  }
0xb8: {  	s31 =	sshll.u32 s1, $0xD;
	s1 =	sshrl.u32 s1, $0x2  }
0xb9: {  	s3 =	sand.u32 $0x4000, s31;
	s1 =	sadd.s32 s1, s30  }
0xba: {  	s0 =	sor.u32 s3, s0;
	s1 =	sshll.u32 s1, $0x11  }
0xbb: {  	s0 =	sor.u32 s1, s0  }
0xbc: {  	s0 =	sadd.s32 $0x8F2B, s0  }
0xbd: {  	[sflag:s0] =	ssyncadd.remote.s32 $0x1  }
0xbe: {  	_ =	sfence.sel $0xFFFF  }
0xbf: {  	[dreg:$0x0] =	wrdreg $0xFFFFFFFF;
	(pc) =	sbr.abs _section_cstart, $3  }
0xc0: {  	[dreg:$0x1] =	wrdreg $0xFFFFFFFF  }
0xc1: {  	_ =	task.clear_ibuf [dreg:s7], $0x2FFFF;
	_ =	strace $0x9FFFFFFF  }
0xc2: {  	(tm) =	ssettm $0x7FFFFFFF  }
0xc3: {  	_ =	shalt  }
tec
execute0_lowered:
.L_overlay_start_1:
0x0: {  	(tag) =	ssettag $0x1  }
0x1: {  	v0 =	vimm.f32 $+Inf;
	v1 =	vlaneseq.u32  }
0x2: {  	s1 =	srdreg.scid;
	vm0 =	vmmov $0x1;
	vm1 =	vmxor vm1, vm1;
	v2 =	vor.u32 $0x100, v1  }
0x3: {  	s0 =	stileid.u32;
	s4 =	rddreg [dreg:$0x1];
	s5 =	simm.s32 $0x0;
	v3 =	vor.u32 $0x10, v1;
	v4 =	vor.u32 $0x110, v1;
	v5 =	vor.u32 $0x20, v1  }
0x4: {  	s7 =	simm.s32 $0x1;
	s11 =	simm.s32 $0x1000;
	s6 =	sand.u32 $0x1, s1;
	v6 =	vor.u32 $0x120, v1;
	v7 =	vor.u32 $0x30, v1;
	v8 =	vor.u32 $0x130, v1  }
0x5: {  	s12 =	simm.s32 $0x80;
	s2 =	sshll.u32 s0, $0x9;
	v9 =	vor.u32 $0x40, v1;
	v10 =	vor.u32 $0x140, v1;
	v11 =	vor.u32 $0x50, v1;
	s3 =	sshll.u32 s6, $0x8  }
0x6: {  	s13 =	simm.s32 $0x1080;
	s14 =	simm.s32 $0x0;
	v12 =	vor.u32 $0x150, v1;
	v13 =	vor.u32 $0x60, v1;
	v14 =	vor.u32 $0x160, v1;
	s2 =	sor.u32 s3, s2  }
0x7: {  	s1 =	rddreg [dreg:$0x0];
	v15 =	vor.u32 $0x70, v1;
	v16 =	vor.u32 $0x170, v1;
	v17 =	vor.u32 $0x80, v1;
	p1 =	seq.s32 s6, $0x1;
	p0 =	seq.s32 s2, $0x0  }
0x8: {  	[smem:$0x7FF] =	sst s5;
	v18 =	vor.u32 $0x180, v1;
	v19 =	vor.u32 $0x90, v1;
	v20 =	vor.u32 $0x190, v1;
	s8 =	ssub.s32 $0x2, s6;
	p0 =	por !p0, !p1  }
0x9: {  	v21 =	vor.u32 $0xA0, v1;
	v22 =	vor.u32 $0x1A0, v1;
	v23 =	vor.u32 $0xB0, v1;
	s6 =	sadd.s32 $0x80000, s1;
	s9 =	sshrl.u32 s8, $0x1;
	p0 =	por !p0, !p0  }
0xa: {  	v24 =	vor.u32 $0x1B0, v1;
	v25 =	vor.u32 $0xC0, v1;
	v26 =	vor.u32 $0x1C0, v1;
	s3 =	rddreg [dreg:$0x2];
	s9 =	ssub.s32 s8, s9;
	s7 =	simm.s32 @!p0 $0x0  }
0xb: {  	v27 =	vor.u32 $0xD0, v1;
	v28 =	vor.u32 $0x1D0, v1;
	v29 =	vor.u32 $0xE0, v1;
	_ =	strace $0x80000047;
	s9 =	smax.u32 s9, $0x1;
	s10 =	ssub.s32 s0, s7  }
0xc: {  	v30 =	vor.u32 $0x1E0, v1;
	v31 =	vor.u32 $0xF0, v1;
	v32 =	vor.u32 $0x1F0, v1;
	s7 =	simm.s32 $0x1;
	s8 =	sshll.u32 s10, $0x9;
	s10 =	simm.s32 $0x2  }
.LBB2_1:
0xd: {  	s15 =	simm.s32 $0x0  }
.LBB2_2:
0xe: {  	s16 =	sshll.u32 s15, $0x3  }
0xf: {  	s16 =	sadd.s32 s2, s16  }
0x10: {  	s17 =	sshll.u32 s16, $0x6  }
0x11: {  	s18 =	sadd.s32 s1, s17;
	s17 =	simm.s32 $0x0  }
0x12: {  	[tilespmem:s17], [sflag:$0x2] =	stream.linear.gather [hbm4b:s18+s17], $0x1000, $0x38;
	[tilespmem:$0x5080] =	vst v63  }
0x13: {  	_ =	swait.ge [sflag:s10], $0x1000  }
0x14: {  	[sflag:s10] =	ssyncset.done $0x0  }
0x15: {  	s18 =	simm.s32 $0x0;
	[sflag:s10] =	ssyncadd.s32 $0xFFFFF000  }
.LBB2_3:
0x16: {  	s19 =	sshll.u32 s18, $0x7  }
0x17: {  	s19 =	sand.u32 $0x3FFFFF80, s19  }
0x18: {  	v33 =	vld [tilespmem:s19+$0x0]  }
0x19: {  	v34 =	vld [tilespmem:s19+$0x800]  }
0x1a: {  	v35 =	vld [tilespmem:s19+$0x10]  }
0x1b: {  	v36 =	vld [tilespmem:s19+$0x810]  }
0x1c: {  	v37 =	vld [tilespmem:s19+$0x20]  }
0x1d: {  	v38 =	vld [tilespmem:s19+$0x820]  }
0x1e: {  	v53 =	vimm.s32 $0x0;
	v39 =	vld [tilespmem:s19+$0x30]  }
0x1f: {  	v56 =	vimm.s32 $0x0;
	v40 =	vld [tilespmem:s19+$0x830];
	vm2 =	vlt.f32 v33, $+Inf;
	vm3 =	vgt.f32 v33, $+Inf  }
0x20: {  	v41 =	vld [tilespmem:s19+$0x40];
	vm4 =	vlt.f32 v34, $+Inf;
	vm5 =	vgt.f32 v34, $+Inf;
	vm6 =	vmor vm3, vm2  }
0x21: {  	v57 =	vimm.s32 $0x0;
	v48 =	vld [tilespmem:s19+$0x840];
	vm13 =	vmor vm5, vm4;
	v33 =	vnsel vm6, $0x7F800000, v33  }
0x22: {  	v60 =	vimm.s32 $0x0;
	v49 =	vld [tilespmem:s19+$0x50];
	v34 =	vnsel vm13, $0x7F800000, v34;
	vm8 =	vlt.f32 v35, v33  }
0x23: {  	v61 =	vimm.s32 $0x0;
	v50 =	vld [tilespmem:s19+$0x850];
	vm11 =	vlt.f32 v36, v34;
	v33 =	vsel vm8, v35, v33  }
0x24: {  	v45 =	vimm.s32 $0x0;
	v51 =	vld [tilespmem:s19+$0x60];
	v34 =	vsel vm11, v36, v34;
	vm12 =	vlt.f32 v37, v33  }
0x25: {  	v46 =	vimm.s32 $0x0;
	v52 =	vld [tilespmem:s19+$0x860];
	vm5 =	vlt.f32 v38, v34;
	v33 =	vsel vm12, v37, v33  }
0x26: {  	v42 =	vimm.s32 $0x0;
	v54 =	vld [tilespmem:s19+$0x70];
	v34 =	vsel vm5, v38, v34;
	vm7 =	vlt.f32 v39, v33  }
0x27: {  	v55 =	vld [tilespmem:s19+$0x870];
	v43 =	vnsel vm13, $0x0, v2;
	vm2 =	vlt.f32 v40, v34;
	v33 =	vsel vm7, v39, v33  }
0x28: {  	v58 =	vld [tilespmem:s19+$0x400];
	v43 =	vsel vm11, v4, v43;
	v34 =	vsel vm2, v40, v34;
	vm9 =	vlt.f32 v41, v33  }
0x29: {  	v59 =	vld [tilespmem:s19+$0xC00];
	v43 =	vsel vm5, v6, v43;
	vm3 =	vlt.f32 v48, v34;
	v33 =	vsel vm9, v41, v33  }
0x2a: {  	v62 =	vld [tilespmem:s19+$0x410];
	v40 =	vsel vm9, $0xFFFFFFFF, v53;
	v34 =	vsel vm3, v48, v34;
	vm9 =	vlt.f32 v49, v33  }
0x2b: {  	v63 =	vld [tilespmem:s19+$0xC10];
	v53 =	vimm.s32 $0x0;
	vm10 =	vlt.f32 v50, v34;
	v41 =	vsel vm9, $0xFFFFFFFF, v56  }
0x2c: {  	v47 =	vld [tilespmem:s19+$0x420];
	v33 =	vsel vm9, v49, v33;
	v34 =	vsel vm10, v50, v34;
	v50 =	vimm.s32 $0x0  }
0x2d: {  	v48 =	vld [tilespmem:s19+$0xC20];
	v56 =	vnsel vm6, $0x0, v1;
	vm14 =	vlt.f32 v51, v33;
	vm15 =	vlt.f32 v52, v34  }
0x2e: {  	v49 =	vld [tilespmem:s19+$0x430];
	[tilespmem:$0x1FF60] =	vst v41;
	v41 =	vsel vm10, $0xFFFFFFFF, v57;
	v33 =	vsel vm14, v51, v33;
	v34 =	vsel vm15, v52, v34  }
0x2f: {  	v57 =	vld [tilespmem:s19+$0x450];
	v37 =	vsel vm14, $0xFFFFFFFF, v60;
	vm4 =	vlt.f32 v54, v33;
	vm9 =	vlt.f32 v55, v34  }
0x30: {  	v51 =	vld [tilespmem:s19+$0xC30];
	v39 =	vsel vm4, $0xFFFFFFFF, v45;
	v33 =	vsel vm4, v54, v33;
	v34 =	vsel vm9, v55, v34  }
0x31: {  	v52 =	vld [tilespmem:s19+$0x440];
	v54 =	vimm.s32 $0x0;
	[tilespmem:$0x1FFA0] =	vst v39;
	v39 =	vsel vm9, $0xFFFFFFFF, v46;
	vm4 =	vlt.f32 v58, v33  }
0x32: {  	[tilespmem:$0x1FF50] =	vst v40;
	v60 =	vld [tilespmem:s19+$0xC60];
	vm9 =	vlt.f32 v59, v34;
	v42 =	vsel vm4, $0xFFFFFFFF, v42;
	v33 =	vsel vm4, v58, v33  }
0x33: {  	v44 =	vld [tilespmem:$0x1FF60];
	v34 =	vsel vm9, v59, v34;
	[tilespmem:$0x1FFC0] =	vst v42;
	v42 =	vsel vm9, $0xFFFFFFFF, v50;
	vm4 =	vlt.f32 v62, v33  }
0x34: {  	v55 =	vld [tilespmem:s19+$0xC40];
	vm9 =	vlt.f32 v63, v34;
	[tilespmem:$0x1FFD0] =	vst v42;
	v42 =	vsel vm4, $0xFFFFFFFF, v53;
	v33 =	vsel vm4, v62, v33  }
0x35: {  	v58 =	vld [tilespmem:s19+$0xC50];
	v34 =	vsel vm9, v63, v34;
	[tilespmem:$0x1FFE0] =	vst v42;
	v42 =	vsel vm9, $0xFFFFFFFF, v54;
	vm14 =	vlt.f32 v47, v33  }
0x36: {  	v38 =	vsel vm8, v3, v56;
	vm10 =	vlt.f32 v48, v34;
	[tilespmem:$0x1FFF0] =	vst v42;
	v33 =	vsel vm14, v47, v33;
	v42 =	vld [tilespmem:$0x1FF50]  }
0x37: {  	v38 =	vsel vm12, v5, v38;
	v34 =	vsel vm10, v48, v34;
	v48 =	vld [tilespmem:$0x1FFA0];
	vm9 =	vlt.f32 v49, v33  }
0x38: {  	[tilespmem:$0x1FF80] =	vst v37;
	v37 =	vsel vm15, $0xFFFFFFFF, v61;
	v61 =	vld [tilespmem:s19+$0x470];
	vm13 =	vlt.f32 v51, v34;
	v33 =	vsel vm9, v49, v33  }
0x39: {  	[tilespmem:$0x1FF70] =	vst v41;
	v38 =	vsel vm7, v7, v38;
	v59 =	vld [tilespmem:s19+$0x460];
	v34 =	vsel vm13, v51, v34;
	vm11 =	vlt.f32 v52, v33  }
0x3a: {  	v45 =	vld [tilespmem:$0x1FF70];
	v63 =	vsel vm2, v8, v43;
	vm12 =	vlt.f32 v55, v34;
	v33 =	vsel vm11, v52, v33  }
0x3b: {  	v46 =	vld [tilespmem:$0x1FF80];
	v43 =	vsel vm3, v10, v63;
	v34 =	vsel vm12, v55, v34;
	vm8 =	vlt.f32 v57, v33  }
0x3c: {  	[tilespmem:$0x1FF90] =	vst v37;
	v62 =	vld [tilespmem:s19+$0xC70];
	vm7 =	vlt.f32 v58, v34;
	vm2 =	vnez.u8 v42;
	vm15 =	vnez.u8 v48  }
0x3d: {  	[tilespmem:$0x1FFB0] =	vst v39;
	v47 =	vld [tilespmem:$0x1FF90];
	v33 =	vsel vm8, v57, v33;
	v34 =	vsel vm7, v58, v34;
	v35 =	vsel vm2, v9, v38  }
0x3e: {  	v49 =	vld [tilespmem:$0x1FFB0];
	vm2 =	vnez.u8 v44;
	vm6 =	vlt.f32 v59, v33;
	vm5 =	vlt.f32 v60, v34  }
0x3f: {  	v50 =	vld [tilespmem:$0x1FFC0];
	v35 =	vsel vm2, v11, v35;
	vm2 =	vnez.u8 v45;
	v33 =	vsel vm6, v59, v33  }
0x40: {  	v51 =	vld [tilespmem:$0x1FFD0];
	v34 =	vsel vm5, v60, v34;
	v36 =	vsel vm2, v12, v43;
	vm2 =	vnez.u8 v46  }
0x41: {  	v52 =	vld [tilespmem:$0x1FFE0];
	vm4 =	vlt.f32 v61, v33;
	vm3 =	vlt.f32 v62, v34;
	v35 =	vsel vm2, v13, v35  }
0x42: {  	v53 =	vld [tilespmem:$0x1FFF0];
	vm2 =	vnez.u8 v47;
	v33 =	vsel vm4, v61, v33;
	v34 =	vsel vm3, v62, v34  }
0x43: {  	v36 =	vsel vm2, v14, v36;
	v35 =	vsel vm15, v15, v35;
	vm15 =	vnez.u8 v49  }
0x44: {  	vm2 =	vlt.f32 v34, v33;
	v36 =	vsel vm15, v16, v36;
	vm15 =	vnez.u8 v50  }
0x45: {  	v33 =	vsel vm2, v34, v33;
	v34 =	vsel vm15, v17, v35;
	vm15 =	vnez.u8 v51  }
0x46: {  	v35 =	vsel vm15, v18, v36;
	vm15 =	vnez.u8 v52  }
0x47: {  	(xrf0) =	vmin.scan.msk.f32 $0xffff, v33;
	v34 =	vsel vm15, v19, v34;
	vm15 =	vnez.u8 v53  }
0x48: {  	v35 =	vsel vm15, v20, v35  }
0x49: {  	v34 =	vsel vm14, v21, v34;
	v35 =	vsel vm10, v22, v35  }
0x4a: {  	v34 =	vsel vm9, v23, v34;
	v35 =	vsel vm13, v24, v35  }
0x4b: {  	v34 =	vsel vm11, v25, v34;
	v35 =	vsel vm12, v26, v35  }
0x4c: {  	v34 =	vsel vm8, v27, v34;
	v35 =	vsel vm7, v28, v35  }
0x4d: {  	v34 =	vsel vm6, v29, v34;
	v54, _, _ =	vpop (xrf0);
	v35 =	vsel vm5, v30, v35  }
0x4e: {  	v34 =	vsel vm4, v31, v34;
	v36 =	vbroadcast v54, $0xF;
	v35 =	vsel vm3, v32, v35  }
0x4f: {  	v34 =	vsel vm2, v35, v34  }
0x50: {  	vm2 =	veq.f32 v33, v36;
	v55 =	vxor.u32 $0x80000000, v34  }
0x51: {  	v33 =	vnsel vm2, $0x80000200, v55  }
0x52: {  	(xrf0) =	vmin.scan.msk.u32 $0xffff, v33;
	_ =	sdelay $0x5  }
0x53: {  	v33, _, _ =	vpop (xrf0)  }
0x54: {  	(v2sf) =	vpush v33, $0xF;
	_ =	sdelay $0xb  }
0x55: {  	p0 =	por $0x1, $0x1;
	vm2 =	vmmov vm1  }
0x56: {  	s20 =	sadd.s32 $0x0, s17;
	vm2 =	vmneg @p0 vm2  }
0x57: {  	v56 =	vmov s18;
	v57 =	vmov s20;
	s20 =	sadd.s32 $0xA, s20;
	vm2 =	vmand vm2, vm0  }
0x58: {  	v58 =	vmov s20;
	v33 =	vshll.u32 v56, $0x7;
	s31 =	spop (v2sf)  }
0x59: {  	v33 =	vand.u32 $0x380, v33;
	s20 =	sxor.u32 $0x80000000, s31  }
0x5a: {  	v33 =	vbroadcast v33, $0x0;
	v59 =	vmov s20;
	s20 =	sadd.s32 s8, s20  }
0x5b: {  	v60 =	vmov s20;
	v61 =	vand.u32 $0x7F, v59;
	v36 =	vshll.u32 v59, $0x3  }
0x5c: {  	[tilespmem:v57+s11+$0x0] =	vst.idx.msk $0x1, v60;
	v62 =	vand.u32 $0xFFFFFC00, v36;
	v63 =	vor.u32 v33, v61  }
0x5d: {  	s20 =	simm.s32 $0x1;
	[tilespmem:v58+s11+$0x0] =	vst.idx.msk vm2, v60;
	v34 =	vor.u32 v62, v63  }
.LBB2_4:
0x5e: {  	_ =	sdelay $0x3  }
0x5f: {  	p0 =	sne.s32 s20, $0x9;
	[tilespmem:v34+s5+$0x0] =	vst.idx.msk $0x1, v0;
	s21 =	smov.u32 s20;
	s20 =	sadd.s32 $0x1, s20  }
0x60: {  	v34 =	vld [tilespmem:s19+$0x0]  }
0x61: {  	v35 =	vld [tilespmem:s19+$0x800];
	_ =	sdelay $0x1  }
0x62: {  	v36 =	vld [tilespmem:s19+$0x10]  }
0x63: {  	v37 =	vld [tilespmem:s19+$0x810]  }
0x64: {  	vm2 =	vlt.f32 v34, $+Inf;
	vm3 =	vgt.f32 v34, $+Inf;
	v38 =	vld [tilespmem:s19+$0x20]  }
0x65: {  	vm2 =	vmor vm3, vm2;
	vm3 =	vlt.f32 v35, $+Inf;
	vm4 =	vgt.f32 v35, $+Inf;
	v39 =	vld [tilespmem:s19+$0x820]  }
0x66: {  	v34 =	vnsel vm2, $0x7F800000, v34;
	v40 =	vnsel vm2, $0x0, v1;
	vm2 =	vmor vm4, vm3;
	v41 =	vld [tilespmem:s19+$0x30]  }
0x67: {  	v35 =	vnsel vm2, $0x7F800000, v35;
	v42 =	vnsel vm2, $0x0, v2;
	vm2 =	vlt.f32 v36, v34;
	v43 =	vld [tilespmem:s19+$0x830]  }
0x68: {  	v34 =	vsel vm2, v36, v34;
	v36 =	vsel vm2, v3, v40;
	vm2 =	vlt.f32 v37, v35;
	v40 =	vld [tilespmem:s19+$0x40]  }
0x69: {  	v35 =	vsel vm2, v37, v35;
	v37 =	vsel vm2, v4, v42;
	vm2 =	vlt.f32 v38, v34;
	v42 =	vld [tilespmem:s19+$0x840]  }
0x6a: {  	v34 =	vsel vm2, v38, v34;
	v36 =	vsel vm2, v5, v36;
	vm2 =	vlt.f32 v39, v35;
	v38 =	vld [tilespmem:s19+$0x50]  }
0x6b: {  	v35 =	vsel vm2, v39, v35;
	v37 =	vsel vm2, v6, v37;
	vm2 =	vlt.f32 v41, v34;
	v39 =	vld [tilespmem:s19+$0x850]  }
0x6c: {  	v34 =	vsel vm2, v41, v34;
	v36 =	vsel vm2, v7, v36;
	vm2 =	vlt.f32 v43, v35;
	v41 =	vld [tilespmem:s19+$0x60]  }
0x6d: {  	v35 =	vsel vm2, v43, v35;
	v37 =	vsel vm2, v8, v37;
	vm2 =	vlt.f32 v40, v34;
	v43 =	vld [tilespmem:s19+$0x860]  }
0x6e: {  	v34 =	vsel vm2, v40, v34;
	v36 =	vsel vm2, v9, v36;
	vm2 =	vlt.f32 v42, v35;
	v40 =	vld [tilespmem:s19+$0x70]  }
0x6f: {  	v35 =	vsel vm2, v42, v35;
	v37 =	vsel vm2, v10, v37;
	vm2 =	vlt.f32 v38, v34;
	v42 =	vld [tilespmem:s19+$0x870]  }
0x70: {  	v34 =	vsel vm2, v38, v34;
	v36 =	vsel vm2, v11, v36;
	vm2 =	vlt.f32 v39, v35;
	v38 =	vld [tilespmem:s19+$0x400]  }
0x71: {  	v35 =	vsel vm2, v39, v35;
	v37 =	vsel vm2, v12, v37;
	vm2 =	vlt.f32 v41, v34;
	v39 =	vld [tilespmem:s19+$0xC00]  }
0x72: {  	v34 =	vsel vm2, v41, v34;
	v36 =	vsel vm2, v13, v36;
	vm2 =	vlt.f32 v43, v35;
	v41 =	vld [tilespmem:s19+$0x410]  }
0x73: {  	v35 =	vsel vm2, v43, v35;
	v37 =	vsel vm2, v14, v37;
	vm2 =	vlt.f32 v40, v34;
	v43 =	vld [tilespmem:s19+$0xC10]  }
0x74: {  	v34 =	vsel vm2, v40, v34;
	v36 =	vsel vm2, v15, v36;
	vm2 =	vlt.f32 v42, v35;
	v40 =	vld [tilespmem:s19+$0x420]  }
0x75: {  	v35 =	vsel vm2, v42, v35;
	v37 =	vsel vm2, v16, v37;
	vm2 =	vlt.f32 v38, v34;
	v42 =	vld [tilespmem:s19+$0xC20]  }
0x76: {  	v34 =	vsel vm2, v38, v34;
	v36 =	vsel vm2, v17, v36;
	vm2 =	vlt.f32 v39, v35;
	v38 =	vld [tilespmem:s19+$0x430]  }
0x77: {  	v35 =	vsel vm2, v39, v35;
	v37 =	vsel vm2, v18, v37;
	vm2 =	vlt.f32 v41, v34;
	v39 =	vld [tilespmem:s19+$0xC30]  }
0x78: {  	v34 =	vsel vm2, v41, v34;
	v36 =	vsel vm2, v19, v36;
	vm2 =	vlt.f32 v43, v35;
	v41 =	vld [tilespmem:s19+$0x440]  }
0x79: {  	v35 =	vsel vm2, v43, v35;
	v37 =	vsel vm2, v20, v37;
	vm2 =	vlt.f32 v40, v34;
	v43 =	vld [tilespmem:s19+$0xC40]  }
0x7a: {  	v34 =	vsel vm2, v40, v34;
	v36 =	vsel vm2, v21, v36;
	vm2 =	vlt.f32 v42, v35;
	v40 =	vld [tilespmem:s19+$0x450]  }
0x7b: {  	v35 =	vsel vm2, v42, v35;
	v37 =	vsel vm2, v22, v37;
	vm2 =	vlt.f32 v38, v34;
	v42 =	vld [tilespmem:s19+$0xC50]  }
0x7c: {  	v34 =	vsel vm2, v38, v34;
	v36 =	vsel vm2, v23, v36;
	vm2 =	vlt.f32 v39, v35;
	v38 =	vld [tilespmem:s19+$0x460]  }
0x7d: {  	v35 =	vsel vm2, v39, v35;
	v37 =	vsel vm2, v24, v37;
	vm2 =	vlt.f32 v41, v34;
	v39 =	vld [tilespmem:s19+$0xC60]  }
0x7e: {  	v34 =	vsel vm2, v41, v34;
	vm3 =	vlt.f32 v43, v35;
	v41 =	vld [tilespmem:s19+$0x470]  }
0x7f: {  	v35 =	vsel vm3, v43, v35;
	vm4 =	vlt.f32 v40, v34;
	v43 =	vld [tilespmem:s19+$0xC70]  }
0x80: {  	v34 =	vsel vm4, v40, v34;
	vm5 =	vlt.f32 v42, v35  }
0x81: {  	v36 =	vsel vm2, v25, v36;
	v35 =	vsel vm5, v42, v35;
	vm2 =	vlt.f32 v38, v34  }
0x82: {  	v36 =	vsel vm4, v27, v36;
	v34 =	vsel vm2, v38, v34;
	vm4 =	vlt.f32 v39, v35  }
0x83: {  	v37 =	vsel vm3, v26, v37;
	v35 =	vsel vm4, v39, v35;
	vm3 =	vlt.f32 v41, v34  }
0x84: {  	v37 =	vsel vm5, v28, v37;
	v36 =	vsel vm2, v29, v36;
	vm2 =	vlt.f32 v43, v35  }
0x85: {  	v37 =	vsel vm4, v30, v37;
	v34 =	vsel vm3, v41, v34;
	v35 =	vsel vm2, v43, v35  }
0x86: {  	v36 =	vsel vm3, v31, v36;
	v37 =	vsel vm2, v32, v37;
	vm2 =	vlt.f32 v35, v34  }
0x87: {  	v34 =	vsel vm2, v35, v34;
	v35 =	vsel vm2, v37, v36  }
0x88: {  	(xrf0) =	vmin.scan.msk.f32 $0xffff, v34;
	_ =	sdelay $0x5  }
0x89: {  	v36, _, _ =	vpop (xrf0)  }
0x8a: {  	v36 =	vbroadcast v36, $0xF;
	_ =	sdelay $0x1  }
0x8b: {  	vm2 =	veq.f32 v34, v36;
	v34 =	vxor.u32 $0x80000000, v35  }
0x8c: {  	v34 =	vnsel vm2, $0x80000200, v34  }
0x8d: {  	(xrf0) =	vmin.scan.msk.u32 $0xffff, v34;
	_ =	sdelay $0x5  }
0x8e: {  	v34, _, _ =	vpop (xrf0)  }
0x8f: {  	(v2sf) =	vpush v34, $0xF;
	_ =	sdelay $0xb  }
0x90: {  	p1 =	slt.u32 s21, $0x6;
	vm2 =	vmmov vm1  }
0x91: {  	s21 =	sadd.s32 s21, s17;
	vm2 =	vmneg @p1 vm2  }
0x92: {  	vm2 =	vmand vm2, vm0;
	v34 =	vmov s21;
	s21 =	sadd.s32 $0xA, s21  }
0x93: {  	v35 =	vmov s21;
	s21 =	spop (v2sf)  }
.Ltmp0:
0x94: {  	s21 =	sxor.u32 $0x80000000, s21;
	(pc) =	sbr.rel @p0 .LBB2_4-.Ltmp0, $4  }
0x95: {  	v36 =	vmov s21;
	s21 =	sadd.s32 s8, s21  }
0x96: {  	v37 =	vmov s21;
	v38 =	vand.u32 $0x7F, v36;
	v36 =	vshll.u32 v36, $0x3  }
0x97: {  	[tilespmem:v34+s11+$0x0] =	vst.idx.msk $0x1, v37;
	v34 =	vand.u32 $0xFFFFFC00, v36;
	v36 =	vor.u32 v33, v38  }
0x98: {  	[tilespmem:v35+s11+$0x0] =	vst.idx.msk vm2, v37;
	v34 =	vor.u32 v34, v36  }
0x99: {  	s18 =	sadd.s32 $0x1, s18  }
0x9a: {  	p0 =	sne.s32 s18, $0x8  }
.Ltmp1:
0x9b: {  	_ = 	snop;
	(pc) =	sbr.rel @p0 .LBB2_3-.Ltmp1, $2  }
0x9c: {  	_ =	sdelay $0x2  }
0x9d: {  	[tilespmem:v34+s5+$0x0] =	vst.idx.msk $0x1, v0;
	s17 =	sadd.s32 $0x10, s17  }
0x9e: {  	[tilespmem:s13], [sflag:$0x1] =	stream.indirect.gather [hbm4b:s4+s12], $0x80, s11, s12, $0xb8;
	[tilespmem:$0x5080] =	vst v63  }
0x9f: {  	s15 =	sadd.s32 $0x1, s15;
	_ =	swait.ge [sflag:s7], $0x4000  }
0xa0: {  	s16 =	sshll.u32 s16, $0x8;
	p0 =	sne.s32 s15, $0x20;
	[sflag:s7] =	ssyncset.done $0x0  }
.Ltmp2:
0xa1: {  	s16 =	sadd.s32 s6, s16;
	[sflag:s7] =	ssyncadd.s32 $0xFFFFC000;
	(pc) =	sbr.rel @p0 .LBB2_2-.Ltmp2, $4  }
0xa2: {  	[hbm4b:s16+s5] =	stream.linear.scatter [tilespmem:s13], [sflag:$0x2], $0x4000, $0x38;
	[tilespmem:$0x5080] =	vst v63  }
0xa3: {  	_ =	swait.ge [sflag:s10], $0x4000  }
0xa4: {  	[sflag:s10] =	ssyncset.done $0x0  }
0xa5: {  	[sflag:s10] =	ssyncadd.s32 $0xFFFFC000  }
0xa6: {  	s14 =	sadd.s32 $0x1, s14  }
0xa7: {  	p0 =	sne.s32 s14, s9  }
.Ltmp3:
0xa8: {  	_ = 	snop;
	(pc) =	sbr.rel @p0 .LBB2_1-.Ltmp3, $1  }
0xa9: {  	_ =	sdelay $0x3  }
0xaa: {  	_ =	sfence.sel $0x180000  }
0xab: {  	[bflag:$0x0] =	sbarrier.arrive $0xFFFF  }
0xac: {  	p0 =	sne.s32 s0, $0x0;
	_ =	strace $0x90000047  }
0xad: {  	s0 =	sadd.s32 @!p0 $0x100000, s3;
	[bflag:$0x2] =	sbarrier.arrive $0xFFFF  }
0xae: {  	[sflag:s0] =	ssyncadd.tile.s32 @!p0 $0x1;
	_ =	shalt  }
.Lfunc_end2:
_tile_overlayer_lowered:
.L_overlay_start_2:
0xaf: {  	(tag) =	ssettag $0x2  }
0xb0: {  	s0 =	rddreg [dreg:$0x0];
	s2 =	stileid.u32  }
0xb1: {  	s1 =	rddreg [dreg:$0x1];
	p0 =	sne.s32 s2, $0x0  }
0xb2: {  	s3 =	rddreg [dreg:$0x2];
	[bflag:$0x3] =	sbarrier.arrive $0xFFFF;
	s2 =	simm.s32 @!p0 $0x1C02  }
0xb3: {  	[timem:s3], [sflag:s2] =	dma.local @!p0 [hbm:s0], s1  }
0xb4: {  	s0 =	simm.s32 @!p0 $0x2  }
0xb5: {  	_ =	swait.ge @!p0 [sflag:s0], s1  }
0xb6: {  	s1 =	ssub.s32 @!p0 $0x0, s1;
	[sflag:s0] =	ssyncset.done @!p0 $0x0  }
0xb7: {  	[sflag:s0] =	ssyncadd.s32 @!p0 s1  }
0xb8: {  	[bflag:$0x3] =	sbarrier.arrive $0xFFFF  }
0xb9: {  	_ =	shalt  }

// kernel: kernel.21.cloned.1.call-start
scs
__scs_entry_jumppad:
0x0: {  	(pc) =	sbr.rel $0x88, $3  }
0x1: {  	(tag) =	ssettag $0x0;
	lr =	simm.s32 $0x1  }
0x2: {  	[smem:$0x3F89] =	sst lr;
	_ =	strace $0xD0000000  }
0x3: {  	_ = 	snop  }
0x4: {  	_ = 	snop  }
0x5: {  	_ = 	snop  }
0x6: {  	_ = 	snop  }
0x7: {  	_ = 	snop  }
__scs_overlays_trampoline_lowered:
0x8: {  	[smem:$0x3F98] =	sst s0  }
0x9: {  	[smem:$0x3F99] =	sst s1  }
0xa: {  	[smem:$0x3F9A] =	sst s2  }
0xb: {  	[smem:$0x3F9B] =	sst s3  }
0xc: {  	[smem:$0x3F9C] =	sst s4  }
0xd: {  	[smem:$0x3F9D] =	sst s5  }
0xe: {  	[smem:$0x3F9E] =	sst s6  }
0xf: {  	[smem:$0x3F9F] =	sst s7  }
0x10: {  	[smem:$0x3FA0] =	sst s8  }
0x11: {  	[smem:$0x3FA1] =	sst s9;
	s0 =	simm.s32 @!p0 $0x0  }
0x12: {  	s1 =	sld [smem:$0x3F87];
	s0 =	simm.s32 @p0 $0x1  }
0x13: {  	[smem:$0x3FA2] =	sst s0;
	s0 =	simm.s32 @!p1 $0x0  }
0x14: {  	s2 =	sld [smem:$0x3F86];
	s0 =	simm.s32 @p1 $0x1  }
0x15: {  	[smem:$0x3FA3] =	sst s0;
	s0 =	simm.s32 @!p2 $0x0  }
0x16: {  	s3 =	sld [smem:$0x3FDB];
	s0 =	simm.s32 @p2 $0x1  }
0x17: {  	s4 =	simm.s32 $0x1BF5;
	[smem:$0x3FA5] =	sst s0  }
0x18: {  	s0 =	sld [smem:$0x3F88];
	_ =	swait.ge [sflag:s4], $0x0  }
0x19: {  	s7 =	sld [smem:$0x3F89]  }
0x1a: {  	s8 =	sadd.s32 $0xFFFFE003, lr  }
0x1b: {  	s9 =	sadd.s32 $0xFFFFFEF7, lr;
	s5 =	simm.s32 $0xFFFFFFFF;
	p2 =	slt.u32 s8, $0xFFFFF086  }
0x1c: {  	p1 =	slt.u32 s9, $0xF7A;
	s5 =	simm.s32 @!p2 $0x0  }
0x1d: {  	s5 =	simm.s32 @p1 $0x1;
	p0 =	seq.s32 s7, s2  }
0x1e: {  	s7 =	smul.u32 @!p0 $0xF7A, s2;
	p2 =	seq.s32 @!p0 s5, $0x0  }
0x1f: {  	s9 =	smul.u32 $0xF7A, s1;
	s8 =	simm.s32 @!p0 $0x1BF5;
	p2 =	por !p2, p0  }
0x20: {  	[sflag:s8] =	ssyncset.s32 @!p0 $0xFFFFF086;
	s6 =	sadd.s32 @!p0 s3, s7;
	s7 =	simm.s32 @!p0 $0x108  }
0x21: {  	s3 =	sadd.s32 s3, s9;
	s6 =	sadd.s32 @!p0 $0x88, s6;
	s7 =	simm.s32 @p2 $0x1082  }
0x22: {  	[simem:s7], [sflag:s8] =	dma.local @!p0 [hbm:s6], $0xF7A  }
0x23: {  	s9 =	sor.u32 $0xD0000000, s2;
	s6 =	simm.s32 $0x108;
	_ =	swait.ge @!p0 [sflag:s8], $0x0  }
0x24: {  	s3 =	sadd.s32 $0x88, s3;
	s6 =	simm.s32 @!p1 $0x1082;
	[sflag:s4] =	ssyncset.s32 $0xFFFFF086  }
0x25: {  	[simem:s6], [sflag:s4] =	dma.local [hbm:s3], $0xF7A  }
0x26: {  	[smem:$0x3F89] =	sst s1;
	(tag) =	ssettag s2;
	_ =	strace s9  }
0x27: {  	s1 =	sld [smem:$0x3F99]  }
0x28: {  	s2 =	sld [smem:$0x3F9A]  }
0x29: {  	s4 =	sld [smem:$0x3F9C]  }
0x2a: {  	p0 =	seq.s32 s5, $0x0;
	s5 =	sld [smem:$0x3F9D]  }
0x2b: {  	s6 =	sld [smem:$0x3F9E]  }
0x2c: {  	s7 =	sld [smem:$0x3F9F]  }
0x2d: {  	s3 =	simm.s32 $0x108;
	s8 =	sld [smem:$0x3FA0]  }
0x2e: {  	s3 =	simm.s32 @!p0 $0x1082;
	s9 =	sld [smem:$0x3FA1]  }
0x2f: {  	lr =	sadd.s32 s0, s3;
	s0 =	sld [smem:$0x3F98]  }
0x30: {  	s3 =	sld [smem:$0x3F9B]  }
0x31: {  	[smem:$0x3FA4] =	sst s10  }
0x32: {  	s10 =	sld [smem:$0x3FA2];
	_ =	sdelay $0x3  }
0x33: {  	p0 =	seq.s32 s10, $0x1;
	s10 =	sld [smem:$0x3FA4];
	_ =	sdelay $0x3  }
0x34: {  	[smem:$0x3FA4] =	sst s10  }
0x35: {  	s10 =	sld [smem:$0x3FA3];
	_ =	sdelay $0x3  }
0x36: {  	p1 =	seq.s32 s10, $0x1;
	s10 =	sld [smem:$0x3FA4];
	_ =	sdelay $0x3  }
0x37: {  	[smem:$0x3FA4] =	sst s10  }
0x38: {  	s10 =	sld [smem:$0x3FA5]  }
0x39: {  	_ = 	snop;
	(pc) =	sbr.ind lr, $3  }
0x3a: {  	_ = 	snop  }
0x3b: {  	_ = 	snop  }
0x3c: {  	p2 =	seq.s32 s10, $0x1;
	s10 =	sld [smem:$0x3FA4]  }
0x3d: {  	_ =	shalt  }
0x3e: {  	_ =	shalt  }
0x3f: {  	_ =	shalt  }
0x40: {  	_ =	shalt  }
0x41: {  	_ =	shalt  }
0x42: {  	_ =	shalt  }
0x43: {  	_ =	shalt  }
0x44: {  	_ =	shalt  }
0x45: {  	_ =	shalt  }
0x46: {  	_ =	shalt  }
0x47: {  	_ =	shalt  }
0x48: {  	_ =	shalt  }
0x49: {  	_ =	shalt  }
0x4a: {  	_ =	shalt  }
0x4b: {  	_ =	shalt  }
0x4c: {  	_ =	shalt  }
0x4d: {  	_ =	shalt  }
0x4e: {  	_ =	shalt  }
0x4f: {  	_ =	shalt  }
0x50: {  	_ =	shalt  }
0x51: {  	_ =	shalt  }
0x52: {  	_ =	shalt  }
0x53: {  	_ =	shalt  }
0x54: {  	_ =	shalt  }
0x55: {  	_ =	shalt  }
0x56: {  	_ =	shalt  }
0x57: {  	_ =	shalt  }
0x58: {  	_ =	shalt  }
0x59: {  	_ =	shalt  }
0x5a: {  	_ =	shalt  }
0x5b: {  	_ =	shalt  }
0x5c: {  	_ =	shalt  }
0x5d: {  	_ =	shalt  }
0x5e: {  	_ =	shalt  }
0x5f: {  	_ =	shalt  }
0x60: {  	_ =	shalt  }
0x61: {  	_ =	shalt  }
0x62: {  	_ =	shalt  }
0x63: {  	_ =	shalt  }
0x64: {  	_ =	shalt  }
0x65: {  	_ =	shalt  }
0x66: {  	_ =	shalt  }
0x67: {  	_ =	shalt  }
0x68: {  	_ =	shalt  }
0x69: {  	_ =	shalt  }
0x6a: {  	_ =	shalt  }
0x6b: {  	_ =	shalt  }
0x6c: {  	_ =	shalt  }
0x6d: {  	_ =	shalt  }
0x6e: {  	_ =	shalt  }
0x6f: {  	_ =	shalt  }
0x70: {  	_ =	shalt  }
0x71: {  	_ =	shalt  }
0x72: {  	_ =	shalt  }
0x73: {  	_ =	shalt  }
0x74: {  	_ =	shalt  }
0x75: {  	_ =	shalt  }
0x76: {  	_ =	shalt  }
0x77: {  	_ =	shalt  }
0x78: {  	_ =	shalt  }
0x79: {  	_ =	shalt  }
0x7a: {  	_ =	shalt  }
0x7b: {  	_ =	shalt  }
0x7c: {  	_ =	shalt  }
0x7d: {  	_ =	shalt  }
0x7e: {  	_ =	shalt  }
0x7f: {  	_ =	shalt  }
0x80: {  	_ =	shalt  }
0x81: {  	_ =	shalt  }
0x82: {  	_ =	shalt  }
0x83: {  	_ =	shalt  }
0x84: {  	_ =	shalt  }
0x85: {  	_ =	shalt  }
0x86: {  	_ =	shalt  }
0x87: {  	_ =	shalt  }
.Lfunc_end0:
.L_simem_size_0:
called_computation.1_lowered:
.L_overlay_start_0:
0x88: {  	s2 =	sld [smem:$0x3FD9]  }
0x89: {  	s3 =	sld [smem:$0x3FFE];
	_ =	sdelay $0x1  }
0x8a: {  	s1 =	srdreg.scid  }
0x8b: {  	s0 =	sand.u32 $0x1, s1  }
0x8c: {  	s17 =	sshll.u32 s0, $0xA;
	s2 =	sadd.s32 s3, s2  }
0x8d: {  	s2 =	sadd.s32 s2, s17  }
0x8e: {  	[smem:$0x3FB0] =	sst s2  }
0x8f: {  	_ = 	snop  }
0x90: {  	s2 =	sld [smem:$0x3FD0];
	(tm) =	ssettm $0x1  }
0x91: {  	s18 =	sld [smem:$0x3FFB];
	_ =	sdelay $0x3  }
0x92: {  	_ =	strace s18  }
0x93: {  	s3 =	sld [smem:$0x3FFC];
	_ =	sdelay $0x3  }
0x94: {  	_ =	strace s3  }
0x95: {  	s3 =	sld [smem:$0x3FFD];
	_ =	sdelay $0x3  }
0x96: {  	_ =	strace s3  }
0x97: {  	_ =	strace $0x8FFFFFFF  }
0x98: {  	s19 =	sld [smem:$0x3FDB];
	_ =	sdelay $0x1  }
0x99: {  	s4 =	simm.s32 $_scs_section_size  }
0x9a: {  	s5 =	simm.s32 $_size__tile_overlayer_lowered;
	s6 =	simm.s32 $_tile_overlayer_lowered  }
0x9b: {  	s22 =	simm.s32 $0x1BFF;
	s21 =	sshll.u32 s6, $0x1;
	s3 =	sadd.s32 s4, s19  }
0x9c: {  	s7 =	simm.s32 $0x0;
	s20 =	sshll.u32 s5, $0x1;
	s5 =	sadd.s32 s21, s3  }
0x9d: {  	[timem:s7], [sflag:s22] =	dma.local [hbm:s5], s20  }
0x9e: {  	_ =	swait.ge [sflag:s22], s20  }
0x9f: {  	s4 =	ssub.s32 $0x0, s20;
	[sflag:s22] =	ssyncset.done $0x0  }
0xa0: {  	[sflag:s22] =	ssyncadd.s32 s4;
	_ =	sdelay $0x1  }
0xa1: {  	s23 =	simm.s32 $0x1B8B  }
0xa2: {  	_ =	swait.ge [sflag:s23], $0x1  }
0xa3: {  	[sflag:s23] =	ssyncset.done $0x0  }
0xa4: {  	s25 =	simm.s32 $0x1B8E;
	s24 =	sld [smem:$0x3FFE];
	[sflag:s23] =	ssyncadd.s32 $0xFFFFFFFF  }
0xa5: {  	s26 =	simm.s32 $execute0_lowered;
	[smem:$0x3FD2] =	sst s25  }
0xa6: {  	s5 =	sshll.u32 s26, $0x1;
	_ =	strace $0x80000049;
	[dreg:$0x1] =	wrdreg $0xFFFFFFFF  }
0xa7: {  	s28 =	simm.s32 $_size_execute0_lowered;
	s3 =	sadd.s32 s3, s5;
	[dreg:$0x0] =	wrdreg $0x0  }
0xa8: {  	s5 =	sshll.u32 s28, $0x1;
	[dreg:$0x2] =	wrdreg s3  }
0xa9: {  	[dreg:$0x3] =	wrdreg s5  }
0xaa: {  	[dreg:$0x4] =	wrdreg $0xC0  }
0xab: {  	_ =	task [dreg:s7], $0x5FFFF  }
0xac: {  	[dreg:$0x1] =	wrdreg $0xFFFFFFFF  }
0xad: {  	[dreg:$0x0] =	wrdreg $0x60  }
0xae: {  	[dreg:$0x2] =	wrdreg s24  }
0xaf: {  	[dreg:$0x3] =	wrdreg s2  }
0xb0: {  	[dreg:$0x4] =	wrdreg $0x9  }
0xb1: {  	_ =	task.clear_ibuf [dreg:s7], $0x5FFFF;
	_ =	strace $0x90000049  }
0xb2: {  	s29 =	simm.s32 $0x9;
	_ =	strace $0x8000004B  }
0xb3: {  	_ =	swait.ge [sflag:s29], $0x1  }
0xb4: {  	[sflag:s29] =	ssyncadd.s32 $0xFFFFFFFF  }
0xb5: {  	_ =	strace $0x9000004B  }
0xb6: {  	_ =	sfence  }
0xb7: {  	s30 =	sld [smem:$0x0];
	_ =	sdelay $0x2  }
0xb8: {  	s31 =	sshll.u32 s1, $0xD;
	s1 =	sshrl.u32 s1, $0x2  }
0xb9: {  	s3 =	sand.u32 $0x4000, s31;
	s1 =	sadd.s32 s1, s30  }
0xba: {  	s0 =	sor.u32 s3, s0;
	s1 =	sshll.u32 s1, $0x11  }
0xbb: {  	s0 =	sor.u32 s1, s0  }
0xbc: {  	s0 =	sadd.s32 $0x8F2B, s0  }
0xbd: {  	[sflag:s0] =	ssyncadd.remote.s32 $0x1  }
0xbe: {  	_ =	sfence.sel $0xFFFF  }
0xbf: {  	[dreg:$0x0] =	wrdreg $0xFFFFFFFF;
	(pc) =	sbr.abs _section_cstart, $3  }
0xc0: {  	[dreg:$0x1] =	wrdreg $0xFFFFFFFF  }
0xc1: {  	_ =	task.clear_ibuf [dreg:s7], $0x2FFFF;
	_ =	strace $0x9FFFFFFF  }
0xc2: {  	(tm) =	ssettm $0x7FFFFFFF  }
0xc3: {  	_ =	shalt  }
tec
execute0_lowered:
.L_overlay_start_1:
0x0: {  	(tag) =	ssettag $0x1  }
0x1: {  	v0 =	vimm.f32 $+Inf;
	v1 =	vlaneseq.u32  }
0x2: {  	s1 =	srdreg.scid;
	s6 =	rddreg [dreg:$0x0];
	vm0 =	vmmov $0x1;
	vm1 =	vmxor vm1, vm1;
	v2 =	vor.u32 $0x100, v1  }
0x3: {  	s0 =	stileid.u32;
	s2 =	rddreg [dreg:$0x1];
	s8 =	simm.s32 $0x1;
	v3 =	vor.u32 $0x10, v1;
	v4 =	vor.u32 $0x110, v1;
	v5 =	vor.u32 $0x20, v1  }
0x4: {  	s10 =	simm.s32 $0x2;
	s11 =	simm.s32 $0x1000;
	s7 =	sand.u32 $0x1, s1;
	v6 =	vor.u32 $0x120, v1;
	v7 =	vor.u32 $0x30, v1;
	v8 =	vor.u32 $0x130, v1  }
0x5: {  	s12 =	simm.s32 $0x80;
	s3 =	sshll.u32 s0, $0x9;
	v9 =	vor.u32 $0x40, v1;
	v10 =	vor.u32 $0x140, v1;
	v11 =	vor.u32 $0x50, v1;
	s4 =	sshll.u32 s7, $0x8  }
0x6: {  	s13 =	simm.s32 $0x1080;
	s14 =	simm.s32 $0x0;
	v12 =	vor.u32 $0x150, v1;
	v13 =	vor.u32 $0x60, v1;
	v14 =	vor.u32 $0x160, v1;
	s3 =	sor.u32 s4, s3  }
0x7: {  	s1 =	rddreg [dreg:$0x2];
	v15 =	vor.u32 $0x70, v1;
	v16 =	vor.u32 $0x170, v1;
	v17 =	vor.u32 $0x80, v1;
	p1 =	seq.s32 s7, $0x1;
	p0 =	seq.s32 s3, $0x0  }
0x8: {  	v18 =	vor.u32 $0x180, v1;
	v19 =	vor.u32 $0x90, v1;
	s5 =	sadd.s32 $0x20000, s6;
	v20 =	vor.u32 $0x190, v1;
	s6 =	sadd.s32 $0xA0000, s6;
	p0 =	por !p0, !p1  }
0x9: {  	v21 =	vor.u32 $0xA0, v1;
	v22 =	vor.u32 $0x1A0, v1;
	v23 =	vor.u32 $0xB0, v1;
	s7 =	ssub.s32 $0x2, s7;
	s4 =	simm.s32 $0x0;
	p0 =	por !p0, !p0  }
0xa: {  	v24 =	vor.u32 $0x1B0, v1;
	v25 =	vor.u32 $0xC0, v1;
	v26 =	vor.u32 $0x1C0, v1;
	s9 =	sshrl.u32 s7, $0x1;
	[smem:$0x7FF] =	sst s4;
	s8 =	simm.s32 @!p0 $0x0  }
0xb: {  	v27 =	vor.u32 $0xD0, v1;
	v28 =	vor.u32 $0x1D0, v1;
	v29 =	vor.u32 $0xE0, v1;
	s9 =	ssub.s32 s7, s9;
	s7 =	simm.s32 $0x1;
	s8 =	ssub.s32 s0, s8  }
0xc: {  	v30 =	vor.u32 $0x1E0, v1;
	v31 =	vor.u32 $0xF0, v1;
	v32 =	vor.u32 $0x1F0, v1;
	_ =	strace $0x8000004A;
	s9 =	smax.u32 s9, $0x1;
	s8 =	sshll.u32 s8, $0x9  }
.LBB2_1:
0xd: {  	s15 =	simm.s32 $0x0  }
.LBB2_2:
0xe: {  	s16 =	sshll.u32 s15, $0x3  }
0xf: {  	s16 =	sadd.s32 s3, s16  }
0x10: {  	s17 =	sshll.u32 s16, $0x6  }
0x11: {  	s18 =	sadd.s32 s5, s17;
	s17 =	simm.s32 $0x0  }
0x12: {  	[tilespmem:s17], [sflag:$0x2] =	stream.linear.gather [hbm4b:s18+s17], $0x1000, $0x38;
	[tilespmem:$0x5080] =	vst v63  }
0x13: {  	_ =	swait.ge [sflag:s10], $0x1000  }
0x14: {  	[sflag:s10] =	ssyncset.done $0x0  }
0x15: {  	s18 =	simm.s32 $0x0;
	[sflag:s10] =	ssyncadd.s32 $0xFFFFF000  }
.LBB2_3:
0x16: {  	s19 =	sshll.u32 s18, $0x7  }
0x17: {  	s19 =	sand.u32 $0x3FFFFF80, s19  }
0x18: {  	v33 =	vld [tilespmem:s19+$0x0]  }
0x19: {  	v34 =	vld [tilespmem:s19+$0x800]  }
0x1a: {  	v35 =	vld [tilespmem:s19+$0x10]  }
0x1b: {  	v36 =	vld [tilespmem:s19+$0x810]  }
0x1c: {  	v37 =	vld [tilespmem:s19+$0x20]  }
0x1d: {  	v38 =	vld [tilespmem:s19+$0x820]  }
0x1e: {  	v53 =	vimm.s32 $0x0;
	v39 =	vld [tilespmem:s19+$0x30]  }
0x1f: {  	v56 =	vimm.s32 $0x0;
	v40 =	vld [tilespmem:s19+$0x830];
	vm2 =	vlt.f32 v33, $+Inf;
	vm3 =	vgt.f32 v33, $+Inf  }
0x20: {  	v41 =	vld [tilespmem:s19+$0x40];
	vm4 =	vlt.f32 v34, $+Inf;
	vm5 =	vgt.f32 v34, $+Inf;
	vm6 =	vmor vm3, vm2  }
0x21: {  	v57 =	vimm.s32 $0x0;
	v48 =	vld [tilespmem:s19+$0x840];
	vm13 =	vmor vm5, vm4;
	v33 =	vnsel vm6, $0x7F800000, v33  }
0x22: {  	v60 =	vimm.s32 $0x0;
	v49 =	vld [tilespmem:s19+$0x50];
	v34 =	vnsel vm13, $0x7F800000, v34;
	vm8 =	vlt.f32 v35, v33  }
0x23: {  	v61 =	vimm.s32 $0x0;
	v50 =	vld [tilespmem:s19+$0x850];
	vm11 =	vlt.f32 v36, v34;
	v33 =	vsel vm8, v35, v33  }
0x24: {  	v45 =	vimm.s32 $0x0;
	v51 =	vld [tilespmem:s19+$0x60];
	v34 =	vsel vm11, v36, v34;
	vm12 =	vlt.f32 v37, v33  }
0x25: {  	v46 =	vimm.s32 $0x0;
	v52 =	vld [tilespmem:s19+$0x860];
	vm5 =	vlt.f32 v38, v34;
	v33 =	vsel vm12, v37, v33  }
0x26: {  	v42 =	vimm.s32 $0x0;
	v54 =	vld [tilespmem:s19+$0x70];
	v34 =	vsel vm5, v38, v34;
	vm7 =	vlt.f32 v39, v33  }
0x27: {  	v55 =	vld [tilespmem:s19+$0x870];
	v43 =	vnsel vm13, $0x0, v2;
	vm2 =	vlt.f32 v40, v34;
	v33 =	vsel vm7, v39, v33  }
0x28: {  	v58 =	vld [tilespmem:s19+$0x400];
	v43 =	vsel vm11, v4, v43;
	v34 =	vsel vm2, v40, v34;
	vm9 =	vlt.f32 v41, v33  }
0x29: {  	v59 =	vld [tilespmem:s19+$0xC00];
	v43 =	vsel vm5, v6, v43;
	vm3 =	vlt.f32 v48, v34;
	v33 =	vsel vm9, v41, v33  }
0x2a: {  	v62 =	vld [tilespmem:s19+$0x410];
	v40 =	vsel vm9, $0xFFFFFFFF, v53;
	v34 =	vsel vm3, v48, v34;
	vm9 =	vlt.f32 v49, v33  }
0x2b: {  	v63 =	vld [tilespmem:s19+$0xC10];
	v53 =	vimm.s32 $0x0;
	vm10 =	vlt.f32 v50, v34;
	v41 =	vsel vm9, $0xFFFFFFFF, v56  }
0x2c: {  	v47 =	vld [tilespmem:s19+$0x420];
	v33 =	vsel vm9, v49, v33;
	v34 =	vsel vm10, v50, v34;
	v50 =	vimm.s32 $0x0  }
0x2d: {  	v48 =	vld [tilespmem:s19+$0xC20];
	v56 =	vnsel vm6, $0x0, v1;
	vm14 =	vlt.f32 v51, v33;
	vm15 =	vlt.f32 v52, v34  }
0x2e: {  	v49 =	vld [tilespmem:s19+$0x430];
	[tilespmem:$0x1FF60] =	vst v41;
	v41 =	vsel vm10, $0xFFFFFFFF, v57;
	v33 =	vsel vm14, v51, v33;
	v34 =	vsel vm15, v52, v34  }
0x2f: {  	v57 =	vld [tilespmem:s19+$0x450];
	v37 =	vsel vm14, $0xFFFFFFFF, v60;
	vm4 =	vlt.f32 v54, v33;
	vm9 =	vlt.f32 v55, v34  }
0x30: {  	v51 =	vld [tilespmem:s19+$0xC30];
	v39 =	vsel vm4, $0xFFFFFFFF, v45;
	v33 =	vsel vm4, v54, v33;
	v34 =	vsel vm9, v55, v34  }
0x31: {  	v52 =	vld [tilespmem:s19+$0x440];
	v54 =	vimm.s32 $0x0;
	[tilespmem:$0x1FFA0] =	vst v39;
	v39 =	vsel vm9, $0xFFFFFFFF, v46;
	vm4 =	vlt.f32 v58, v33  }
0x32: {  	[tilespmem:$0x1FF50] =	vst v40;
	v60 =	vld [tilespmem:s19+$0xC60];
	vm9 =	vlt.f32 v59, v34;
	v42 =	vsel vm4, $0xFFFFFFFF, v42;
	v33 =	vsel vm4, v58, v33  }
0x33: {  	v44 =	vld [tilespmem:$0x1FF60];
	v34 =	vsel vm9, v59, v34;
	[tilespmem:$0x1FFC0] =	vst v42;
	v42 =	vsel vm9, $0xFFFFFFFF, v50;
	vm4 =	vlt.f32 v62, v33  }
0x34: {  	v55 =	vld [tilespmem:s19+$0xC40];
	vm9 =	vlt.f32 v63, v34;
	[tilespmem:$0x1FFD0] =	vst v42;
	v42 =	vsel vm4, $0xFFFFFFFF, v53;
	v33 =	vsel vm4, v62, v33  }
0x35: {  	v58 =	vld [tilespmem:s19+$0xC50];
	v34 =	vsel vm9, v63, v34;
	[tilespmem:$0x1FFE0] =	vst v42;
	v42 =	vsel vm9, $0xFFFFFFFF, v54;
	vm14 =	vlt.f32 v47, v33  }
0x36: {  	v38 =	vsel vm8, v3, v56;
	vm10 =	vlt.f32 v48, v34;
	[tilespmem:$0x1FFF0] =	vst v42;
	v33 =	vsel vm14, v47, v33;
	v42 =	vld [tilespmem:$0x1FF50]  }
0x37: {  	v38 =	vsel vm12, v5, v38;
	v34 =	vsel vm10, v48, v34;
	v48 =	vld [tilespmem:$0x1FFA0];
	vm9 =	vlt.f32 v49, v33  }
0x38: {  	[tilespmem:$0x1FF80] =	vst v37;
	v37 =	vsel vm15, $0xFFFFFFFF, v61;
	v61 =	vld [tilespmem:s19+$0x470];
	vm13 =	vlt.f32 v51, v34;
	v33 =	vsel vm9, v49, v33  }
0x39: {  	[tilespmem:$0x1FF70] =	vst v41;
	v38 =	vsel vm7, v7, v38;
	v59 =	vld [tilespmem:s19+$0x460];
	v34 =	vsel vm13, v51, v34;
	vm11 =	vlt.f32 v52, v33  }
0x3a: {  	v45 =	vld [tilespmem:$0x1FF70];
	v63 =	vsel vm2, v8, v43;
	vm12 =	vlt.f32 v55, v34;
	v33 =	vsel vm11, v52, v33  }
0x3b: {  	v46 =	vld [tilespmem:$0x1FF80];
	v43 =	vsel vm3, v10, v63;
	v34 =	vsel vm12, v55, v34;
	vm8 =	vlt.f32 v57, v33  }
0x3c: {  	[tilespmem:$0x1FF90] =	vst v37;
	v62 =	vld [tilespmem:s19+$0xC70];
	vm7 =	vlt.f32 v58, v34;
	vm2 =	vnez.u8 v42;
	vm15 =	vnez.u8 v48  }
0x3d: {  	[tilespmem:$0x1FFB0] =	vst v39;
	v47 =	vld [tilespmem:$0x1FF90];
	v33 =	vsel vm8, v57, v33;
	v34 =	vsel vm7, v58, v34;
	v35 =	vsel vm2, v9, v38  }
0x3e: {  	v49 =	vld [tilespmem:$0x1FFB0];
	vm2 =	vnez.u8 v44;
	vm6 =	vlt.f32 v59, v33;
	vm5 =	vlt.f32 v60, v34  }
0x3f: {  	v50 =	vld [tilespmem:$0x1FFC0];
	v35 =	vsel vm2, v11, v35;
	vm2 =	vnez.u8 v45;
	v33 =	vsel vm6, v59, v33  }
0x40: {  	v51 =	vld [tilespmem:$0x1FFD0];
	v34 =	vsel vm5, v60, v34;
	v36 =	vsel vm2, v12, v43;
	vm2 =	vnez.u8 v46  }
0x41: {  	v52 =	vld [tilespmem:$0x1FFE0];
	vm4 =	vlt.f32 v61, v33;
	vm3 =	vlt.f32 v62, v34;
	v35 =	vsel vm2, v13, v35  }
0x42: {  	v53 =	vld [tilespmem:$0x1FFF0];
	vm2 =	vnez.u8 v47;
	v33 =	vsel vm4, v61, v33;
	v34 =	vsel vm3, v62, v34  }
0x43: {  	v36 =	vsel vm2, v14, v36;
	v35 =	vsel vm15, v15, v35;
	vm15 =	vnez.u8 v49  }
0x44: {  	vm2 =	vlt.f32 v34, v33;
	v36 =	vsel vm15, v16, v36;
	vm15 =	vnez.u8 v50  }
0x45: {  	v33 =	vsel vm2, v34, v33;
	v34 =	vsel vm15, v17, v35;
	vm15 =	vnez.u8 v51  }
0x46: {  	v35 =	vsel vm15, v18, v36;
	vm15 =	vnez.u8 v52  }
0x47: {  	(xrf0) =	vmin.scan.msk.f32 $0xffff, v33;
	v34 =	vsel vm15, v19, v34;
	vm15 =	vnez.u8 v53  }
0x48: {  	v35 =	vsel vm15, v20, v35  }
0x49: {  	v34 =	vsel vm14, v21, v34;
	v35 =	vsel vm10, v22, v35  }
0x4a: {  	v34 =	vsel vm9, v23, v34;
	v35 =	vsel vm13, v24, v35  }
0x4b: {  	v34 =	vsel vm11, v25, v34;
	v35 =	vsel vm12, v26, v35  }
0x4c: {  	v34 =	vsel vm8, v27, v34;
	v35 =	vsel vm7, v28, v35  }
0x4d: {  	v34 =	vsel vm6, v29, v34;
	v54, _, _ =	vpop (xrf0);
	v35 =	vsel vm5, v30, v35  }
0x4e: {  	v34 =	vsel vm4, v31, v34;
	v36 =	vbroadcast v54, $0xF;
	v35 =	vsel vm3, v32, v35  }
0x4f: {  	v34 =	vsel vm2, v35, v34  }
0x50: {  	vm2 =	veq.f32 v33, v36;
	v55 =	vxor.u32 $0x80000000, v34  }
0x51: {  	v33 =	vnsel vm2, $0x80000200, v55  }
0x52: {  	(xrf0) =	vmin.scan.msk.u32 $0xffff, v33;
	_ =	sdelay $0x5  }
0x53: {  	v33, _, _ =	vpop (xrf0)  }
0x54: {  	(v2sf) =	vpush v33, $0xF;
	_ =	sdelay $0xb  }
0x55: {  	p0 =	por $0x1, $0x1;
	vm2 =	vmmov vm1  }
0x56: {  	s20 =	sadd.s32 $0x0, s17;
	vm2 =	vmneg @p0 vm2  }
0x57: {  	v56 =	vmov s18;
	v57 =	vmov s20;
	s20 =	sadd.s32 $0xA, s20;
	vm2 =	vmand vm2, vm0  }
0x58: {  	v58 =	vmov s20;
	v33 =	vshll.u32 v56, $0x7;
	s31 =	spop (v2sf)  }
0x59: {  	v33 =	vand.u32 $0x380, v33;
	s20 =	sxor.u32 $0x80000000, s31  }
0x5a: {  	v33 =	vbroadcast v33, $0x0;
	v59 =	vmov s20;
	s20 =	sadd.s32 s8, s20  }
0x5b: {  	v60 =	vmov s20;
	v61 =	vand.u32 $0x7F, v59;
	v36 =	vshll.u32 v59, $0x3  }
0x5c: {  	[tilespmem:v57+s11+$0x0] =	vst.idx.msk $0x1, v60;
	v62 =	vand.u32 $0xFFFFFC00, v36;
	v63 =	vor.u32 v33, v61  }
0x5d: {  	s20 =	simm.s32 $0x1;
	[tilespmem:v58+s11+$0x0] =	vst.idx.msk vm2, v60;
	v34 =	vor.u32 v62, v63  }
.LBB2_4:
0x5e: {  	_ =	sdelay $0x3  }
0x5f: {  	p0 =	sne.s32 s20, $0x9;
	[tilespmem:v34+s4+$0x0] =	vst.idx.msk $0x1, v0;
	s21 =	smov.u32 s20;
	s20 =	sadd.s32 $0x1, s20  }
0x60: {  	v34 =	vld [tilespmem:s19+$0x0]  }
0x61: {  	v35 =	vld [tilespmem:s19+$0x800];
	_ =	sdelay $0x1  }
0x62: {  	v36 =	vld [tilespmem:s19+$0x10]  }
0x63: {  	v37 =	vld [tilespmem:s19+$0x810]  }
0x64: {  	vm2 =	vlt.f32 v34, $+Inf;
	vm3 =	vgt.f32 v34, $+Inf;
	v38 =	vld [tilespmem:s19+$0x20]  }
0x65: {  	vm2 =	vmor vm3, vm2;
	vm3 =	vlt.f32 v35, $+Inf;
	vm4 =	vgt.f32 v35, $+Inf;
	v39 =	vld [tilespmem:s19+$0x820]  }
0x66: {  	v34 =	vnsel vm2, $0x7F800000, v34;
	v40 =	vnsel vm2, $0x0, v1;
	vm2 =	vmor vm4, vm3;
	v41 =	vld [tilespmem:s19+$0x30]  }
0x67: {  	v35 =	vnsel vm2, $0x7F800000, v35;
	v42 =	vnsel vm2, $0x0, v2;
	vm2 =	vlt.f32 v36, v34;
	v43 =	vld [tilespmem:s19+$0x830]  }
0x68: {  	v34 =	vsel vm2, v36, v34;
	v36 =	vsel vm2, v3, v40;
	vm2 =	vlt.f32 v37, v35;
	v40 =	vld [tilespmem:s19+$0x40]  }
0x69: {  	v35 =	vsel vm2, v37, v35;
	v37 =	vsel vm2, v4, v42;
	vm2 =	vlt.f32 v38, v34;
	v42 =	vld [tilespmem:s19+$0x840]  }
0x6a: {  	v34 =	vsel vm2, v38, v34;
	v36 =	vsel vm2, v5, v36;
	vm2 =	vlt.f32 v39, v35;
	v38 =	vld [tilespmem:s19+$0x50]  }
0x6b: {  	v35 =	vsel vm2, v39, v35;
	v37 =	vsel vm2, v6, v37;
	vm2 =	vlt.f32 v41, v34;
	v39 =	vld [tilespmem:s19+$0x850]  }
0x6c: {  	v34 =	vsel vm2, v41, v34;
	v36 =	vsel vm2, v7, v36;
	vm2 =	vlt.f32 v43, v35;
	v41 =	vld [tilespmem:s19+$0x60]  }
0x6d: {  	v35 =	vsel vm2, v43, v35;
	v37 =	vsel vm2, v8, v37;
	vm2 =	vlt.f32 v40, v34;
	v43 =	vld [tilespmem:s19+$0x860]  }
0x6e: {  	v34 =	vsel vm2, v40, v34;
	v36 =	vsel vm2, v9, v36;
	vm2 =	vlt.f32 v42, v35;
	v40 =	vld [tilespmem:s19+$0x70]  }
0x6f: {  	v35 =	vsel vm2, v42, v35;
	v37 =	vsel vm2, v10, v37;
	vm2 =	vlt.f32 v38, v34;
	v42 =	vld [tilespmem:s19+$0x870]  }
0x70: {  	v34 =	vsel vm2, v38, v34;
	v36 =	vsel vm2, v11, v36;
	vm2 =	vlt.f32 v39, v35;
	v38 =	vld [tilespmem:s19+$0x400]  }
0x71: {  	v35 =	vsel vm2, v39, v35;
	v37 =	vsel vm2, v12, v37;
	vm2 =	vlt.f32 v41, v34;
	v39 =	vld [tilespmem:s19+$0xC00]  }
0x72: {  	v34 =	vsel vm2, v41, v34;
	v36 =	vsel vm2, v13, v36;
	vm2 =	vlt.f32 v43, v35;
	v41 =	vld [tilespmem:s19+$0x410]  }
0x73: {  	v35 =	vsel vm2, v43, v35;
	v37 =	vsel vm2, v14, v37;
	vm2 =	vlt.f32 v40, v34;
	v43 =	vld [tilespmem:s19+$0xC10]  }
0x74: {  	v34 =	vsel vm2, v40, v34;
	v36 =	vsel vm2, v15, v36;
	vm2 =	vlt.f32 v42, v35;
	v40 =	vld [tilespmem:s19+$0x420]  }
0x75: {  	v35 =	vsel vm2, v42, v35;
	v37 =	vsel vm2, v16, v37;
	vm2 =	vlt.f32 v38, v34;
	v42 =	vld [tilespmem:s19+$0xC20]  }
0x76: {  	v34 =	vsel vm2, v38, v34;
	v36 =	vsel vm2, v17, v36;
	vm2 =	vlt.f32 v39, v35;
	v38 =	vld [tilespmem:s19+$0x430]  }
0x77: {  	v35 =	vsel vm2, v39, v35;
	v37 =	vsel vm2, v18, v37;
	vm2 =	vlt.f32 v41, v34;
	v39 =	vld [tilespmem:s19+$0xC30]  }
0x78: {  	v34 =	vsel vm2, v41, v34;
	v36 =	vsel vm2, v19, v36;
	vm2 =	vlt.f32 v43, v35;
	v41 =	vld [tilespmem:s19+$0x440]  }
0x79: {  	v35 =	vsel vm2, v43, v35;
	v37 =	vsel vm2, v20, v37;
	vm2 =	vlt.f32 v40, v34;
	v43 =	vld [tilespmem:s19+$0xC40]  }
0x7a: {  	v34 =	vsel vm2, v40, v34;
	v36 =	vsel vm2, v21, v36;
	vm2 =	vlt.f32 v42, v35;
	v40 =	vld [tilespmem:s19+$0x450]  }
0x7b: {  	v35 =	vsel vm2, v42, v35;
	v37 =	vsel vm2, v22, v37;
	vm2 =	vlt.f32 v38, v34;
	v42 =	vld [tilespmem:s19+$0xC50]  }
0x7c: {  	v34 =	vsel vm2, v38, v34;
	v36 =	vsel vm2, v23, v36;
	vm2 =	vlt.f32 v39, v35;
	v38 =	vld [tilespmem:s19+$0x460]  }
0x7d: {  	v35 =	vsel vm2, v39, v35;
	v37 =	vsel vm2, v24, v37;
	vm2 =	vlt.f32 v41, v34;
	v39 =	vld [tilespmem:s19+$0xC60]  }
0x7e: {  	v34 =	vsel vm2, v41, v34;
	vm3 =	vlt.f32 v43, v35;
	v41 =	vld [tilespmem:s19+$0x470]  }
0x7f: {  	v35 =	vsel vm3, v43, v35;
	vm4 =	vlt.f32 v40, v34;
	v43 =	vld [tilespmem:s19+$0xC70]  }
0x80: {  	v34 =	vsel vm4, v40, v34;
	vm5 =	vlt.f32 v42, v35  }
0x81: {  	v36 =	vsel vm2, v25, v36;
	v35 =	vsel vm5, v42, v35;
	vm2 =	vlt.f32 v38, v34  }
0x82: {  	v36 =	vsel vm4, v27, v36;
	v34 =	vsel vm2, v38, v34;
	vm4 =	vlt.f32 v39, v35  }
0x83: {  	v37 =	vsel vm3, v26, v37;
	v35 =	vsel vm4, v39, v35;
	vm3 =	vlt.f32 v41, v34  }
0x84: {  	v37 =	vsel vm5, v28, v37;
	v36 =	vsel vm2, v29, v36;
	vm2 =	vlt.f32 v43, v35  }
0x85: {  	v37 =	vsel vm4, v30, v37;
	v34 =	vsel vm3, v41, v34;
	v35 =	vsel vm2, v43, v35  }
0x86: {  	v36 =	vsel vm3, v31, v36;
	v37 =	vsel vm2, v32, v37;
	vm2 =	vlt.f32 v35, v34  }
0x87: {  	v34 =	vsel vm2, v35, v34;
	v35 =	vsel vm2, v37, v36  }
0x88: {  	(xrf0) =	vmin.scan.msk.f32 $0xffff, v34;
	_ =	sdelay $0x5  }
0x89: {  	v36, _, _ =	vpop (xrf0)  }
0x8a: {  	v36 =	vbroadcast v36, $0xF;
	_ =	sdelay $0x1  }
0x8b: {  	vm2 =	veq.f32 v34, v36;
	v34 =	vxor.u32 $0x80000000, v35  }
0x8c: {  	v34 =	vnsel vm2, $0x80000200, v34  }
0x8d: {  	(xrf0) =	vmin.scan.msk.u32 $0xffff, v34;
	_ =	sdelay $0x5  }
0x8e: {  	v34, _, _ =	vpop (xrf0)  }
0x8f: {  	(v2sf) =	vpush v34, $0xF;
	_ =	sdelay $0xb  }
0x90: {  	p1 =	slt.u32 s21, $0x6;
	vm2 =	vmmov vm1  }
0x91: {  	s21 =	sadd.s32 s21, s17;
	vm2 =	vmneg @p1 vm2  }
0x92: {  	vm2 =	vmand vm2, vm0;
	v34 =	vmov s21;
	s21 =	sadd.s32 $0xA, s21  }
0x93: {  	v35 =	vmov s21;
	s21 =	spop (v2sf)  }
.Ltmp0:
0x94: {  	s21 =	sxor.u32 $0x80000000, s21;
	(pc) =	sbr.rel @p0 .LBB2_4-.Ltmp0, $4  }
0x95: {  	v36 =	vmov s21;
	s21 =	sadd.s32 s8, s21  }
0x96: {  	v37 =	vmov s21;
	v38 =	vand.u32 $0x7F, v36;
	v36 =	vshll.u32 v36, $0x3  }
0x97: {  	[tilespmem:v34+s11+$0x0] =	vst.idx.msk $0x1, v37;
	v34 =	vand.u32 $0xFFFFFC00, v36;
	v36 =	vor.u32 v33, v38  }
0x98: {  	[tilespmem:v35+s11+$0x0] =	vst.idx.msk vm2, v37;
	v34 =	vor.u32 v34, v36  }
0x99: {  	s18 =	sadd.s32 $0x1, s18  }
0x9a: {  	p0 =	sne.s32 s18, $0x8  }
.Ltmp1:
0x9b: {  	_ = 	snop;
	(pc) =	sbr.rel @p0 .LBB2_3-.Ltmp1, $2  }
0x9c: {  	_ =	sdelay $0x2  }
0x9d: {  	[tilespmem:v34+s4+$0x0] =	vst.idx.msk $0x1, v0;
	s17 =	sadd.s32 $0x10, s17  }
0x9e: {  	[tilespmem:s13], [sflag:$0x1] =	stream.indirect.gather [hbm4b:s2+s12], $0x80, s11, s12, $0xb8;
	[tilespmem:$0x5080] =	vst v63  }
0x9f: {  	s15 =	sadd.s32 $0x1, s15;
	_ =	swait.ge [sflag:s7], $0x4000  }
0xa0: {  	s16 =	sshll.u32 s16, $0x8;
	p0 =	sne.s32 s15, $0x20;
	[sflag:s7] =	ssyncset.done $0x0  }
.Ltmp2:
0xa1: {  	s16 =	sadd.s32 s6, s16;
	[sflag:s7] =	ssyncadd.s32 $0xFFFFC000;
	(pc) =	sbr.rel @p0 .LBB2_2-.Ltmp2, $4  }
0xa2: {  	[hbm4b:s16+s4] =	stream.linear.scatter [tilespmem:s13], [sflag:$0x2], $0x4000, $0x38;
	[tilespmem:$0x5080] =	vst v63  }
0xa3: {  	_ =	swait.ge [sflag:s10], $0x4000  }
0xa4: {  	[sflag:s10] =	ssyncset.done $0x0  }
0xa5: {  	[sflag:s10] =	ssyncadd.s32 $0xFFFFC000  }
0xa6: {  	s14 =	sadd.s32 $0x1, s14  }
0xa7: {  	p0 =	sne.s32 s14, s9  }
.Ltmp3:
0xa8: {  	_ = 	snop;
	(pc) =	sbr.rel @p0 .LBB2_1-.Ltmp3, $1  }
0xa9: {  	_ =	sdelay $0x3  }
0xaa: {  	_ =	sfence.sel $0x180000  }
0xab: {  	[bflag:$0x0] =	sbarrier.arrive $0xFFFF  }
0xac: {  	p0 =	sne.s32 s0, $0x0;
	_ =	strace $0x9000004A  }
0xad: {  	s0 =	sadd.s32 @!p0 $0x100000, s1;
	[bflag:$0x2] =	sbarrier.arrive $0xFFFF  }
0xae: {  	[sflag:s0] =	ssyncadd.tile.s32 @!p0 $0x1;
	_ =	shalt  }
.Lfunc_end2:
_tile_overlayer_lowered:
.L_overlay_start_2:
0xaf: {  	(tag) =	ssettag $0x2  }
0xb0: {  	s0 =	rddreg [dreg:$0x0];
	s2 =	stileid.u32  }
0xb1: {  	s1 =	rddreg [dreg:$0x1];
	p0 =	sne.s32 s2, $0x0  }
0xb2: {  	s3 =	rddreg [dreg:$0x2];
	[bflag:$0x3] =	sbarrier.arrive $0xFFFF;
	s2 =	simm.s32 @!p0 $0x1C02  }
0xb3: {  	[timem:s3], [sflag:s2] =	dma.local @!p0 [hbm:s0], s1  }
0xb4: {  	s0 =	simm.s32 @!p0 $0x2  }
0xb5: {  	_ =	swait.ge @!p0 [sflag:s0], s1  }
0xb6: {  	s1 =	ssub.s32 @!p0 $0x0, s1;
	[sflag:s0] =	ssyncset.done @!p0 $0x0  }
0xb7: {  	[sflag:s0] =	ssyncadd.s32 @!p0 s1  }
0xb8: {  	[bflag:$0x3] =	sbarrier.arrive $0xFFFF  }
0xb9: {  	_ =	shalt  }

// kernel: kernel.24.cloned.1.call-start
scs
__scs_entry_jumppad:
0x0: {  	(pc) =	sbr.rel $0x88, $3  }
0x1: {  	(tag) =	ssettag $0x0;
	lr =	simm.s32 $0x1  }
0x2: {  	[smem:$0x3F89] =	sst lr;
	_ =	strace $0xD0000000  }
0x3: {  	_ = 	snop  }
0x4: {  	_ = 	snop  }
0x5: {  	_ = 	snop  }
0x6: {  	_ = 	snop  }
0x7: {  	_ = 	snop  }
__scs_overlays_trampoline_lowered:
0x8: {  	[smem:$0x3F98] =	sst s0  }
0x9: {  	[smem:$0x3F99] =	sst s1  }
0xa: {  	[smem:$0x3F9A] =	sst s2  }
0xb: {  	[smem:$0x3F9B] =	sst s3  }
0xc: {  	[smem:$0x3F9C] =	sst s4  }
0xd: {  	[smem:$0x3F9D] =	sst s5  }
0xe: {  	[smem:$0x3F9E] =	sst s6  }
0xf: {  	[smem:$0x3F9F] =	sst s7  }
0x10: {  	[smem:$0x3FA0] =	sst s8  }
0x11: {  	[smem:$0x3FA1] =	sst s9;
	s0 =	simm.s32 @!p0 $0x0  }
0x12: {  	s1 =	sld [smem:$0x3F87];
	s0 =	simm.s32 @p0 $0x1  }
0x13: {  	[smem:$0x3FA2] =	sst s0;
	s0 =	simm.s32 @!p1 $0x0  }
0x14: {  	s2 =	sld [smem:$0x3F86];
	s0 =	simm.s32 @p1 $0x1  }
0x15: {  	[smem:$0x3FA3] =	sst s0;
	s0 =	simm.s32 @!p2 $0x0  }
0x16: {  	s3 =	sld [smem:$0x3FDB];
	s0 =	simm.s32 @p2 $0x1  }
0x17: {  	s4 =	simm.s32 $0x1BF5;
	[smem:$0x3FA5] =	sst s0  }
0x18: {  	s0 =	sld [smem:$0x3F88];
	_ =	swait.ge [sflag:s4], $0x0  }
0x19: {  	s7 =	sld [smem:$0x3F89]  }
0x1a: {  	s8 =	sadd.s32 $0xFFFFE003, lr  }
0x1b: {  	s9 =	sadd.s32 $0xFFFFFEF7, lr;
	s5 =	simm.s32 $0xFFFFFFFF;
	p2 =	slt.u32 s8, $0xFFFFF086  }
0x1c: {  	p1 =	slt.u32 s9, $0xF7A;
	s5 =	simm.s32 @!p2 $0x0  }
0x1d: {  	s5 =	simm.s32 @p1 $0x1;
	p0 =	seq.s32 s7, s2  }
0x1e: {  	s7 =	smul.u32 @!p0 $0xF7A, s2;
	p2 =	seq.s32 @!p0 s5, $0x0  }
0x1f: {  	s9 =	smul.u32 $0xF7A, s1;
	s8 =	simm.s32 @!p0 $0x1BF5;
	p2 =	por !p2, p0  }
0x20: {  	[sflag:s8] =	ssyncset.s32 @!p0 $0xFFFFF086;
	s6 =	sadd.s32 @!p0 s3, s7;
	s7 =	simm.s32 @!p0 $0x108  }
0x21: {  	s3 =	sadd.s32 s3, s9;
	s6 =	sadd.s32 @!p0 $0x88, s6;
	s7 =	simm.s32 @p2 $0x1082  }
0x22: {  	[simem:s7], [sflag:s8] =	dma.local @!p0 [hbm:s6], $0xF7A  }
0x23: {  	s9 =	sor.u32 $0xD0000000, s2;
	s6 =	simm.s32 $0x108;
	_ =	swait.ge @!p0 [sflag:s8], $0x0  }
0x24: {  	s3 =	sadd.s32 $0x88, s3;
	s6 =	simm.s32 @!p1 $0x1082;
	[sflag:s4] =	ssyncset.s32 $0xFFFFF086  }
0x25: {  	[simem:s6], [sflag:s4] =	dma.local [hbm:s3], $0xF7A  }
0x26: {  	[smem:$0x3F89] =	sst s1;
	(tag) =	ssettag s2;
	_ =	strace s9  }
0x27: {  	s1 =	sld [smem:$0x3F99]  }
0x28: {  	s2 =	sld [smem:$0x3F9A]  }
0x29: {  	s4 =	sld [smem:$0x3F9C]  }
0x2a: {  	p0 =	seq.s32 s5, $0x0;
	s5 =	sld [smem:$0x3F9D]  }
0x2b: {  	s6 =	sld [smem:$0x3F9E]  }
0x2c: {  	s7 =	sld [smem:$0x3F9F]  }
0x2d: {  	s3 =	simm.s32 $0x108;
	s8 =	sld [smem:$0x3FA0]  }
0x2e: {  	s3 =	simm.s32 @!p0 $0x1082;
	s9 =	sld [smem:$0x3FA1]  }
0x2f: {  	lr =	sadd.s32 s0, s3;
	s0 =	sld [smem:$0x3F98]  }
0x30: {  	s3 =	sld [smem:$0x3F9B]  }
0x31: {  	[smem:$0x3FA4] =	sst s10  }
0x32: {  	s10 =	sld [smem:$0x3FA2];
	_ =	sdelay $0x3  }
0x33: {  	p0 =	seq.s32 s10, $0x1;
	s10 =	sld [smem:$0x3FA4];
	_ =	sdelay $0x3  }
0x34: {  	[smem:$0x3FA4] =	sst s10  }
0x35: {  	s10 =	sld [smem:$0x3FA3];
	_ =	sdelay $0x3  }
0x36: {  	p1 =	seq.s32 s10, $0x1;
	s10 =	sld [smem:$0x3FA4];
	_ =	sdelay $0x3  }
0x37: {  	[smem:$0x3FA4] =	sst s10  }
0x38: {  	s10 =	sld [smem:$0x3FA5]  }
0x39: {  	_ = 	snop;
	(pc) =	sbr.ind lr, $3  }
0x3a: {  	_ = 	snop  }
0x3b: {  	_ = 	snop  }
0x3c: {  	p2 =	seq.s32 s10, $0x1;
	s10 =	sld [smem:$0x3FA4]  }
0x3d: {  	_ =	shalt  }
0x3e: {  	_ =	shalt  }
0x3f: {  	_ =	shalt  }
0x40: {  	_ =	shalt  }
0x41: {  	_ =	shalt  }
0x42: {  	_ =	shalt  }
0x43: {  	_ =	shalt  }
0x44: {  	_ =	shalt  }
0x45: {  	_ =	shalt  }
0x46: {  	_ =	shalt  }
0x47: {  	_ =	shalt  }
0x48: {  	_ =	shalt  }
0x49: {  	_ =	shalt  }
0x4a: {  	_ =	shalt  }
0x4b: {  	_ =	shalt  }
0x4c: {  	_ =	shalt  }
0x4d: {  	_ =	shalt  }
0x4e: {  	_ =	shalt  }
0x4f: {  	_ =	shalt  }
0x50: {  	_ =	shalt  }
0x51: {  	_ =	shalt  }
0x52: {  	_ =	shalt  }
0x53: {  	_ =	shalt  }
0x54: {  	_ =	shalt  }
0x55: {  	_ =	shalt  }
0x56: {  	_ =	shalt  }
0x57: {  	_ =	shalt  }
0x58: {  	_ =	shalt  }
0x59: {  	_ =	shalt  }
0x5a: {  	_ =	shalt  }
0x5b: {  	_ =	shalt  }
0x5c: {  	_ =	shalt  }
0x5d: {  	_ =	shalt  }
0x5e: {  	_ =	shalt  }
0x5f: {  	_ =	shalt  }
0x60: {  	_ =	shalt  }
0x61: {  	_ =	shalt  }
0x62: {  	_ =	shalt  }
0x63: {  	_ =	shalt  }
0x64: {  	_ =	shalt  }
0x65: {  	_ =	shalt  }
0x66: {  	_ =	shalt  }
0x67: {  	_ =	shalt  }
0x68: {  	_ =	shalt  }
0x69: {  	_ =	shalt  }
0x6a: {  	_ =	shalt  }
0x6b: {  	_ =	shalt  }
0x6c: {  	_ =	shalt  }
0x6d: {  	_ =	shalt  }
0x6e: {  	_ =	shalt  }
0x6f: {  	_ =	shalt  }
0x70: {  	_ =	shalt  }
0x71: {  	_ =	shalt  }
0x72: {  	_ =	shalt  }
0x73: {  	_ =	shalt  }
0x74: {  	_ =	shalt  }
0x75: {  	_ =	shalt  }
0x76: {  	_ =	shalt  }
0x77: {  	_ =	shalt  }
0x78: {  	_ =	shalt  }
0x79: {  	_ =	shalt  }
0x7a: {  	_ =	shalt  }
0x7b: {  	_ =	shalt  }
0x7c: {  	_ =	shalt  }
0x7d: {  	_ =	shalt  }
0x7e: {  	_ =	shalt  }
0x7f: {  	_ =	shalt  }
0x80: {  	_ =	shalt  }
0x81: {  	_ =	shalt  }
0x82: {  	_ =	shalt  }
0x83: {  	_ =	shalt  }
0x84: {  	_ =	shalt  }
0x85: {  	_ =	shalt  }
0x86: {  	_ =	shalt  }
0x87: {  	_ =	shalt  }
.Lfunc_end0:
.L_simem_size_0:
called_computation.2_lowered:
.L_overlay_start_0:
0x88: {  	s2 =	sld [smem:$0x3FD9]  }
0x89: {  	s3 =	sld [smem:$0x3FFE];
	_ =	sdelay $0x1  }
0x8a: {  	s1 =	srdreg.scid  }
0x8b: {  	s0 =	sand.u32 $0x1, s1  }
0x8c: {  	s17 =	sshll.u32 s0, $0xA;
	s2 =	sadd.s32 s3, s2  }
0x8d: {  	s2 =	sadd.s32 s2, s17  }
0x8e: {  	[smem:$0x3FB0] =	sst s2  }
0x8f: {  	_ = 	snop  }
0x90: {  	s2 =	sld [smem:$0x3FD0];
	(tm) =	ssettm $0x1  }
0x91: {  	s18 =	sld [smem:$0x3FFB];
	_ =	sdelay $0x3  }
0x92: {  	_ =	strace s18  }
0x93: {  	s3 =	sld [smem:$0x3FFC];
	_ =	sdelay $0x3  }
0x94: {  	_ =	strace s3  }
0x95: {  	s3 =	sld [smem:$0x3FFD];
	_ =	sdelay $0x3  }
0x96: {  	_ =	strace s3  }
0x97: {  	_ =	strace $0x8FFFFFFF  }
0x98: {  	s19 =	sld [smem:$0x3FDB];
	_ =	sdelay $0x1  }
0x99: {  	s4 =	simm.s32 $_scs_section_size  }
0x9a: {  	s5 =	simm.s32 $_size__tile_overlayer_lowered;
	s6 =	simm.s32 $_tile_overlayer_lowered  }
0x9b: {  	s22 =	simm.s32 $0x1BFF;
	s21 =	sshll.u32 s6, $0x1;
	s3 =	sadd.s32 s4, s19  }
0x9c: {  	s7 =	simm.s32 $0x0;
	s20 =	sshll.u32 s5, $0x1;
	s5 =	sadd.s32 s21, s3  }
0x9d: {  	[timem:s7], [sflag:s22] =	dma.local [hbm:s5], s20  }
0x9e: {  	_ =	swait.ge [sflag:s22], s20  }
0x9f: {  	s4 =	ssub.s32 $0x0, s20;
	[sflag:s22] =	ssyncset.done $0x0  }
0xa0: {  	[sflag:s22] =	ssyncadd.s32 s4;
	_ =	sdelay $0x1  }
0xa1: {  	s23 =	simm.s32 $0x1B8B  }
0xa2: {  	_ =	swait.ge [sflag:s23], $0x1  }
0xa3: {  	[sflag:s23] =	ssyncset.done $0x0  }
0xa4: {  	s25 =	simm.s32 $0x1B8E;
	s24 =	sld [smem:$0x3FFE];
	[sflag:s23] =	ssyncadd.s32 $0xFFFFFFFF  }
0xa5: {  	s26 =	simm.s32 $execute0_lowered;
	[smem:$0x3FD2] =	sst s25  }
0xa6: {  	s5 =	sshll.u32 s26, $0x1;
	_ =	strace $0x8000004C;
	[dreg:$0x1] =	wrdreg $0xFFFFFFFF  }
0xa7: {  	s28 =	simm.s32 $_size_execute0_lowered;
	s3 =	sadd.s32 s3, s5;
	[dreg:$0x0] =	wrdreg $0x0  }
0xa8: {  	s5 =	sshll.u32 s28, $0x1;
	[dreg:$0x2] =	wrdreg s3  }
0xa9: {  	[dreg:$0x3] =	wrdreg s5  }
0xaa: {  	[dreg:$0x4] =	wrdreg $0xC0  }
0xab: {  	_ =	task [dreg:s7], $0x5FFFF  }
0xac: {  	[dreg:$0x1] =	wrdreg $0xFFFFFFFF  }
0xad: {  	[dreg:$0x0] =	wrdreg $0x60  }
0xae: {  	[dreg:$0x2] =	wrdreg s24  }
0xaf: {  	[dreg:$0x3] =	wrdreg s2  }
0xb0: {  	[dreg:$0x4] =	wrdreg $0x9  }
0xb1: {  	_ =	task.clear_ibuf [dreg:s7], $0x5FFFF;
	_ =	strace $0x9000004C  }
0xb2: {  	s29 =	simm.s32 $0x9;
	_ =	strace $0x8000004E  }
0xb3: {  	_ =	swait.ge [sflag:s29], $0x1  }
0xb4: {  	[sflag:s29] =	ssyncadd.s32 $0xFFFFFFFF  }
0xb5: {  	_ =	strace $0x9000004E  }
0xb6: {  	_ =	sfence  }
0xb7: {  	s30 =	sld [smem:$0x0];
	_ =	sdelay $0x2  }
0xb8: {  	s31 =	sshll.u32 s1, $0xD;
	s1 =	sshrl.u32 s1, $0x2  }
0xb9: {  	s3 =	sand.u32 $0x4000, s31;
	s1 =	sadd.s32 s1, s30  }
0xba: {  	s0 =	sor.u32 s3, s0;
	s1 =	sshll.u32 s1, $0x11  }
0xbb: {  	s0 =	sor.u32 s1, s0  }
0xbc: {  	s0 =	sadd.s32 $0x8F2B, s0  }
0xbd: {  	[sflag:s0] =	ssyncadd.remote.s32 $0x1  }
0xbe: {  	_ =	sfence.sel $0xFFFF  }
0xbf: {  	[dreg:$0x0] =	wrdreg $0xFFFFFFFF;
	(pc) =	sbr.abs _section_cstart, $3  }
0xc0: {  	[dreg:$0x1] =	wrdreg $0xFFFFFFFF  }
0xc1: {  	_ =	task.clear_ibuf [dreg:s7], $0x2FFFF;
	_ =	strace $0x9FFFFFFF  }
0xc2: {  	(tm) =	ssettm $0x7FFFFFFF  }
0xc3: {  	_ =	shalt  }
tec
execute0_lowered:
.L_overlay_start_1:
0x0: {  	(tag) =	ssettag $0x1  }
0x1: {  	v0 =	vimm.f32 $+Inf;
	v1 =	vlaneseq.u32  }
0x2: {  	s1 =	srdreg.scid;
	s6 =	rddreg [dreg:$0x0];
	vm0 =	vmmov $0x1;
	vm1 =	vmxor vm1, vm1;
	v2 =	vor.u32 $0x100, v1  }
0x3: {  	s0 =	stileid.u32;
	s2 =	rddreg [dreg:$0x1];
	s8 =	simm.s32 $0x1;
	v3 =	vor.u32 $0x10, v1;
	v4 =	vor.u32 $0x110, v1;
	v5 =	vor.u32 $0x20, v1  }
0x4: {  	s10 =	simm.s32 $0x2;
	s11 =	simm.s32 $0x1000;
	s7 =	sand.u32 $0x1, s1;
	v6 =	vor.u32 $0x120, v1;
	v7 =	vor.u32 $0x30, v1;
	v8 =	vor.u32 $0x130, v1  }
0x5: {  	s12 =	simm.s32 $0x80;
	s3 =	sshll.u32 s0, $0x9;
	v9 =	vor.u32 $0x40, v1;
	v10 =	vor.u32 $0x140, v1;
	v11 =	vor.u32 $0x50, v1;
	s4 =	sshll.u32 s7, $0x8  }
0x6: {  	s13 =	simm.s32 $0x1080;
	s14 =	simm.s32 $0x0;
	v12 =	vor.u32 $0x150, v1;
	v13 =	vor.u32 $0x60, v1;
	v14 =	vor.u32 $0x160, v1;
	s3 =	sor.u32 s4, s3  }
0x7: {  	s1 =	rddreg [dreg:$0x2];
	v15 =	vor.u32 $0x70, v1;
	v16 =	vor.u32 $0x170, v1;
	v17 =	vor.u32 $0x80, v1;
	p1 =	seq.s32 s7, $0x1;
	p0 =	seq.s32 s3, $0x0  }
0x8: {  	v18 =	vor.u32 $0x180, v1;
	v19 =	vor.u32 $0x90, v1;
	s5 =	sadd.s32 $0x20000, s6;
	v20 =	vor.u32 $0x190, v1;
	s6 =	sadd.s32 $0xA0000, s6;
	p0 =	por !p0, !p1  }
0x9: {  	v21 =	vor.u32 $0xA0, v1;
	v22 =	vor.u32 $0x1A0, v1;
	v23 =	vor.u32 $0xB0, v1;
	s7 =	ssub.s32 $0x2, s7;
	s4 =	simm.s32 $0x0;
	p0 =	por !p0, !p0  }
0xa: {  	v24 =	vor.u32 $0x1B0, v1;
	v25 =	vor.u32 $0xC0, v1;
	v26 =	vor.u32 $0x1C0, v1;
	s9 =	sshrl.u32 s7, $0x1;
	[smem:$0x7FF] =	sst s4;
	s8 =	simm.s32 @!p0 $0x0  }
0xb: {  	v27 =	vor.u32 $0xD0, v1;
	v28 =	vor.u32 $0x1D0, v1;
	v29 =	vor.u32 $0xE0, v1;
	s9 =	ssub.s32 s7, s9;
	s7 =	simm.s32 $0x1;
	s8 =	ssub.s32 s0, s8  }
0xc: {  	v30 =	vor.u32 $0x1E0, v1;
	v31 =	vor.u32 $0xF0, v1;
	v32 =	vor.u32 $0x1F0, v1;
	_ =	strace $0x8000004D;
	s9 =	smax.u32 s9, $0x1;
	s8 =	sshll.u32 s8, $0x9  }
.LBB2_1:
0xd: {  	s15 =	simm.s32 $0x0  }
.LBB2_2:
0xe: {  	s16 =	sshll.u32 s15, $0x3  }
0xf: {  	s16 =	sadd.s32 s3, s16  }
0x10: {  	s17 =	sshll.u32 s16, $0x6  }
0x11: {  	s18 =	sadd.s32 s5, s17;
	s17 =	simm.s32 $0x0  }
0x12: {  	[tilespmem:s17], [sflag:$0x2] =	stream.linear.gather [hbm4b:s18+s17], $0x1000, $0x38;
	[tilespmem:$0x5080] =	vst v63  }
0x13: {  	_ =	swait.ge [sflag:s10], $0x1000  }
0x14: {  	[sflag:s10] =	ssyncset.done $0x0  }
0x15: {  	s18 =	simm.s32 $0x0;
	[sflag:s10] =	ssyncadd.s32 $0xFFFFF000  }
.LBB2_3:
0x16: {  	s19 =	sshll.u32 s18, $0x7  }
0x17: {  	s19 =	sand.u32 $0x3FFFFF80, s19  }
0x18: {  	v33 =	vld [tilespmem:s19+$0x0]  }
0x19: {  	v34 =	vld [tilespmem:s19+$0x800]  }
0x1a: {  	v35 =	vld [tilespmem:s19+$0x10]  }
0x1b: {  	v36 =	vld [tilespmem:s19+$0x810]  }
0x1c: {  	v37 =	vld [tilespmem:s19+$0x20]  }
0x1d: {  	v38 =	vld [tilespmem:s19+$0x820]  }
0x1e: {  	v53 =	vimm.s32 $0x0;
	v39 =	vld [tilespmem:s19+$0x30]  }
0x1f: {  	v56 =	vimm.s32 $0x0;
	v40 =	vld [tilespmem:s19+$0x830];
	vm2 =	vlt.f32 v33, $+Inf;
	vm3 =	vgt.f32 v33, $+Inf  }
0x20: {  	v41 =	vld [tilespmem:s19+$0x40];
	vm4 =	vlt.f32 v34, $+Inf;
	vm5 =	vgt.f32 v34, $+Inf;
	vm6 =	vmor vm3, vm2  }
0x21: {  	v57 =	vimm.s32 $0x0;
	v48 =	vld [tilespmem:s19+$0x840];
	vm13 =	vmor vm5, vm4;
	v33 =	vnsel vm6, $0x7F800000, v33  }
0x22: {  	v60 =	vimm.s32 $0x0;
	v49 =	vld [tilespmem:s19+$0x50];
	v34 =	vnsel vm13, $0x7F800000, v34;
	vm8 =	vlt.f32 v35, v33  }
0x23: {  	v61 =	vimm.s32 $0x0;
	v50 =	vld [tilespmem:s19+$0x850];
	vm11 =	vlt.f32 v36, v34;
	v33 =	vsel vm8, v35, v33  }
0x24: {  	v45 =	vimm.s32 $0x0;
	v51 =	vld [tilespmem:s19+$0x60];
	v34 =	vsel vm11, v36, v34;
	vm12 =	vlt.f32 v37, v33  }
0x25: {  	v46 =	vimm.s32 $0x0;
	v52 =	vld [tilespmem:s19+$0x860];
	vm5 =	vlt.f32 v38, v34;
	v33 =	vsel vm12, v37, v33  }
0x26: {  	v42 =	vimm.s32 $0x0;
	v54 =	vld [tilespmem:s19+$0x70];
	v34 =	vsel vm5, v38, v34;
	vm7 =	vlt.f32 v39, v33  }
0x27: {  	v55 =	vld [tilespmem:s19+$0x870];
	v43 =	vnsel vm13, $0x0, v2;
	vm2 =	vlt.f32 v40, v34;
	v33 =	vsel vm7, v39, v33  }
0x28: {  	v58 =	vld [tilespmem:s19+$0x400];
	v43 =	vsel vm11, v4, v43;
	v34 =	vsel vm2, v40, v34;
	vm9 =	vlt.f32 v41, v33  }
0x29: {  	v59 =	vld [tilespmem:s19+$0xC00];
	v43 =	vsel vm5, v6, v43;
	vm3 =	vlt.f32 v48, v34;
	v33 =	vsel vm9, v41, v33  }
0x2a: {  	v62 =	vld [tilespmem:s19+$0x410];
	v40 =	vsel vm9, $0xFFFFFFFF, v53;
	v34 =	vsel vm3, v48, v34;
	vm9 =	vlt.f32 v49, v33  }
0x2b: {  	v63 =	vld [tilespmem:s19+$0xC10];
	v53 =	vimm.s32 $0x0;
	vm10 =	vlt.f32 v50, v34;
	v41 =	vsel vm9, $0xFFFFFFFF, v56  }
0x2c: {  	v47 =	vld [tilespmem:s19+$0x420];
	v33 =	vsel vm9, v49, v33;
	v34 =	vsel vm10, v50, v34;
	v50 =	vimm.s32 $0x0  }
0x2d: {  	v48 =	vld [tilespmem:s19+$0xC20];
	v56 =	vnsel vm6, $0x0, v1;
	vm14 =	vlt.f32 v51, v33;
	vm15 =	vlt.f32 v52, v34  }
0x2e: {  	v49 =	vld [tilespmem:s19+$0x430];
	[tilespmem:$0x1FF60] =	vst v41;
	v41 =	vsel vm10, $0xFFFFFFFF, v57;
	v33 =	vsel vm14, v51, v33;
	v34 =	vsel vm15, v52, v34  }
0x2f: {  	v57 =	vld [tilespmem:s19+$0x450];
	v37 =	vsel vm14, $0xFFFFFFFF, v60;
	vm4 =	vlt.f32 v54, v33;
	vm9 =	vlt.f32 v55, v34  }
0x30: {  	v51 =	vld [tilespmem:s19+$0xC30];
	v39 =	vsel vm4, $0xFFFFFFFF, v45;
	v33 =	vsel vm4, v54, v33;
	v34 =	vsel vm9, v55, v34  }
0x31: {  	v52 =	vld [tilespmem:s19+$0x440];
	v54 =	vimm.s32 $0x0;
	[tilespmem:$0x1FFA0] =	vst v39;
	v39 =	vsel vm9, $0xFFFFFFFF, v46;
	vm4 =	vlt.f32 v58, v33  }
0x32: {  	[tilespmem:$0x1FF50] =	vst v40;
	v60 =	vld [tilespmem:s19+$0xC60];
	vm9 =	vlt.f32 v59, v34;
	v42 =	vsel vm4, $0xFFFFFFFF, v42;
	v33 =	vsel vm4, v58, v33  }
0x33: {  	v44 =	vld [tilespmem:$0x1FF60];
	v34 =	vsel vm9, v59, v34;
	[tilespmem:$0x1FFC0] =	vst v42;
	v42 =	vsel vm9, $0xFFFFFFFF, v50;
	vm4 =	vlt.f32 v62, v33  }
0x34: {  	v55 =	vld [tilespmem:s19+$0xC40];
	vm9 =	vlt.f32 v63, v34;
	[tilespmem:$0x1FFD0] =	vst v42;
	v42 =	vsel vm4, $0xFFFFFFFF, v53;
	v33 =	vsel vm4, v62, v33  }
0x35: {  	v58 =	vld [tilespmem:s19+$0xC50];
	v34 =	vsel vm9, v63, v34;
	[tilespmem:$0x1FFE0] =	vst v42;
	v42 =	vsel vm9, $0xFFFFFFFF, v54;
	vm14 =	vlt.f32 v47, v33  }
0x36: {  	v38 =	vsel vm8, v3, v56;
	vm10 =	vlt.f32 v48, v34;
	[tilespmem:$0x1FFF0] =	vst v42;
	v33 =	vsel vm14, v47, v33;
	v42 =	vld [tilespmem:$0x1FF50]  }
0x37: {  	v38 =	vsel vm12, v5, v38;
	v34 =	vsel vm10, v48, v34;
	v48 =	vld [tilespmem:$0x1FFA0];
	vm9 =	vlt.f32 v49, v33  }
0x38: {  	[tilespmem:$0x1FF80] =	vst v37;
	v37 =	vsel vm15, $0xFFFFFFFF, v61;
	v61 =	vld [tilespmem:s19+$0x470];
	vm13 =	vlt.f32 v51, v34;
	v33 =	vsel vm9, v49, v33  }
0x39: {  	[tilespmem:$0x1FF70] =	vst v41;
	v38 =	vsel vm7, v7, v38;
	v59 =	vld [tilespmem:s19+$0x460];
	v34 =	vsel vm13, v51, v34;
	vm11 =	vlt.f32 v52, v33  }
0x3a: {  	v45 =	vld [tilespmem:$0x1FF70];
	v63 =	vsel vm2, v8, v43;
	vm12 =	vlt.f32 v55, v34;
	v33 =	vsel vm11, v52, v33  }
0x3b: {  	v46 =	vld [tilespmem:$0x1FF80];
	v43 =	vsel vm3, v10, v63;
	v34 =	vsel vm12, v55, v34;
	vm8 =	vlt.f32 v57, v33  }
0x3c: {  	[tilespmem:$0x1FF90] =	vst v37;
	v62 =	vld [tilespmem:s19+$0xC70];
	vm7 =	vlt.f32 v58, v34;
	vm2 =	vnez.u8 v42;
	vm15 =	vnez.u8 v48  }
0x3d: {  	[tilespmem:$0x1FFB0] =	vst v39;
	v47 =	vld [tilespmem:$0x1FF90];
	v33 =	vsel vm8, v57, v33;
	v34 =	vsel vm7, v58, v34;
	v35 =	vsel vm2, v9, v38  }
0x3e: {  	v49 =	vld [tilespmem:$0x1FFB0];
	vm2 =	vnez.u8 v44;
	vm6 =	vlt.f32 v59, v33;
	vm5 =	vlt.f32 v60, v34  }
0x3f: {  	v50 =	vld [tilespmem:$0x1FFC0];
	v35 =	vsel vm2, v11, v35;
	vm2 =	vnez.u8 v45;
	v33 =	vsel vm6, v59, v33  }
0x40: {  	v51 =	vld [tilespmem:$0x1FFD0];
	v34 =	vsel vm5, v60, v34;
	v36 =	vsel vm2, v12, v43;
	vm2 =	vnez.u8 v46  }
0x41: {  	v52 =	vld [tilespmem:$0x1FFE0];
	vm4 =	vlt.f32 v61, v33;
	vm3 =	vlt.f32 v62, v34;
	v35 =	vsel vm2, v13, v35  }
0x42: {  	v53 =	vld [tilespmem:$0x1FFF0];
	vm2 =	vnez.u8 v47;
	v33 =	vsel vm4, v61, v33;
	v34 =	vsel vm3, v62, v34  }
0x43: {  	v36 =	vsel vm2, v14, v36;
	v35 =	vsel vm15, v15, v35;
	vm15 =	vnez.u8 v49  }
0x44: {  	vm2 =	vlt.f32 v34, v33;
	v36 =	vsel vm15, v16, v36;
	vm15 =	vnez.u8 v50  }
0x45: {  	v33 =	vsel vm2, v34, v33;
	v34 =	vsel vm15, v17, v35;
	vm15 =	vnez.u8 v51  }
0x46: {  	v35 =	vsel vm15, v18, v36;
	vm15 =	vnez.u8 v52  }
0x47: {  	(xrf0) =	vmin.scan.msk.f32 $0xffff, v33;
	v34 =	vsel vm15, v19, v34;
	vm15 =	vnez.u8 v53  }
0x48: {  	v35 =	vsel vm15, v20, v35  }
0x49: {  	v34 =	vsel vm14, v21, v34;
	v35 =	vsel vm10, v22, v35  }
0x4a: {  	v34 =	vsel vm9, v23, v34;
	v35 =	vsel vm13, v24, v35  }
0x4b: {  	v34 =	vsel vm11, v25, v34;
	v35 =	vsel vm12, v26, v35  }
0x4c: {  	v34 =	vsel vm8, v27, v34;
	v35 =	vsel vm7, v28, v35  }
0x4d: {  	v34 =	vsel vm6, v29, v34;
	v54, _, _ =	vpop (xrf0);
	v35 =	vsel vm5, v30, v35  }
0x4e: {  	v34 =	vsel vm4, v31, v34;
	v36 =	vbroadcast v54, $0xF;
	v35 =	vsel vm3, v32, v35  }
0x4f: {  	v34 =	vsel vm2, v35, v34  }
0x50: {  	vm2 =	veq.f32 v33, v36;
	v55 =	vxor.u32 $0x80000000, v34  }
0x51: {  	v33 =	vnsel vm2, $0x80000200, v55  }
0x52: {  	(xrf0) =	vmin.scan.msk.u32 $0xffff, v33;
	_ =	sdelay $0x5  }
0x53: {  	v33, _, _ =	vpop (xrf0)  }
0x54: {  	(v2sf) =	vpush v33, $0xF;
	_ =	sdelay $0xb  }
0x55: {  	p0 =	por $0x1, $0x1;
	vm2 =	vmmov vm1  }
0x56: {  	s20 =	sadd.s32 $0x0, s17;
	vm2 =	vmneg @p0 vm2  }
0x57: {  	v56 =	vmov s18;
	v57 =	vmov s20;
	s20 =	sadd.s32 $0xA, s20;
	vm2 =	vmand vm2, vm0  }
0x58: {  	v58 =	vmov s20;
	v33 =	vshll.u32 v56, $0x7;
	s31 =	spop (v2sf)  }
0x59: {  	v33 =	vand.u32 $0x380, v33;
	s20 =	sxor.u32 $0x80000000, s31  }
0x5a: {  	v33 =	vbroadcast v33, $0x0;
	v59 =	vmov s20;
	s20 =	sadd.s32 s8, s20  }
0x5b: {  	v60 =	vmov s20;
	v61 =	vand.u32 $0x7F, v59;
	v36 =	vshll.u32 v59, $0x3  }
0x5c: {  	[tilespmem:v57+s11+$0x0] =	vst.idx.msk $0x1, v60;
	v62 =	vand.u32 $0xFFFFFC00, v36;
	v63 =	vor.u32 v33, v61  }
0x5d: {  	s20 =	simm.s32 $0x1;
	[tilespmem:v58+s11+$0x0] =	vst.idx.msk vm2, v60;
	v34 =	vor.u32 v62, v63  }
.LBB2_4:
0x5e: {  	_ =	sdelay $0x3  }
0x5f: {  	p0 =	sne.s32 s20, $0x9;
	[tilespmem:v34+s4+$0x0] =	vst.idx.msk $0x1, v0;
	s21 =	smov.u32 s20;
	s20 =	sadd.s32 $0x1, s20  }
0x60: {  	v34 =	vld [tilespmem:s19+$0x0]  }
0x61: {  	v35 =	vld [tilespmem:s19+$0x800];
	_ =	sdelay $0x1  }
0x62: {  	v36 =	vld [tilespmem:s19+$0x10]  }
0x63: {  	v37 =	vld [tilespmem:s19+$0x810]  }
0x64: {  	vm2 =	vlt.f32 v34, $+Inf;
	vm3 =	vgt.f32 v34, $+Inf;
	v38 =	vld [tilespmem:s19+$0x20]  }
0x65: {  	vm2 =	vmor vm3, vm2;
	vm3 =	vlt.f32 v35, $+Inf;
	vm4 =	vgt.f32 v35, $+Inf;
	v39 =	vld [tilespmem:s19+$0x820]  }
0x66: {  	v34 =	vnsel vm2, $0x7F800000, v34;
	v40 =	vnsel vm2, $0x0, v1;
	vm2 =	vmor vm4, vm3;
	v41 =	vld [tilespmem:s19+$0x30]  }
0x67: {  	v35 =	vnsel vm2, $0x7F800000, v35;
	v42 =	vnsel vm2, $0x0, v2;
	vm2 =	vlt.f32 v36, v34;
	v43 =	vld [tilespmem:s19+$0x830]  }
0x68: {  	v34 =	vsel vm2, v36, v34;
	v36 =	vsel vm2, v3, v40;
	vm2 =	vlt.f32 v37, v35;
	v40 =	vld [tilespmem:s19+$0x40]  }
0x69: {  	v35 =	vsel vm2, v37, v35;
	v37 =	vsel vm2, v4, v42;
	vm2 =	vlt.f32 v38, v34;
	v42 =	vld [tilespmem:s19+$0x840]  }
0x6a: {  	v34 =	vsel vm2, v38, v34;
	v36 =	vsel vm2, v5, v36;
	vm2 =	vlt.f32 v39, v35;
	v38 =	vld [tilespmem:s19+$0x50]  }
0x6b: {  	v35 =	vsel vm2, v39, v35;
	v37 =	vsel vm2, v6, v37;
	vm2 =	vlt.f32 v41, v34;
	v39 =	vld [tilespmem:s19+$0x850]  }
0x6c: {  	v34 =	vsel vm2, v41, v34;
	v36 =	vsel vm2, v7, v36;
	vm2 =	vlt.f32 v43, v35;
	v41 =	vld [tilespmem:s19+$0x60]  }
0x6d: {  	v35 =	vsel vm2, v43, v35;
	v37 =	vsel vm2, v8, v37;
	vm2 =	vlt.f32 v40, v34;
	v43 =	vld [tilespmem:s19+$0x860]  }
0x6e: {  	v34 =	vsel vm2, v40, v34;
	v36 =	vsel vm2, v9, v36;
	vm2 =	vlt.f32 v42, v35;
	v40 =	vld [tilespmem:s19+$0x70]  }
0x6f: {  	v35 =	vsel vm2, v42, v35;
	v37 =	vsel vm2, v10, v37;
	vm2 =	vlt.f32 v38, v34;
	v42 =	vld [tilespmem:s19+$0x870]  }
0x70: {  	v34 =	vsel vm2, v38, v34;
	v36 =	vsel vm2, v11, v36;
	vm2 =	vlt.f32 v39, v35;
	v38 =	vld [tilespmem:s19+$0x400]  }
0x71: {  	v35 =	vsel vm2, v39, v35;
	v37 =	vsel vm2, v12, v37;
	vm2 =	vlt.f32 v41, v34;
	v39 =	vld [tilespmem:s19+$0xC00]  }
0x72: {  	v34 =	vsel vm2, v41, v34;
	v36 =	vsel vm2, v13, v36;
	vm2 =	vlt.f32 v43, v35;
	v41 =	vld [tilespmem:s19+$0x410]  }
0x73: {  	v35 =	vsel vm2, v43, v35;
	v37 =	vsel vm2, v14, v37;
	vm2 =	vlt.f32 v40, v34;
	v43 =	vld [tilespmem:s19+$0xC10]  }
0x74: {  	v34 =	vsel vm2, v40, v34;
	v36 =	vsel vm2, v15, v36;
	vm2 =	vlt.f32 v42, v35;
	v40 =	vld [tilespmem:s19+$0x420]  }
0x75: {  	v35 =	vsel vm2, v42, v35;
	v37 =	vsel vm2, v16, v37;
	vm2 =	vlt.f32 v38, v34;
	v42 =	vld [tilespmem:s19+$0xC20]  }
0x76: {  	v34 =	vsel vm2, v38, v34;
	v36 =	vsel vm2, v17, v36;
	vm2 =	vlt.f32 v39, v35;
	v38 =	vld [tilespmem:s19+$0x430]  }
0x77: {  	v35 =	vsel vm2, v39, v35;
	v37 =	vsel vm2, v18, v37;
	vm2 =	vlt.f32 v41, v34;
	v39 =	vld [tilespmem:s19+$0xC30]  }
0x78: {  	v34 =	vsel vm2, v41, v34;
	v36 =	vsel vm2, v19, v36;
	vm2 =	vlt.f32 v43, v35;
	v41 =	vld [tilespmem:s19+$0x440]  }
0x79: {  	v35 =	vsel vm2, v43, v35;
	v37 =	vsel vm2, v20, v37;
	vm2 =	vlt.f32 v40, v34;
	v43 =	vld [tilespmem:s19+$0xC40]  }
0x7a: {  	v34 =	vsel vm2, v40, v34;
	v36 =	vsel vm2, v21, v36;
	vm2 =	vlt.f32 v42, v35;
	v40 =	vld [tilespmem:s19+$0x450]  }
0x7b: {  	v35 =	vsel vm2, v42, v35;
	v37 =	vsel vm2, v22, v37;
	vm2 =	vlt.f32 v38, v34;
	v42 =	vld [tilespmem:s19+$0xC50]  }
0x7c: {  	v34 =	vsel vm2, v38, v34;
	v36 =	vsel vm2, v23, v36;
	vm2 =	vlt.f32 v39, v35;
	v38 =	vld [tilespmem:s19+$0x460]  }
0x7d: {  	v35 =	vsel vm2, v39, v35;
	v37 =	vsel vm2, v24, v37;
	vm2 =	vlt.f32 v41, v34;
	v39 =	vld [tilespmem:s19+$0xC60]  }
0x7e: {  	v34 =	vsel vm2, v41, v34;
	vm3 =	vlt.f32 v43, v35;
	v41 =	vld [tilespmem:s19+$0x470]  }
0x7f: {  	v35 =	vsel vm3, v43, v35;
	vm4 =	vlt.f32 v40, v34;
	v43 =	vld [tilespmem:s19+$0xC70]  }
0x80: {  	v34 =	vsel vm4, v40, v34;
	vm5 =	vlt.f32 v42, v35  }
0x81: {  	v36 =	vsel vm2, v25, v36;
	v35 =	vsel vm5, v42, v35;
	vm2 =	vlt.f32 v38, v34  }
0x82: {  	v36 =	vsel vm4, v27, v36;
	v34 =	vsel vm2, v38, v34;
	vm4 =	vlt.f32 v39, v35  }
0x83: {  	v37 =	vsel vm3, v26, v37;
	v35 =	vsel vm4, v39, v35;
	vm3 =	vlt.f32 v41, v34  }
0x84: {  	v37 =	vsel vm5, v28, v37;
	v36 =	vsel vm2, v29, v36;
	vm2 =	vlt.f32 v43, v35  }
0x85: {  	v37 =	vsel vm4, v30, v37;
	v34 =	vsel vm3, v41, v34;
	v35 =	vsel vm2, v43, v35  }
0x86: {  	v36 =	vsel vm3, v31, v36;
	v37 =	vsel vm2, v32, v37;
	vm2 =	vlt.f32 v35, v34  }
0x87: {  	v34 =	vsel vm2, v35, v34;
	v35 =	vsel vm2, v37, v36  }
0x88: {  	(xrf0) =	vmin.scan.msk.f32 $0xffff, v34;
	_ =	sdelay $0x5  }
0x89: {  	v36, _, _ =	vpop (xrf0)  }
0x8a: {  	v36 =	vbroadcast v36, $0xF;
	_ =	sdelay $0x1  }
0x8b: {  	vm2 =	veq.f32 v34, v36;
	v34 =	vxor.u32 $0x80000000, v35  }
0x8c: {  	v34 =	vnsel vm2, $0x80000200, v34  }
0x8d: {  	(xrf0) =	vmin.scan.msk.u32 $0xffff, v34;
	_ =	sdelay $0x5  }
0x8e: {  	v34, _, _ =	vpop (xrf0)  }
0x8f: {  	(v2sf) =	vpush v34, $0xF;
	_ =	sdelay $0xb  }
0x90: {  	p1 =	slt.u32 s21, $0x6;
	vm2 =	vmmov vm1  }
0x91: {  	s21 =	sadd.s32 s21, s17;
	vm2 =	vmneg @p1 vm2  }
0x92: {  	vm2 =	vmand vm2, vm0;
	v34 =	vmov s21;
	s21 =	sadd.s32 $0xA, s21  }
0x93: {  	v35 =	vmov s21;
	s21 =	spop (v2sf)  }
.Ltmp0:
0x94: {  	s21 =	sxor.u32 $0x80000000, s21;
	(pc) =	sbr.rel @p0 .LBB2_4-.Ltmp0, $4  }
0x95: {  	v36 =	vmov s21;
	s21 =	sadd.s32 s8, s21  }
0x96: {  	v37 =	vmov s21;
	v38 =	vand.u32 $0x7F, v36;
	v36 =	vshll.u32 v36, $0x3  }
0x97: {  	[tilespmem:v34+s11+$0x0] =	vst.idx.msk $0x1, v37;
	v34 =	vand.u32 $0xFFFFFC00, v36;
	v36 =	vor.u32 v33, v38  }
0x98: {  	[tilespmem:v35+s11+$0x0] =	vst.idx.msk vm2, v37;
	v34 =	vor.u32 v34, v36  }
0x99: {  	s18 =	sadd.s32 $0x1, s18  }
0x9a: {  	p0 =	sne.s32 s18, $0x8  }
.Ltmp1:
0x9b: {  	_ = 	snop;
	(pc) =	sbr.rel @p0 .LBB2_3-.Ltmp1, $2  }
0x9c: {  	_ =	sdelay $0x2  }
0x9d: {  	[tilespmem:v34+s4+$0x0] =	vst.idx.msk $0x1, v0;
	s17 =	sadd.s32 $0x10, s17  }
0x9e: {  	[tilespmem:s13], [sflag:$0x1] =	stream.indirect.gather [hbm4b:s2+s12], $0x80, s11, s12, $0xb8;
	[tilespmem:$0x5080] =	vst v63  }
0x9f: {  	s15 =	sadd.s32 $0x1, s15;
	_ =	swait.ge [sflag:s7], $0x4000  }
0xa0: {  	s16 =	sshll.u32 s16, $0x8;
	p0 =	sne.s32 s15, $0x20;
	[sflag:s7] =	ssyncset.done $0x0  }
.Ltmp2:
0xa1: {  	s16 =	sadd.s32 s6, s16;
	[sflag:s7] =	ssyncadd.s32 $0xFFFFC000;
	(pc) =	sbr.rel @p0 .LBB2_2-.Ltmp2, $4  }
0xa2: {  	[hbm4b:s16+s4] =	stream.linear.scatter [tilespmem:s13], [sflag:$0x2], $0x4000, $0x38;
	[tilespmem:$0x5080] =	vst v63  }
0xa3: {  	_ =	swait.ge [sflag:s10], $0x4000  }
0xa4: {  	[sflag:s10] =	ssyncset.done $0x0  }
0xa5: {  	[sflag:s10] =	ssyncadd.s32 $0xFFFFC000  }
0xa6: {  	s14 =	sadd.s32 $0x1, s14  }
0xa7: {  	p0 =	sne.s32 s14, s9  }
.Ltmp3:
0xa8: {  	_ = 	snop;
	(pc) =	sbr.rel @p0 .LBB2_1-.Ltmp3, $1  }
0xa9: {  	_ =	sdelay $0x3  }
0xaa: {  	_ =	sfence.sel $0x180000  }
0xab: {  	[bflag:$0x0] =	sbarrier.arrive $0xFFFF  }
0xac: {  	p0 =	sne.s32 s0, $0x0;
	_ =	strace $0x9000004D  }
0xad: {  	s0 =	sadd.s32 @!p0 $0x100000, s1;
	[bflag:$0x2] =	sbarrier.arrive $0xFFFF  }
0xae: {  	[sflag:s0] =	ssyncadd.tile.s32 @!p0 $0x1;
	_ =	shalt  }
.Lfunc_end2:
_tile_overlayer_lowered:
.L_overlay_start_2:
0xaf: {  	(tag) =	ssettag $0x2  }
0xb0: {  	s0 =	rddreg [dreg:$0x0];
	s2 =	stileid.u32  }
0xb1: {  	s1 =	rddreg [dreg:$0x1];
	p0 =	sne.s32 s2, $0x0  }
0xb2: {  	s3 =	rddreg [dreg:$0x2];
	[bflag:$0x3] =	sbarrier.arrive $0xFFFF;
	s2 =	simm.s32 @!p0 $0x1C02  }
0xb3: {  	[timem:s3], [sflag:s2] =	dma.local @!p0 [hbm:s0], s1  }
0xb4: {  	s0 =	simm.s32 @!p0 $0x2  }
0xb5: {  	_ =	swait.ge @!p0 [sflag:s0], s1  }
0xb6: {  	s1 =	ssub.s32 @!p0 $0x0, s1;
	[sflag:s0] =	ssyncset.done @!p0 $0x0  }
0xb7: {  	[sflag:s0] =	ssyncadd.s32 @!p0 s1  }
0xb8: {  	[bflag:$0x3] =	sbarrier.arrive $0xFFFF  }
0xb9: {  	_ =	shalt  }

</sc_bundles>
